<compile_context>
chip_gen: v7x
topology: tpu7x:2x2x1
jax: 0.10.2.dev20260603
libtpu: 0.0.44.dev20260713+nightly
codegen_flags: <defaults>
</compile_context>

<pallas_src>
import functools

import jax
import jax.numpy as jnp
import numpy as np
from jax import lax
from jax.experimental import pallas as pl
from jax.experimental.pallas import tpu as pltpu
from jax.experimental.pallas import tpu_sc as plsc

_N = 10000
_E = 320000
_D = 128
_DH = 64
_DE = 16
_NC = 2
_NS = 16
_NT = _NC * _NS
_EPT = _E // _NT
_C = 40
_NCH = _EPT // _C
_RPT = 640
_ZC = 40


def _tc_edge_embed(edge_attr_t, W_edge, b_edge):
    B = 3200

    def rne_hi16(v):
        b = lax.bitcast_convert_type(v, jnp.int32)
        return b + 0x7FFF + ((b >> 16) & 1)

    def body(a_ref, w_ref, b_ref, o_ref):
        acc = (
            lax.dot_general(
                a_ref[...], w_ref[...],
                dimension_numbers=(((0,), (0,)), ((), ())),
                preferred_element_type=jnp.float32,
            )
            + b_ref[...]
        )
        lo = rne_hi16(acc[:, :_DH])
        hi = rne_hi16(acc[:, _DH:])
        o_ref[...] = ((lo >> 16) & 0xFFFF) | (hi & jnp.int32(-65536))

    return pl.pallas_call(
        body,
        grid=(_E // B,),
        in_specs=[
            pl.BlockSpec((_DE, B), lambda i: (0, i)),
            pl.BlockSpec((_DE, _D), lambda i: (0, 0)),
            pl.BlockSpec((1, _D), lambda i: (0, 0)),
        ],
        out_specs=pl.BlockSpec((B, _DH), lambda i: (i, 0)),
        out_shape=jax.ShapeDtypeStruct((_E, _DH), jnp.int32),
    )(edge_attr_t, W_edge, b_edge.reshape(1, _D))


def _sc_edge_aggr(x, eidx, ep):
    mesh = plsc.VectorSubcoreMesh(core_axis_name="c", subcore_axis_name="s")

    @functools.partial(
        pl.kernel,
        out_type=jax.ShapeDtypeStruct((_NC, _N, _D), jnp.float32),
        mesh=mesh,
        scratch_types=[
            pltpu.VMEM_SHARED((_N, _D), jnp.float32),
            pltpu.VMEM((4, 2, _C), jnp.int32),
            pltpu.VMEM((2, _C, _D), jnp.float32),
            pltpu.VMEM((2, _C, _DH), jnp.int32),
            pltpu.VMEM((2, _C, _D), jnp.float32),
            pltpu.SemaphoreType.DMA((4,)),
            pltpu.SemaphoreType.DMA((2,)),
            pltpu.SemaphoreType.DMA((2,)),
            pltpu.SemaphoreType.DMA((2,)),
        ],
        compiler_params=pltpu.CompilerParams(needs_layout_passes=False),
    )
    def k(x_hbm, eidx_hbm, e_hbm, out_hbm,
          aggr, idr, xg, eb, mb, isem, gsem, esem, ssem):
        c = lax.axis_index("c")
        s = lax.axis_index("s")
        tid = c * _NS + s
        ebase = tid * _EPT

        nz = jnp.where(s == _NS - 1, (_N - (_NS - 1) * _RPT) // _ZC, _RPT // _ZC)

        def zrow(i, _):
            for j in range(_D // 16):
                mb[0, i, pl.ds(j * 16, 16)] = jnp.zeros((16,), jnp.float32)
            return 0

        lax.fori_loop(0, _C, zrow, 0)

        def zcopy(kk, _):
            pltpu.sync_copy(
                mb.at[0],
                aggr.at[pl.ds(s * _RPT + kk * _ZC, _ZC)],
            )
            return 0

        lax.fori_loop(0, nz, zcopy, 0)
        plsc.subcore_barrier()

        def start_idx(g):
            q = lax.rem(g, 4)
            off = ebase + g * _C
            pltpu.async_copy(eidx_hbm.at[pl.ds(off, _C)], idr.at[q, 0],
                             isem.at[q])
            pltpu.async_copy(eidx_hbm.at[pl.ds(_E + off, _C)], idr.at[q, 1],
                             isem.at[q])

        def wait_idx(g):
            q = lax.rem(g, 4)
            for r in range(2):
                pltpu.make_async_copy(
                    eidx_hbm.at[pl.ds(0, _C)], idr.at[q, r], isem.at[q]
                ).wait()

        def start_in(g, b):
            pltpu.async_copy(x_hbm.at[idr.at[lax.rem(g, 4), 0]], xg.at[b],
                             gsem.at[b])
            pltpu.async_copy(e_hbm.at[pl.ds(ebase + g * _C, _C)], eb.at[b],
                             esem.at[b])

        def wait_in(b):
            pltpu.make_async_copy(
                x_hbm.at[pl.ds(0, _C)], xg.at[b], gsem.at[b]
            ).wait()
            pltpu.make_async_copy(
                e_hbm.at[pl.ds(0, _C)], eb.at[b], esem.at[b]
            ).wait()

        def wait_scatter(b):
            pltpu.make_async_copy(
                mb.at[b], aggr.at[pl.ds(0, _C)], ssem.at[b]
            ).wait()

        for q in range(3):
            start_idx(q)
        wait_idx(0)
        start_in(0, 0)

        def step(i, _):
            for b in range(2):
                g = i * 2 + b

                @pl.when(g + 3 < _NCH)
                def _():
                    start_idx(g + 3)

                @pl.when(g + 1 < _NCH)
                def _():
                    wait_idx(g + 1)
                    start_in(g + 1, 1 - b)

                @pl.when(g >= 2)
                def _():
                    wait_scatter(b)

                wait_in(b)

                def row(r, _):
                    for rr in range(2):
                        rw = 2 * r + rr
                        for j in range(_DH // 16):
                            ue = eb[b, rw, pl.ds(j * 16, 16)]
                            el = plsc.bitcast(ue << 16, jnp.float32)
                            eh = plsc.bitcast(ue & jnp.int32(-65536),
                                              jnp.float32)
                            xl = xg[b, rw, pl.ds(j * 16, 16)]
                            xh = xg[b, rw, pl.ds(_DH + j * 16, 16)]
                            mb[b, rw, pl.ds(j * 16, 16)] = jnp.maximum(
                                xl + el, 0.0)
                            mb[b, rw, pl.ds(_DH + j * 16, 16)] = jnp.maximum(
                                xh + eh, 0.0)
                    return 0

                lax.fori_loop(0, _C // 2, row, 0)

                pltpu.async_copy(mb.at[b], aggr.at[idr.at[lax.rem(g, 4), 1]],
                                 ssem.at[b], add=True)
            return 0

        lax.fori_loop(0, _NCH // 2, step, 0)

        for b in range(2):
            wait_scatter(b)
        plsc.subcore_barrier()

        def wb(kk, _):
            pltpu.sync_copy(
                aggr.at[pl.ds(s * _RPT + kk * _ZC, _ZC)],
                out_hbm.at[c, pl.ds(s * _RPT + kk * _ZC, _ZC)],
            )
            return 0

        lax.fori_loop(0, nz, wb, 0)

    return k(x, eidx, ep)


def _tc_mlp(x, parts, W1, b1, W2, b2):
    R = 1000

    def body(x_ref, p_ref, w1_ref, b1_ref, w2_ref, b2_ref, o_ref):
        h = x_ref[...] + p_ref[0] + p_ref[1]
        t = jnp.maximum(
            jnp.dot(h, w1_ref[...], preferred_element_type=jnp.float32)
            + b1_ref[...],
            0.0,
        )
        o_ref[...] = (
            jnp.dot(t, w2_ref[...], preferred_element_type=jnp.float32)
            + b2_ref[...]
        )

    return pl.pallas_call(
        body,
        grid=(_N // R,),
        in_specs=[
            pl.BlockSpec((R, _D), lambda i: (i, 0)),
            pl.BlockSpec((_NC, R, _D), lambda i: (0, i, 0)),
            pl.BlockSpec((_D, _D), lambda i: (0, 0)),
            pl.BlockSpec((1, _D), lambda i: (0, 0)),
            pl.BlockSpec((_D, _D), lambda i: (0, 0)),
            pl.BlockSpec((1, _D), lambda i: (0, 0)),
        ],
        out_specs=pl.BlockSpec((R, _D), lambda i: (i, 0)),
        out_shape=jax.ShapeDtypeStruct((_N, _D), jnp.float32),
    )(x, parts, W1, b1.reshape(1, _D), W2, b2.reshape(1, _D))


def kernel(x, edge_index, edge_attr, W_edge, b_edge, W1, b1, W2, b2):
    eidx = edge_index.reshape(-1)
    ep = _tc_edge_embed(edge_attr.T, W_edge, b_edge)
    parts = _sc_edge_aggr(x, eidx, ep)
    return _tc_mlp(x, parts, W1, b1, W2, b2)

# --- scband reference (transcript-rebuilt; emitter-appended) ---
"""Pipeline reference for scband-eginconv-89567247991615 (READ-ONLY COPY).

The authoritative reference and input builder live on the scoring server;
editing this copy changes nothing except your own understanding.
"""

import jax, jax.numpy as jnp
import numpy as np

N = 10000
E = 320000
D_IN = 128
D_OUT = 128
D_EDGE = 16
EPS = 0.0  # GINEConv default eps=0.0, train_eps=False


def setup_inputs(seed: int = 0) -> dict:
    key = jax.random.key(seed)
    ks = jax.random.split(key, 9)
    x = jax.random.normal(ks[0], (N, D_IN), dtype=jnp.float32)
    edge_index = jax.random.randint(ks[1], (2, E), 0, N, dtype=jnp.int32)
    edge_attr = jax.random.normal(ks[2], (E, D_EDGE), dtype=jnp.float32)
    # GINEConv internal linear mapping edge_attr -> node feature dim
    W_edge = jax.random.normal(ks[3], (D_EDGE, D_IN), dtype=jnp.float32) * (1.0 / np.sqrt(D_EDGE))
    b_edge = jnp.zeros((D_IN,), dtype=jnp.float32)
    # gin_nn = Linear(dim_in, dim_out) -> ReLU -> Linear(dim_out, dim_out)
    W1 = jax.random.normal(ks[4], (D_IN, D_OUT), dtype=jnp.float32) * (1.0 / np.sqrt(D_IN))
    b1 = jnp.zeros((D_OUT,), dtype=jnp.float32)
    W2 = jax.random.normal(ks[5], (D_OUT, D_OUT), dtype=jnp.float32) * (1.0 / np.sqrt(D_OUT))
    b2 = jnp.zeros((D_OUT,), dtype=jnp.float32)
    return {"x": x, "edge_index": edge_index, "edge_attr": edge_attr,
            "W_edge": W_edge, "b_edge": b_edge,
            "W1": W1, "b1": b1, "W2": W2, "b2": b2}


def reference(x, edge_index, edge_attr, W_edge, b_edge, W1, b1, W2, b2):
    # PyG GINEConv: out = nn((1+eps)*x_i + sum_{j->i} ReLU(x_j + lin(e_ji)))
    src = edge_index[0]
    dst = edge_index[1]
    e = edge_attr @ W_edge + b_edge                      # [E, D_IN] edge embedding
    m = jax.nn.relu(x[src] + e)                          # gather + message
    aggr = jax.ops.segment_sum(m, dst, num_segments=N)   # scatter-add at destination
    h = (1.0 + EPS) * x + aggr
    out = jax.nn.relu(h @ W1 + b1) @ W2 + b2             # gin_nn MLP
    return out

if __name__ == "__main__":
    import jax
    _d = setup_inputs()
    print(jax.jit(kernel)(*tuple(_d.values())))

</pallas_src>

<mosaic_0001>
#map = affine_map<(d0, d1) -> (0, 0)>
#map1 = affine_map<(d0, d1) -> (0)>
#map2 = affine_map<(d0, d1) -> (0, 0, 0)>
module attributes {stable_mosaic.version = 14 : i64} {
  func.func @k(%arg0: i32, %arg1: i32, %arg2: memref<10000x128xf32, #tpu.memory_space<hbm>>, %arg3: memref<640000xi32, #tpu.memory_space<hbm>>, %arg4: memref<320000x64xi32, #tpu.memory_space<hbm>>, %arg5: memref<2x10000x128xf32, #tpu.memory_space<hbm>>, %arg6: memref<10000x128xf32, #tpu.memory_space<vmem_shared>>, %arg7: memref<4x2x40xi32, #tpu.memory_space<vmem>>, %arg8: memref<2x40x128xf32, #tpu.memory_space<vmem>>, %arg9: memref<2x40x64xi32, #tpu.memory_space<vmem>>, %arg10: memref<2x40x128xf32, #tpu.memory_space<vmem>>, %arg11: memref<4x!tpu.dma_semaphore, #tpu.memory_space<semaphore_mem>>, %arg12: memref<2x!tpu.dma_semaphore, #tpu.memory_space<semaphore_mem>>, %arg13: memref<2x!tpu.dma_semaphore, #tpu.memory_space<semaphore_mem>>, %arg14: memref<2x!tpu.dma_semaphore, #tpu.memory_space<semaphore_mem>>) attributes {dimension_semantics = [#tpu.dimension_semantics<core_parallel>, #tpu.dimension_semantics<subcore_parallel>], iteration_bounds = array<i64: 2, 16>, scalar_prefetch = 0 : i64, scratch_operands = 9 : i64, tpu.core_type = #tpu.core_type<sc_vector_subcore>, window_params = [{transform_indices = #map}, {transform_indices = #map1}, {transform_indices = #map}, {transform_indices = #map2}]} {
    %mul3A = arith.constant 16 : i32
    %mul3A_0 = arith.muli %arg0, %mul3A : i32
    %add3A = arith.addi %mul3A_0, %arg1 : i32
    %mul3A_1 = arith.constant 10000 : i32
    %mul3A_2 = arith.muli %add3A, %mul3A_1 : i32
    %eq3A = arith.constant 15 : i32
    %eq3A_3 = arith.cmpi eq, %arg1, %eq3A : i32
    %jit3A = arith.constant 10 : i32
    %jit3A_4 = arith.constant 16 : i32
    %select_n3A = arith.select %eq3A_3, %jit3A, %jit3A_4 : i32
    %scan3A = arith.constant 0 : i32
    %scan3A_5 = arith.constant 0 : i32
    %scan3A_6 = arith.constant 40 : i32
    %scan3A_7 = arith.addi %scan3A_5, %scan3A_6 : i32
    %scan3A_8 = arith.constant 1 : i32
    %scan3A_9 = scf.for %scan3A_227 = %scan3A_5 to %scan3A_7 step %scan3A_8 iter_args(%scan3A_228 = %scan3A) -> (i32)  : i32 {
      %broadcast_in_dim3A = arith.constant 0.000000e+00 : f32
      %broadcast_in_dim3A_229 = vector.broadcast %broadcast_in_dim3A : f32 to vector<16xf32>
      %swap3A = arith.constant 0 : i32
      %swap3A_230 = arith.index_cast %swap3A : i32 to index
      %swap3A_231 = arith.index_cast %scan3A_227 : i32 to index
      %swap3A_232 = arith.constant 0 : index
      %swap3A_233 = tpu.vector_load %arg10[%swap3A_230, %swap3A_231, %swap3A_232] {strides = array<i32>} : memref<2x40x128xf32, #tpu.memory_space<vmem>>, vector<16xf32>,
      tpu.vector_store %arg10[%swap3A_230, %swap3A_231, %swap3A_232], %broadcast_in_dim3A_229 {strides = array<i32>} : memref<2x40x128xf32, #tpu.memory_space<vmem>>, vector<16xf32>,
      %broadcast_in_dim3A_234 = arith.constant 0.000000e+00 : f32
      %broadcast_in_dim3A_235 = vector.broadcast %broadcast_in_dim3A_234 : f32 to vector<16xf32>
      %swap3A_236 = arith.constant 0 : i32
      %swap3A_237 = arith.index_cast %swap3A_236 : i32 to index
      %swap3A_238 = arith.index_cast %scan3A_227 : i32 to index
      %swap3A_239 = arith.constant 16 : index
      %swap3A_240 = tpu.vector_load %arg10[%swap3A_237, %swap3A_238, %swap3A_239] {strides = array<i32>} : memref<2x40x128xf32, #tpu.memory_space<vmem>>, vector<16xf32>,
      tpu.vector_store %arg10[%swap3A_237, %swap3A_238, %swap3A_239], %broadcast_in_dim3A_235 {strides = array<i32>} : memref<2x40x128xf32, #tpu.memory_space<vmem>>, vector<16xf32>,
      %broadcast_in_dim3A_241 = arith.constant 0.000000e+00 : f32
      %broadcast_in_dim3A_242 = vector.broadcast %broadcast_in_dim3A_241 : f32 to vector<16xf32>
      %swap3A_243 = arith.constant 0 : i32
      %swap3A_244 = arith.index_cast %swap3A_243 : i32 to index
      %swap3A_245 = arith.index_cast %scan3A_227 : i32 to index
      %swap3A_246 = arith.constant 32 : index
      %swap3A_247 = tpu.vector_load %arg10[%swap3A_244, %swap3A_245, %swap3A_246] {strides = array<i32>} : memref<2x40x128xf32, #tpu.memory_space<vmem>>, vector<16xf32>,
      tpu.vector_store %arg10[%swap3A_244, %swap3A_245, %swap3A_246], %broadcast_in_dim3A_242 {strides = array<i32>} : memref<2x40x128xf32, #tpu.memory_space<vmem>>, vector<16xf32>,
      %broadcast_in_dim3A_248 = arith.constant 0.000000e+00 : f32
      %broadcast_in_dim3A_249 = vector.broadcast %broadcast_in_dim3A_248 : f32 to vector<16xf32>
      %swap3A_250 = arith.constant 0 : i32
      %swap3A_251 = arith.index_cast %swap3A_250 : i32 to index
      %swap3A_252 = arith.index_cast %scan3A_227 : i32 to index
      %swap3A_253 = arith.constant 48 : index
      %swap3A_254 = tpu.vector_load %arg10[%swap3A_251, %swap3A_252, %swap3A_253] {strides = array<i32>} : memref<2x40x128xf32, #tpu.memory_space<vmem>>, vector<16xf32>,
      tpu.vector_store %arg10[%swap3A_251, %swap3A_252, %swap3A_253], %broadcast_in_dim3A_249 {strides = array<i32>} : memref<2x40x128xf32, #tpu.memory_space<vmem>>, vector<16xf32>,
      %broadcast_in_dim3A_255 = arith.constant 0.000000e+00 : f32
      %broadcast_in_dim3A_256 = vector.broadcast %broadcast_in_dim3A_255 : f32 to vector<16xf32>
      %swap3A_257 = arith.constant 0 : i32
      %swap3A_258 = arith.index_cast %swap3A_257 : i32 to index
      %swap3A_259 = arith.index_cast %scan3A_227 : i32 to index
      %swap3A_260 = arith.constant 64 : index
      %swap3A_261 = tpu.vector_load %arg10[%swap3A_258, %swap3A_259, %swap3A_260] {strides = array<i32>} : memref<2x40x128xf32, #tpu.memory_space<vmem>>, vector<16xf32>,
      tpu.vector_store %arg10[%swap3A_258, %swap3A_259, %swap3A_260], %broadcast_in_dim3A_256 {strides = array<i32>} : memref<2x40x128xf32, #tpu.memory_space<vmem>>, vector<16xf32>,
      %broadcast_in_dim3A_262 = arith.constant 0.000000e+00 : f32
      %broadcast_in_dim3A_263 = vector.broadcast %broadcast_in_dim3A_262 : f32 to vector<16xf32>
      %swap3A_264 = arith.constant 0 : i32
      %swap3A_265 = arith.index_cast %swap3A_264 : i32 to index
      %swap3A_266 = arith.index_cast %scan3A_227 : i32 to index
      %swap3A_267 = arith.constant 80 : index
      %swap3A_268 = tpu.vector_load %arg10[%swap3A_265, %swap3A_266, %swap3A_267] {strides = array<i32>} : memref<2x40x128xf32, #tpu.memory_space<vmem>>, vector<16xf32>,
      tpu.vector_store %arg10[%swap3A_265, %swap3A_266, %swap3A_267], %broadcast_in_dim3A_263 {strides = array<i32>} : memref<2x40x128xf32, #tpu.memory_space<vmem>>, vector<16xf32>,
      %broadcast_in_dim3A_269 = arith.constant 0.000000e+00 : f32
      %broadcast_in_dim3A_270 = vector.broadcast %broadcast_in_dim3A_269 : f32 to vector<16xf32>
      %swap3A_271 = arith.constant 0 : i32
      %swap3A_272 = arith.index_cast %swap3A_271 : i32 to index
      %swap3A_273 = arith.index_cast %scan3A_227 : i32 to index
      %swap3A_274 = arith.constant 96 : index
      %swap3A_275 = tpu.vector_load %arg10[%swap3A_272, %swap3A_273, %swap3A_274] {strides = array<i32>} : memref<2x40x128xf32, #tpu.memory_space<vmem>>, vector<16xf32>,
      tpu.vector_store %arg10[%swap3A_272, %swap3A_273, %swap3A_274], %broadcast_in_dim3A_270 {strides = array<i32>} : memref<2x40x128xf32, #tpu.memory_space<vmem>>, vector<16xf32>,
      %broadcast_in_dim3A_276 = arith.constant 0.000000e+00 : f32
      %broadcast_in_dim3A_277 = vector.broadcast %broadcast_in_dim3A_276 : f32 to vector<16xf32>
      %swap3A_278 = arith.constant 0 : i32
      %swap3A_279 = arith.index_cast %swap3A_278 : i32 to index
      %swap3A_280 = arith.index_cast %scan3A_227 : i32 to index
      %swap3A_281 = arith.constant 112 : index
      %swap3A_282 = tpu.vector_load %arg10[%swap3A_279, %swap3A_280, %swap3A_281] {strides = array<i32>} : memref<2x40x128xf32, #tpu.memory_space<vmem>>, vector<16xf32>,
      tpu.vector_store %arg10[%swap3A_279, %swap3A_280, %swap3A_281], %broadcast_in_dim3A_277 {strides = array<i32>} : memref<2x40x128xf32, #tpu.memory_space<vmem>>, vector<16xf32>,
      %scan3A_283 = arith.constant 0 : i32
      scf.yield %scan3A_283 : i32
    }
    %scan3A_10 = arith.constant 40 : i32
    %while3A = arith.constant 0 : i32
    %while3A_11 = arith.constant 0 : i32
    %while3A_12 = arith.subi %select_n3A, %while3A : i32
    %while3A_13 = arith.addi %while3A, %while3A_12 : i32
    %while3A_14 = arith.constant 1 : i32
    %while3A_15 = arith.divsi %while3A_12, %while3A_14 : i32
    %while3A_16 = arith.muli %while3A_15, %while3A_14 : i32
    %while3A_17 = arith.addi %while3A, %while3A_16 : i32
    %while3A_18 = arith.constant 1 : i32
    %while3A_19 = scf.for %while3A_227 = %while3A to %while3A_17 step %while3A_18 iter_args(%while3A_228 = %while3A_11) -> (i32)  : i32 {
      %mul3A_229 = arith.constant 640 : i32
      %mul3A_230 = arith.muli %arg1, %mul3A_229 : i32
      %mul3A_231 = arith.constant 40 : i32
      %mul3A_232 = arith.muli %while3A_227, %mul3A_231 : i32
      %add3A_233 = arith.addi %mul3A_230, %mul3A_232 : i32
      %run_scoped3A = arith.constant 0 : i32
      "tpu.region"() ({
        %run_scoped3A_235 = tpu.sem_alloc : memref<!tpu.dma_semaphore, #tpu.memory_space<semaphore_mem>>
        %dma_start3A_236 = arith.constant 0 : i32
        %dma_start3A_237 = arith.constant 0 : i32
        %dma_start3A_238 = tpu.memref_slice %arg10[%run_scoped3A, %dma_start3A_236, %dma_start3A_237] : memref<2x40x128xf32, #tpu.memory_space<vmem>> -> memref<1x40x128xf32, #tpu.memory_space<vmem>>
        %dma_start3A_239 = tpu.memref_squeeze %dma_start3A_238 : memref<1x40x128xf32, #tpu.memory_space<vmem>> -> memref<40x128xf32, #tpu.memory_space<vmem>>
        %dma_start3A_240 = arith.constant 0 : i32
        %dma_start3A_241 = tpu.memref_slice %arg6[%add3A_233, %dma_start3A_240] : memref<10000x128xf32, #tpu.memory_space<vmem_shared>> -> memref<40x128xf32, #tpu.memory_space<vmem_shared>>
        %dma_start3A_242 = arith.constant 0 : i32
        %dma_start3A_243 = tpu.memref_slice %arg6[%add3A_233, %dma_start3A_242] : memref<10000x128xf32, #tpu.memory_space<vmem_shared>> -> memref<40x128xf32, #tpu.memory_space<vmem_shared>>
        %dma_start3A_244 = arith.constant 0 : i32
        %dma_start3A_245 = arith.constant 0 : i32
        %dma_start3A_246 = tpu.memref_slice %arg10[%run_scoped3A, %dma_start3A_244, %dma_start3A_245] : memref<2x40x128xf32, #tpu.memory_space<vmem>> -> memref<1x40x128xf32, #tpu.memory_space<vmem>>
        %dma_start3A_247 = tpu.memref_squeeze %dma_start3A_246 : memref<1x40x128xf32, #tpu.memory_space<vmem>> -> memref<40x128xf32, #tpu.memory_space<vmem>>
        tpu.enqueue_dma source(%dma_start3A_247 : memref<40x128xf32, #tpu.memory_space<vmem>>) target(%dma_start3A_243 : memref<40x128xf32, #tpu.memory_space<vmem_shared>>) target_semaphore(%run_scoped3A_235 : memref<!tpu.dma_semaphore, #tpu.memory_space<semaphore_mem>>)
        %dma_wait3A_248 = arith.constant 0 : i32
        %dma_wait3A_249 = arith.constant 0 : i32
        %dma_wait3A_250 = tpu.memref_slice %arg10[%run_scoped3A, %dma_wait3A_248, %dma_wait3A_249] : memref<2x40x128xf32, #tpu.memory_space<vmem>> -> memref<1x40x128xf32, #tpu.memory_space<vmem>>
        %dma_wait3A_251 = tpu.memref_squeeze %dma_wait3A_250 : memref<1x40x128xf32, #tpu.memory_space<vmem>> -> memref<40x128xf32, #tpu.memory_space<vmem>>
        %dma_wait3A_252 = arith.constant 0 : i32
        %dma_wait3A_253 = tpu.memref_slice %arg6[%add3A_233, %dma_wait3A_252] : memref<10000x128xf32, #tpu.memory_space<vmem_shared>> -> memref<40x128xf32, #tpu.memory_space<vmem_shared>>
        %dma_wait3A_254 = arith.constant 0 : i32
        %dma_wait3A_255 = tpu.memref_slice %arg6[%add3A_233, %dma_wait3A_254] : memref<10000x128xf32, #tpu.memory_space<vmem_shared>> -> memref<40x128xf32, #tpu.memory_space<vmem_shared>>
        %dma_wait3A_256 = arith.constant 0 : i32
        %dma_wait3A_257 = arith.constant 0 : i32
        %dma_wait3A_258 = tpu.memref_slice %arg10[%run_scoped3A, %dma_wait3A_256, %dma_wait3A_257] : memref<2x40x128xf32, #tpu.memory_space<vmem>> -> memref<1x40x128xf32, #tpu.memory_space<vmem>>
        %dma_wait3A_259 = tpu.memref_squeeze %dma_wait3A_258 : memref<1x40x128xf32, #tpu.memory_space<vmem>> -> memref<40x128xf32, #tpu.memory_space<vmem>>
        tpu.wait_dma2 semaphore(%run_scoped3A_235 : memref<!tpu.dma_semaphore, #tpu.memory_space<semaphore_mem>>) src(%dma_wait3A_259 : memref<40x128xf32, #tpu.memory_space<vmem>>) dst(%dma_wait3A_255 : memref<40x128xf32, #tpu.memory_space<vmem_shared>>)
        tpu.yield
      }) : () -> ()
      %while3A_234 = arith.constant 0 : i32
      scf.yield %while3A_234 : i32
    }
    %while3A_20 = arith.constant 1 : i32
    %while3A_21 = scf.for %while3A_227 = %while3A_17 to %while3A_13 step %while3A_20 iter_args(%while3A_228 = %while3A_19) -> (i32)  : i32 {
      %mul3A_229 = arith.constant 640 : i32
      %mul3A_230 = arith.muli %arg1, %mul3A_229 : i32
      %mul3A_231 = arith.constant 40 : i32
      %mul3A_232 = arith.muli %while3A_227, %mul3A_231 : i32
      %add3A_233 = arith.addi %mul3A_230, %mul3A_232 : i32
      %run_scoped3A = arith.constant 0 : i32
      "tpu.region"() ({
        %run_scoped3A_235 = tpu.sem_alloc : memref<!tpu.dma_semaphore, #tpu.memory_space<semaphore_mem>>
        %dma_start3A_236 = arith.constant 0 : i32
        %dma_start3A_237 = arith.constant 0 : i32
        %dma_start3A_238 = tpu.memref_slice %arg10[%run_scoped3A, %dma_start3A_236, %dma_start3A_237] : memref<2x40x128xf32, #tpu.memory_space<vmem>> -> memref<1x40x128xf32, #tpu.memory_space<vmem>>
        %dma_start3A_239 = tpu.memref_squeeze %dma_start3A_238 : memref<1x40x128xf32, #tpu.memory_space<vmem>> -> memref<40x128xf32, #tpu.memory_space<vmem>>
        %dma_start3A_240 = arith.constant 0 : i32
        %dma_start3A_241 = tpu.memref_slice %arg6[%add3A_233, %dma_start3A_240] : memref<10000x128xf32, #tpu.memory_space<vmem_shared>> -> memref<40x128xf32, #tpu.memory_space<vmem_shared>>
        %dma_start3A_242 = arith.constant 0 : i32
        %dma_start3A_243 = tpu.memref_slice %arg6[%add3A_233, %dma_start3A_242] : memref<10000x128xf32, #tpu.memory_space<vmem_shared>> -> memref<40x128xf32, #tpu.memory_space<vmem_shared>>
        %dma_start3A_244 = arith.constant 0 : i32
        %dma_start3A_245 = arith.constant 0 : i32
        %dma_start3A_246 = tpu.memref_slice %arg10[%run_scoped3A, %dma_start3A_244, %dma_start3A_245] : memref<2x40x128xf32, #tpu.memory_space<vmem>> -> memref<1x40x128xf32, #tpu.memory_space<vmem>>
        %dma_start3A_247 = tpu.memref_squeeze %dma_start3A_246 : memref<1x40x128xf32, #tpu.memory_space<vmem>> -> memref<40x128xf32, #tpu.memory_space<vmem>>
        tpu.enqueue_dma source(%dma_start3A_247 : memref<40x128xf32, #tpu.memory_space<vmem>>) target(%dma_start3A_243 : memref<40x128xf32, #tpu.memory_space<vmem_shared>>) target_semaphore(%run_scoped3A_235 : memref<!tpu.dma_semaphore, #tpu.memory_space<semaphore_mem>>)
        %dma_wait3A_248 = arith.constant 0 : i32
        %dma_wait3A_249 = arith.constant 0 : i32
        %dma_wait3A_250 = tpu.memref_slice %arg10[%run_scoped3A, %dma_wait3A_248, %dma_wait3A_249] : memref<2x40x128xf32, #tpu.memory_space<vmem>> -> memref<1x40x128xf32, #tpu.memory_space<vmem>>
        %dma_wait3A_251 = tpu.memref_squeeze %dma_wait3A_250 : memref<1x40x128xf32, #tpu.memory_space<vmem>> -> memref<40x128xf32, #tpu.memory_space<vmem>>
        %dma_wait3A_252 = arith.constant 0 : i32
        %dma_wait3A_253 = tpu.memref_slice %arg6[%add3A_233, %dma_wait3A_252] : memref<10000x128xf32, #tpu.memory_space<vmem_shared>> -> memref<40x128xf32, #tpu.memory_space<vmem_shared>>
        %dma_wait3A_254 = arith.constant 0 : i32
        %dma_wait3A_255 = tpu.memref_slice %arg6[%add3A_233, %dma_wait3A_254] : memref<10000x128xf32, #tpu.memory_space<vmem_shared>> -> memref<40x128xf32, #tpu.memory_space<vmem_shared>>
        %dma_wait3A_256 = arith.constant 0 : i32
        %dma_wait3A_257 = arith.constant 0 : i32
        %dma_wait3A_258 = tpu.memref_slice %arg10[%run_scoped3A, %dma_wait3A_256, %dma_wait3A_257] : memref<2x40x128xf32, #tpu.memory_space<vmem>> -> memref<1x40x128xf32, #tpu.memory_space<vmem>>
        %dma_wait3A_259 = tpu.memref_squeeze %dma_wait3A_258 : memref<1x40x128xf32, #tpu.memory_space<vmem>> -> memref<40x128xf32, #tpu.memory_space<vmem>>
        tpu.wait_dma2 semaphore(%run_scoped3A_235 : memref<!tpu.dma_semaphore, #tpu.memory_space<semaphore_mem>>) src(%dma_wait3A_259 : memref<40x128xf32, #tpu.memory_space<vmem>>) dst(%dma_wait3A_255 : memref<40x128xf32, #tpu.memory_space<vmem_shared>>)
        tpu.yield
      }) : () -> ()
      %while3A_234 = arith.constant 0 : i32
      scf.yield %while3A_234 : i32
    }
    %barrier3A = arith.constant 0 : index
    tpu.barrier barrier_id(%barrier3A)
    %rem3A = arith.constant 0 : i32
    %rem3A_22 = arith.constant 4 : i32
    %rem3A_23 = arith.remsi %rem3A, %rem3A_22 : i32
    %add3A_24 = arith.constant 0 : i32
    %add3A_25 = arith.addi %mul3A_2, %add3A_24 : i32
    %dma_start3A = arith.constant 0 : i32
    %dma_start3A_26 = arith.constant 0 : i32
    %dma_start3A_27 = tpu.memref_slice %arg7[%rem3A_23, %dma_start3A, %dma_start3A_26] : memref<4x2x40xi32, #tpu.memory_space<vmem>> -> memref<1x1x40xi32, #tpu.memory_space<vmem>>
    %dma_start3A_28 = tpu.memref_squeeze %dma_start3A_27 : memref<1x1x40xi32, #tpu.memory_space<vmem>> -> memref<40xi32, #tpu.memory_space<vmem>>
    %dma_start3A_29 = tpu.memref_slice %arg3[%add3A_25] : memref<640000xi32, #tpu.memory_space<hbm>> -> memref<40xi32, #tpu.memory_space<hbm>>
    %dma_start3A_30 = tpu.memref_slice %arg11[%rem3A_23] : memref<4x!tpu.dma_semaphore, #tpu.memory_space<semaphore_mem>> -> memref<1x!tpu.dma_semaphore, #tpu.memory_space<semaphore_mem>>
    %dma_start3A_31 = tpu.memref_squeeze %dma_start3A_30 : memref<1x!tpu.dma_semaphore, #tpu.memory_space<semaphore_mem>> -> memref<!tpu.dma_semaphore, #tpu.memory_space<semaphore_mem>>
    %dma_start3A_32 = arith.constant 0 : i32
    %dma_start3A_33 = tpu.memref_slice %arg7[%rem3A_23, %dma_start3A, %dma_start3A_32] : memref<4x2x40xi32, #tpu.memory_space<vmem>> -> memref<1x1x40xi32, #tpu.memory_space<vmem>>
    %dma_start3A_34 = tpu.memref_squeeze %dma_start3A_33 : memref<1x1x40xi32, #tpu.memory_space<vmem>> -> memref<40xi32, #tpu.memory_space<vmem>>
    %dma_start3A_35 = tpu.memref_slice %arg3[%add3A_25] : memref<640000xi32, #tpu.memory_space<hbm>> -> memref<40xi32, #tpu.memory_space<hbm>>
    tpu.enqueue_dma source(%dma_start3A_35 : memref<40xi32, #tpu.memory_space<hbm>>) target(%dma_start3A_34 : memref<40xi32, #tpu.memory_space<vmem>>) target_semaphore(%dma_start3A_31 : memref<!tpu.dma_semaphore, #tpu.memory_space<semaphore_mem>>)
    %add3A_36 = arith.constant 320000 : i32
    %add3A_37 = arith.addi %add3A_36, %add3A_25 : i32
    %dma_start3A_38 = arith.constant 1 : i32
    %dma_start3A_39 = arith.constant 0 : i32
    %dma_start3A_40 = tpu.memref_slice %arg7[%rem3A_23, %dma_start3A_38, %dma_start3A_39] : memref<4x2x40xi32, #tpu.memory_space<vmem>> -> memref<1x1x40xi32, #tpu.memory_space<vmem>>
    %dma_start3A_41 = tpu.memref_squeeze %dma_start3A_40 : memref<1x1x40xi32, #tpu.memory_space<vmem>> -> memref<40xi32, #tpu.memory_space<vmem>>
    %dma_start3A_42 = tpu.memref_slice %arg3[%add3A_37] : memref<640000xi32, #tpu.memory_space<hbm>> -> memref<40xi32, #tpu.memory_space<hbm>>
    %dma_start3A_43 = tpu.memref_slice %arg11[%rem3A_23] : memref<4x!tpu.dma_semaphore, #tpu.memory_space<semaphore_mem>> -> memref<1x!tpu.dma_semaphore, #tpu.memory_space<semaphore_mem>>
    %dma_start3A_44 = tpu.memref_squeeze %dma_start3A_43 : memref<1x!tpu.dma_semaphore, #tpu.memory_space<semaphore_mem>> -> memref<!tpu.dma_semaphore, #tpu.memory_space<semaphore_mem>>
    %dma_start3A_45 = arith.constant 0 : i32
    %dma_start3A_46 = tpu.memref_slice %arg7[%rem3A_23, %dma_start3A_38, %dma_start3A_45] : memref<4x2x40xi32, #tpu.memory_space<vmem>> -> memref<1x1x40xi32, #tpu.memory_space<vmem>>
    %dma_start3A_47 = tpu.memref_squeeze %dma_start3A_46 : memref<1x1x40xi32, #tpu.memory_space<vmem>> -> memref<40xi32, #tpu.memory_space<vmem>>
    %dma_start3A_48 = tpu.memref_slice %arg3[%add3A_37] : memref<640000xi32, #tpu.memory_space<hbm>> -> memref<40xi32, #tpu.memory_space<hbm>>
    tpu.enqueue_dma source(%dma_start3A_48 : memref<40xi32, #tpu.memory_space<hbm>>) target(%dma_start3A_47 : memref<40xi32, #tpu.memory_space<vmem>>) target_semaphore(%dma_start3A_44 : memref<!tpu.dma_semaphore, #tpu.memory_space<semaphore_mem>>)
    %rem3A_49 = arith.constant 1 : i32
    %rem3A_50 = arith.constant 4 : i32
    %rem3A_51 = arith.remsi %rem3A_49, %rem3A_50 : i32
    %add3A_52 = arith.constant 40 : i32
    %add3A_53 = arith.addi %mul3A_2, %add3A_52 : i32
    %dma_start3A_54 = arith.constant 0 : i32
    %dma_start3A_55 = arith.constant 0 : i32
    %dma_start3A_56 = tpu.memref_slice %arg7[%rem3A_51, %dma_start3A_54, %dma_start3A_55] : memref<4x2x40xi32, #tpu.memory_space<vmem>> -> memref<1x1x40xi32, #tpu.memory_space<vmem>>
    %dma_start3A_57 = tpu.memref_squeeze %dma_start3A_56 : memref<1x1x40xi32, #tpu.memory_space<vmem>> -> memref<40xi32, #tpu.memory_space<vmem>>
    %dma_start3A_58 = tpu.memref_slice %arg3[%add3A_53] : memref<640000xi32, #tpu.memory_space<hbm>> -> memref<40xi32, #tpu.memory_space<hbm>>
    %dma_start3A_59 = tpu.memref_slice %arg11[%rem3A_51] : memref<4x!tpu.dma_semaphore, #tpu.memory_space<semaphore_mem>> -> memref<1x!tpu.dma_semaphore, #tpu.memory_space<semaphore_mem>>
    %dma_start3A_60 = tpu.memref_squeeze %dma_start3A_59 : memref<1x!tpu.dma_semaphore, #tpu.memory_space<semaphore_mem>> -> memref<!tpu.dma_semaphore, #tpu.memory_space<semaphore_mem>>
    %dma_start3A_61 = arith.constant 0 : i32
    %dma_start3A_62 = tpu.memref_slice %arg7[%rem3A_51, %dma_start3A_54, %dma_start3A_61] : memref<4x2x40xi32, #tpu.memory_space<vmem>> -> memref<1x1x40xi32, #tpu.memory_space<vmem>>
    %dma_start3A_63 = tpu.memref_squeeze %dma_start3A_62 : memref<1x1x40xi32, #tpu.memory_space<vmem>> -> memref<40xi32, #tpu.memory_space<vmem>>
    %dma_start3A_64 = tpu.memref_slice %arg3[%add3A_53] : memref<640000xi32, #tpu.memory_space<hbm>> -> memref<40xi32, #tpu.memory_space<hbm>>
    tpu.enqueue_dma source(%dma_start3A_64 : memref<40xi32, #tpu.memory_space<hbm>>) target(%dma_start3A_63 : memref<40xi32, #tpu.memory_space<vmem>>) target_semaphore(%dma_start3A_60 : memref<!tpu.dma_semaphore, #tpu.memory_space<semaphore_mem>>)
    %add3A_65 = arith.constant 320000 : i32
    %add3A_66 = arith.addi %add3A_65, %add3A_53 : i32
    %dma_start3A_67 = arith.constant 1 : i32
    %dma_start3A_68 = arith.constant 0 : i32
    %dma_start3A_69 = tpu.memref_slice %arg7[%rem3A_51, %dma_start3A_67, %dma_start3A_68] : memref<4x2x40xi32, #tpu.memory_space<vmem>> -> memref<1x1x40xi32, #tpu.memory_space<vmem>>
    %dma_start3A_70 = tpu.memref_squeeze %dma_start3A_69 : memref<1x1x40xi32, #tpu.memory_space<vmem>> -> memref<40xi32, #tpu.memory_space<vmem>>
    %dma_start3A_71 = tpu.memref_slice %arg3[%add3A_66] : memref<640000xi32, #tpu.memory_space<hbm>> -> memref<40xi32, #tpu.memory_space<hbm>>
    %dma_start3A_72 = tpu.memref_slice %arg11[%rem3A_51] : memref<4x!tpu.dma_semaphore, #tpu.memory_space<semaphore_mem>> -> memref<1x!tpu.dma_semaphore, #tpu.memory_space<semaphore_mem>>
    %dma_start3A_73 = tpu.memref_squeeze %dma_start3A_72 : memref<1x!tpu.dma_semaphore, #tpu.memory_space<semaphore_mem>> -> memref<!tpu.dma_semaphore, #tpu.memory_space<semaphore_mem>>
    %dma_start3A_74 = arith.constant 0 : i32
    %dma_start3A_75 = tpu.memref_slice %arg7[%rem3A_51, %dma_start3A_67, %dma_start3A_74] : memref<4x2x40xi32, #tpu.memory_space<vmem>> -> memref<1x1x40xi32, #tpu.memory_space<vmem>>
    %dma_start3A_76 = tpu.memref_squeeze %dma_start3A_75 : memref<1x1x40xi32, #tpu.memory_space<vmem>> -> memref<40xi32, #tpu.memory_space<vmem>>
    %dma_start3A_77 = tpu.memref_slice %arg3[%add3A_66] : memref<640000xi32, #tpu.memory_space<hbm>> -> memref<40xi32, #tpu.memory_space<hbm>>
    tpu.enqueue_dma source(%dma_start3A_77 : memref<40xi32, #tpu.memory_space<hbm>>) target(%dma_start3A_76 : memref<40xi32, #tpu.memory_space<vmem>>) target_semaphore(%dma_start3A_73 : memref<!tpu.dma_semaphore, #tpu.memory_space<semaphore_mem>>)
    %rem3A_78 = arith.constant 2 : i32
    %rem3A_79 = arith.constant 4 : i32
    %rem3A_80 = arith.remsi %rem3A_78, %rem3A_79 : i32
    %add3A_81 = arith.constant 80 : i32
    %add3A_82 = arith.addi %mul3A_2, %add3A_81 : i32
    %dma_start3A_83 = arith.constant 0 : i32
    %dma_start3A_84 = arith.constant 0 : i32
    %dma_start3A_85 = tpu.memref_slice %arg7[%rem3A_80, %dma_start3A_83, %dma_start3A_84] : memref<4x2x40xi32, #tpu.memory_space<vmem>> -> memref<1x1x40xi32, #tpu.memory_space<vmem>>
    %dma_start3A_86 = tpu.memref_squeeze %dma_start3A_85 : memref<1x1x40xi32, #tpu.memory_space<vmem>> -> memref<40xi32, #tpu.memory_space<vmem>>
    %dma_start3A_87 = tpu.memref_slice %arg3[%add3A_82] : memref<640000xi32, #tpu.memory_space<hbm>> -> memref<40xi32, #tpu.memory_space<hbm>>
    %dma_start3A_88 = tpu.memref_slice %arg11[%rem3A_80] : memref<4x!tpu.dma_semaphore, #tpu.memory_space<semaphore_mem>> -> memref<1x!tpu.dma_semaphore, #tpu.memory_space<semaphore_mem>>
    %dma_start3A_89 = tpu.memref_squeeze %dma_start3A_88 : memref<1x!tpu.dma_semaphore, #tpu.memory_space<semaphore_mem>> -> memref<!tpu.dma_semaphore, #tpu.memory_space<semaphore_mem>>
    %dma_start3A_90 = arith.constant 0 : i32
    %dma_start3A_91 = tpu.memref_slice %arg7[%rem3A_80, %dma_start3A_83, %dma_start3A_90] : memref<4x2x40xi32, #tpu.memory_space<vmem>> -> memref<1x1x40xi32, #tpu.memory_space<vmem>>
    %dma_start3A_92 = tpu.memref_squeeze %dma_start3A_91 : memref<1x1x40xi32, #tpu.memory_space<vmem>> -> memref<40xi32, #tpu.memory_space<vmem>>
    %dma_start3A_93 = tpu.memref_slice %arg3[%add3A_82] : memref<640000xi32, #tpu.memory_space<hbm>> -> memref<40xi32, #tpu.memory_space<hbm>>
    tpu.enqueue_dma source(%dma_start3A_93 : memref<40xi32, #tpu.memory_space<hbm>>) target(%dma_start3A_92 : memref<40xi32, #tpu.memory_space<vmem>>) target_semaphore(%dma_start3A_89 : memref<!tpu.dma_semaphore, #tpu.memory_space<semaphore_mem>>)
    %add3A_94 = arith.constant 320000 : i32
    %add3A_95 = arith.addi %add3A_94, %add3A_82 : i32
    %dma_start3A_96 = arith.constant 1 : i32
    %dma_start3A_97 = arith.constant 0 : i32
    %dma_start3A_98 = tpu.memref_slice %arg7[%rem3A_80, %dma_start3A_96, %dma_start3A_97] : memref<4x2x40xi32, #tpu.memory_space<vmem>> -> memref<1x1x40xi32, #tpu.memory_space<vmem>>
    %dma_start3A_99 = tpu.memref_squeeze %dma_start3A_98 : memref<1x1x40xi32, #tpu.memory_space<vmem>> -> memref<40xi32, #tpu.memory_space<vmem>>
    %dma_start3A_100 = tpu.memref_slice %arg3[%add3A_95] : memref<640000xi32, #tpu.memory_space<hbm>> -> memref<40xi32, #tpu.memory_space<hbm>>
    %dma_start3A_101 = tpu.memref_slice %arg11[%rem3A_80] : memref<4x!tpu.dma_semaphore, #tpu.memory_space<semaphore_mem>> -> memref<1x!tpu.dma_semaphore, #tpu.memory_space<semaphore_mem>>
    %dma_start3A_102 = tpu.memref_squeeze %dma_start3A_101 : memref<1x!tpu.dma_semaphore, #tpu.memory_space<semaphore_mem>> -> memref<!tpu.dma_semaphore, #tpu.memory_space<semaphore_mem>>
    %dma_start3A_103 = arith.constant 0 : i32
    %dma_start3A_104 = tpu.memref_slice %arg7[%rem3A_80, %dma_start3A_96, %dma_start3A_103] : memref<4x2x40xi32, #tpu.memory_space<vmem>> -> memref<1x1x40xi32, #tpu.memory_space<vmem>>
    %dma_start3A_105 = tpu.memref_squeeze %dma_start3A_104 : memref<1x1x40xi32, #tpu.memory_space<vmem>> -> memref<40xi32, #tpu.memory_space<vmem>>
    %dma_start3A_106 = tpu.memref_slice %arg3[%add3A_95] : memref<640000xi32, #tpu.memory_space<hbm>> -> memref<40xi32, #tpu.memory_space<hbm>>
    tpu.enqueue_dma source(%dma_start3A_106 : memref<40xi32, #tpu.memory_space<hbm>>) target(%dma_start3A_105 : memref<40xi32, #tpu.memory_space<vmem>>) target_semaphore(%dma_start3A_102 : memref<!tpu.dma_semaphore, #tpu.memory_space<semaphore_mem>>)
    %rem3A_107 = arith.constant 0 : i32
    %rem3A_108 = arith.constant 4 : i32
    %rem3A_109 = arith.remsi %rem3A_107, %rem3A_108 : i32
    %dma_wait3A = arith.constant 0 : i32
    %dma_wait3A_110 = arith.constant 0 : i32
    %dma_wait3A_111 = tpu.memref_slice %arg7[%rem3A_109, %dma_wait3A, %dma_wait3A_110] : memref<4x2x40xi32, #tpu.memory_space<vmem>> -> memref<1x1x40xi32, #tpu.memory_space<vmem>>
    %dma_wait3A_112 = tpu.memref_squeeze %dma_wait3A_111 : memref<1x1x40xi32, #tpu.memory_space<vmem>> -> memref<40xi32, #tpu.memory_space<vmem>>
    %dma_wait3A_113 = arith.constant 0 : i32
    %dma_wait3A_114 = tpu.memref_slice %arg3[%dma_wait3A_113] : memref<640000xi32, #tpu.memory_space<hbm>> -> memref<40xi32, #tpu.memory_space<hbm>>
    %dma_wait3A_115 = tpu.memref_slice %arg11[%rem3A_109] : memref<4x!tpu.dma_semaphore, #tpu.memory_space<semaphore_mem>> -> memref<1x!tpu.dma_semaphore, #tpu.memory_space<semaphore_mem>>
    %dma_wait3A_116 = tpu.memref_squeeze %dma_wait3A_115 : memref<1x!tpu.dma_semaphore, #tpu.memory_space<semaphore_mem>> -> memref<!tpu.dma_semaphore, #tpu.memory_space<semaphore_mem>>
    %dma_wait3A_117 = arith.constant 0 : i32
    %dma_wait3A_118 = tpu.memref_slice %arg7[%rem3A_109, %dma_wait3A, %dma_wait3A_117] : memref<4x2x40xi32, #tpu.memory_space<vmem>> -> memref<1x1x40xi32, #tpu.memory_space<vmem>>
    %dma_wait3A_119 = tpu.memref_squeeze %dma_wait3A_118 : memref<1x1x40xi32, #tpu.memory_space<vmem>> -> memref<40xi32, #tpu.memory_space<vmem>>
    %dma_wait3A_120 = arith.constant 0 : i32
    %dma_wait3A_121 = tpu.memref_slice %arg3[%dma_wait3A_120] : memref<640000xi32, #tpu.memory_space<hbm>> -> memref<40xi32, #tpu.memory_space<hbm>>
    tpu.wait_dma2 semaphore(%dma_wait3A_116 : memref<!tpu.dma_semaphore, #tpu.memory_space<semaphore_mem>>) src(%dma_wait3A_121 : memref<40xi32, #tpu.memory_space<hbm>>) dst(%dma_wait3A_119 : memref<40xi32, #tpu.memory_space<vmem>>)
    %dma_wait3A_122 = arith.constant 1 : i32
    %dma_wait3A_123 = arith.constant 0 : i32
    %dma_wait3A_124 = tpu.memref_slice %arg7[%rem3A_109, %dma_wait3A_122, %dma_wait3A_123] : memref<4x2x40xi32, #tpu.memory_space<vmem>> -> memref<1x1x40xi32, #tpu.memory_space<vmem>>
    %dma_wait3A_125 = tpu.memref_squeeze %dma_wait3A_124 : memref<1x1x40xi32, #tpu.memory_space<vmem>> -> memref<40xi32, #tpu.memory_space<vmem>>
    %dma_wait3A_126 = arith.constant 0 : i32
    %dma_wait3A_127 = tpu.memref_slice %arg3[%dma_wait3A_126] : memref<640000xi32, #tpu.memory_space<hbm>> -> memref<40xi32, #tpu.memory_space<hbm>>
    %dma_wait3A_128 = tpu.memref_slice %arg11[%rem3A_109] : memref<4x!tpu.dma_semaphore, #tpu.memory_space<semaphore_mem>> -> memref<1x!tpu.dma_semaphore, #tpu.memory_space<semaphore_mem>>
    %dma_wait3A_129 = tpu.memref_squeeze %dma_wait3A_128 : memref<1x!tpu.dma_semaphore, #tpu.memory_space<semaphore_mem>> -> memref<!tpu.dma_semaphore, #tpu.memory_space<semaphore_mem>>
    %dma_wait3A_130 = arith.constant 0 : i32
    %dma_wait3A_131 = tpu.memref_slice %arg7[%rem3A_109, %dma_wait3A_122, %dma_wait3A_130] : memref<4x2x40xi32, #tpu.memory_space<vmem>> -> memref<1x1x40xi32, #tpu.memory_space<vmem>>
    %dma_wait3A_132 = tpu.memref_squeeze %dma_wait3A_131 : memref<1x1x40xi32, #tpu.memory_space<vmem>> -> memref<40xi32, #tpu.memory_space<vmem>>
    %dma_wait3A_133 = arith.constant 0 : i32
    %dma_wait3A_134 = tpu.memref_slice %arg3[%dma_wait3A_133] : memref<640000xi32, #tpu.memory_space<hbm>> -> memref<40xi32, #tpu.memory_space<hbm>>
    tpu.wait_dma2 semaphore(%dma_wait3A_129 : memref<!tpu.dma_semaphore, #tpu.memory_space<semaphore_mem>>) src(%dma_wait3A_134 : memref<40xi32, #tpu.memory_space<hbm>>) dst(%dma_wait3A_132 : memref<40xi32, #tpu.memory_space<vmem>>)
    %rem3A_135 = arith.constant 0 : i32
    %rem3A_136 = arith.constant 4 : i32
    %rem3A_137 = arith.remsi %rem3A_135, %rem3A_136 : i32
    %dma_start3A_138 = arith.constant 0 : i32
    %dma_start3A_139 = arith.constant 0 : i32
    %dma_start3A_140 = arith.constant 0 : i32
    %dma_start3A_141 = arith.constant 0 : i32
    %dma_start3A_142 = arith.constant 0 : i32
    %dma_start3A_143 = tpu.memref_slice %arg8[%dma_start3A_139, %dma_start3A_141, %dma_start3A_142] : memref<2x40x128xf32, #tpu.memory_space<vmem>> -> memref<1x40x128xf32, #tpu.memory_space<vmem>>
    %dma_start3A_144 = tpu.memref_squeeze %dma_start3A_143 : memref<1x40x128xf32, #tpu.memory_space<vmem>> -> memref<40x128xf32, #tpu.memory_space<vmem>>
    %dma_start3A_145 = arith.constant 0 : i32
    %dma_start3A_146 = tpu.memref_slice %arg7[%rem3A_137, %dma_start3A_138, %dma_start3A_145] : memref<4x2x40xi32, #tpu.memory_space<vmem>> -> memref<1x1x40xi32, #tpu.memory_space<vmem>>
    %dma_start3A_147 = tpu.memref_squeeze %dma_start3A_146 : memref<1x1x40xi32, #tpu.memory_space<vmem>> -> memref<40xi32, #tpu.memory_space<vmem>>
    %dma_start3A_148 = arith.constant 0 : i32
    %dma_start3A_149 = arith.constant 0 : i32
    %dma_start3A_150 = tpu.memref_slice %arg2[%dma_start3A_148, %dma_start3A_149] : memref<10000x128xf32, #tpu.memory_space<hbm>> -> memref<10000x128xf32, #tpu.memory_space<hbm>>
    %dma_start3A_151 = tpu.memref_slice %arg12[%dma_start3A_140] : memref<2x!tpu.dma_semaphore, #tpu.memory_space<semaphore_mem>> -> memref<1x!tpu.dma_semaphore, #tpu.memory_space<semaphore_mem>>
    %dma_start3A_152 = tpu.memref_squeeze %dma_start3A_151 : memref<1x!tpu.dma_semaphore, #tpu.memory_space<semaphore_mem>> -> memref<!tpu.dma_semaphore, #tpu.memory_space<semaphore_mem>>
    tpu.enqueue_indirect_dma source(%dma_start3A_150 : memref<10000x128xf32, #tpu.memory_space<hbm>>) target(%dma_start3A_144 : memref<40x128xf32, #tpu.memory_space<vmem>>) offsets(%dma_start3A_147 : memref<40xi32, #tpu.memory_space<vmem>>) semaphore(%dma_start3A_152 : memref<!tpu.dma_semaphore, #tpu.memory_space<semaphore_mem>>)
    %add3A_153 = arith.constant 0 : i32
    %add3A_154 = arith.addi %mul3A_2, %add3A_153 : i32
    %dma_start3A_155 = arith.constant 0 : i32
    %dma_start3A_156 = arith.constant 0 : i32
    %dma_start3A_157 = arith.constant 0 : i32
    %dma_start3A_158 = arith.constant 0 : i32
    %dma_start3A_159 = tpu.memref_slice %arg9[%dma_start3A_155, %dma_start3A_157, %dma_start3A_158] : memref<2x40x64xi32, #tpu.memory_space<vmem>> -> memref<1x40x64xi32, #tpu.memory_space<vmem>>
    %dma_start3A_160 = tpu.memref_squeeze %dma_start3A_159 : memref<1x40x64xi32, #tpu.memory_space<vmem>> -> memref<40x64xi32, #tpu.memory_space<vmem>>
    %dma_start3A_161 = arith.constant 0 : i32
    %dma_start3A_162 = tpu.memref_slice %arg4[%add3A_154, %dma_start3A_161] : memref<320000x64xi32, #tpu.memory_space<hbm>> -> memref<40x64xi32, #tpu.memory_space<hbm>>
    %dma_start3A_163 = tpu.memref_slice %arg13[%dma_start3A_156] : memref<2x!tpu.dma_semaphore, #tpu.memory_space<semaphore_mem>> -> memref<1x!tpu.dma_semaphore, #tpu.memory_space<semaphore_mem>>
    %dma_start3A_164 = tpu.memref_squeeze %dma_start3A_163 : memref<1x!tpu.dma_semaphore, #tpu.memory_space<semaphore_mem>> -> memref<!tpu.dma_semaphore, #tpu.memory_space<semaphore_mem>>
    %dma_start3A_165 = arith.constant 0 : i32
    %dma_start3A_166 = arith.constant 0 : i32
    %dma_start3A_167 = tpu.memref_slice %arg9[%dma_start3A_155, %dma_start3A_165, %dma_start3A_166] : memref<2x40x64xi32, #tpu.memory_space<vmem>> -> memref<1x40x64xi32, #tpu.memory_space<vmem>>
    %dma_start3A_168 = tpu.memref_squeeze %dma_start3A_167 : memref<1x40x64xi32, #tpu.memory_space<vmem>> -> memref<40x64xi32, #tpu.memory_space<vmem>>
    %dma_start3A_169 = arith.constant 0 : i32
    %dma_start3A_170 = tpu.memref_slice %arg4[%add3A_154, %dma_start3A_169] : memref<320000x64xi32, #tpu.memory_space<hbm>> -> memref<40x64xi32, #tpu.memory_space<hbm>>
    tpu.enqueue_dma source(%dma_start3A_170 : memref<40x64xi32, #tpu.memory_space<hbm>>) target(%dma_start3A_168 : memref<40x64xi32, #tpu.memory_space<vmem>>) target_semaphore(%dma_start3A_164 : memref<!tpu.dma_semaphore, #tpu.memory_space<semaphore_mem>>)
    %scan3A_171 = arith.constant 0 : i32
    %scan3A_172 = arith.constant 0 : i32
    %scan3A_173 = arith.constant 125 : i32
    %scan3A_174 = arith.addi %scan3A_172, %scan3A_173 : i32
    %scan3A_175 = arith.constant 1 : i32
    %scan3A_176 = scf.for %scan3A_227 = %scan3A_172 to %scan3A_174 step %scan3A_175 iter_args(%scan3A_228 = %scan3A_171) -> (i32)  : i32 {
      %mul3A_229 = arith.constant 2 : i32
      %mul3A_230 = arith.muli %scan3A_227, %mul3A_229 : i32
      %add3A_231 = arith.constant 0 : i32
      %add3A_232 = arith.addi %mul3A_230, %add3A_231 : i32
      %add3A_233 = arith.constant 3 : i32
      %add3A_234 = arith.addi %add3A_232, %add3A_233 : i32
      %lt3A = arith.constant 250 : i32
      %lt3A_235 = arith.cmpi slt, %add3A_234, %lt3A : i32
      %convert_element_type3A = arith.extui %lt3A_235 : i1 to i32
      %cond3A = arith.constant 0 : i32
      %cond3A_236 = arith.cmpi ne, %convert_element_type3A, %cond3A : i32
      scf.if %cond3A_236 {
        %add3A_392 = arith.constant 3 : i32
        %add3A_393 = arith.addi %add3A_232, %add3A_392 : i32
        %rem3A_394 = arith.constant 4 : i32
        %rem3A_395 = arith.remsi %add3A_393, %rem3A_394 : i32
        %mul3A_396 = arith.constant 40 : i32
        %mul3A_397 = arith.muli %add3A_393, %mul3A_396 : i32
        %add3A_398 = arith.addi %mul3A_2, %mul3A_397 : i32
        %dma_start3A_399 = arith.constant 0 : i32
        %dma_start3A_400 = arith.constant 0 : i32
        %dma_start3A_401 = tpu.memref_slice %arg7[%rem3A_395, %dma_start3A_399, %dma_start3A_400] : memref<4x2x40xi32, #tpu.memory_space<vmem>> -> memref<1x1x40xi32, #tpu.memory_space<vmem>>
        %dma_start3A_402 = tpu.memref_squeeze %dma_start3A_401 : memref<1x1x40xi32, #tpu.memory_space<vmem>> -> memref<40xi32, #tpu.memory_space<vmem>>
        %dma_start3A_403 = tpu.memref_slice %arg3[%add3A_398] : memref<640000xi32, #tpu.memory_space<hbm>> -> memref<40xi32, #tpu.memory_space<hbm>>
        %dma_start3A_404 = tpu.memref_slice %arg11[%rem3A_395] : memref<4x!tpu.dma_semaphore, #tpu.memory_space<semaphore_mem>> -> memref<1x!tpu.dma_semaphore, #tpu.memory_space<semaphore_mem>>
        %dma_start3A_405 = tpu.memref_squeeze %dma_start3A_404 : memref<1x!tpu.dma_semaphore, #tpu.memory_space<semaphore_mem>> -> memref<!tpu.dma_semaphore, #tpu.memory_space<semaphore_mem>>
        %dma_start3A_406 = arith.constant 0 : i32
        %dma_start3A_407 = tpu.memref_slice %arg7[%rem3A_395, %dma_start3A_399, %dma_start3A_406] : memref<4x2x40xi32, #tpu.memory_space<vmem>> -> memref<1x1x40xi32, #tpu.memory_space<vmem>>
        %dma_start3A_408 = tpu.memref_squeeze %dma_start3A_407 : memref<1x1x40xi32, #tpu.memory_space<vmem>> -> memref<40xi32, #tpu.memory_space<vmem>>
        %dma_start3A_409 = tpu.memref_slice %arg3[%add3A_398] : memref<640000xi32, #tpu.memory_space<hbm>> -> memref<40xi32, #tpu.memory_space<hbm>>
        tpu.enqueue_dma source(%dma_start3A_409 : memref<40xi32, #tpu.memory_space<hbm>>) target(%dma_start3A_408 : memref<40xi32, #tpu.memory_space<vmem>>) target_semaphore(%dma_start3A_405 : memref<!tpu.dma_semaphore, #tpu.memory_space<semaphore_mem>>)
        %add3A_410 = arith.constant 320000 : i32
        %add3A_411 = arith.addi %add3A_410, %add3A_398 : i32
        %dma_start3A_412 = arith.constant 1 : i32
        %dma_start3A_413 = arith.constant 0 : i32
        %dma_start3A_414 = tpu.memref_slice %arg7[%rem3A_395, %dma_start3A_412, %dma_start3A_413] : memref<4x2x40xi32, #tpu.memory_space<vmem>> -> memref<1x1x40xi32, #tpu.memory_space<vmem>>
        %dma_start3A_415 = tpu.memref_squeeze %dma_start3A_414 : memref<1x1x40xi32, #tpu.memory_space<vmem>> -> memref<40xi32, #tpu.memory_space<vmem>>
        %dma_start3A_416 = tpu.memref_slice %arg3[%add3A_411] : memref<640000xi32, #tpu.memory_space<hbm>> -> memref<40xi32, #tpu.memory_space<hbm>>
        %dma_start3A_417 = tpu.memref_slice %arg11[%rem3A_395] : memref<4x!tpu.dma_semaphore, #tpu.memory_space<semaphore_mem>> -> memref<1x!tpu.dma_semaphore, #tpu.memory_space<semaphore_mem>>
        %dma_start3A_418 = tpu.memref_squeeze %dma_start3A_417 : memref<1x!tpu.dma_semaphore, #tpu.memory_space<semaphore_mem>> -> memref<!tpu.dma_semaphore, #tpu.memory_space<semaphore_mem>>
        %dma_start3A_419 = arith.constant 0 : i32
        %dma_start3A_420 = tpu.memref_slice %arg7[%rem3A_395, %dma_start3A_412, %dma_start3A_419] : memref<4x2x40xi32, #tpu.memory_space<vmem>> -> memref<1x1x40xi32, #tpu.memory_space<vmem>>
        %dma_start3A_421 = tpu.memref_squeeze %dma_start3A_420 : memref<1x1x40xi32, #tpu.memory_space<vmem>> -> memref<40xi32, #tpu.memory_space<vmem>>
        %dma_start3A_422 = tpu.memref_slice %arg3[%add3A_411] : memref<640000xi32, #tpu.memory_space<hbm>> -> memref<40xi32, #tpu.memory_space<hbm>>
        tpu.enqueue_dma source(%dma_start3A_422 : memref<40xi32, #tpu.memory_space<hbm>>) target(%dma_start3A_421 : memref<40xi32, #tpu.memory_space<vmem>>) target_semaphore(%dma_start3A_418 : memref<!tpu.dma_semaphore, #tpu.memory_space<semaphore_mem>>)
      } else {
      }
      %add3A_237 = arith.constant 1 : i32
      %add3A_238 = arith.addi %add3A_232, %add3A_237 : i32
      %lt3A_239 = arith.constant 250 : i32
      %lt3A_240 = arith.cmpi slt, %add3A_238, %lt3A_239 : i32
      %convert_element_type3A_241 = arith.extui %lt3A_240 : i1 to i32
      %cond3A_242 = arith.constant 0 : i32
      %cond3A_243 = arith.cmpi ne, %convert_element_type3A_241, %cond3A_242 : i32
      scf.if %cond3A_243 {
        %add3A_392 = arith.constant 1 : i32
        %add3A_393 = arith.addi %add3A_232, %add3A_392 : i32
        %rem3A_394 = arith.constant 4 : i32
        %rem3A_395 = arith.remsi %add3A_393, %rem3A_394 : i32
        %dma_wait3A_396 = arith.constant 0 : i32
        %dma_wait3A_397 = arith.constant 0 : i32
        %dma_wait3A_398 = tpu.memref_slice %arg7[%rem3A_395, %dma_wait3A_396, %dma_wait3A_397] : memref<4x2x40xi32, #tpu.memory_space<vmem>> -> memref<1x1x40xi32, #tpu.memory_space<vmem>>
        %dma_wait3A_399 = tpu.memref_squeeze %dma_wait3A_398 : memref<1x1x40xi32, #tpu.memory_space<vmem>> -> memref<40xi32, #tpu.memory_space<vmem>>
        %dma_wait3A_400 = arith.constant 0 : i32
        %dma_wait3A_401 = tpu.memref_slice %arg3[%dma_wait3A_400] : memref<640000xi32, #tpu.memory_space<hbm>> -> memref<40xi32, #tpu.memory_space<hbm>>
        %dma_wait3A_402 = tpu.memref_slice %arg11[%rem3A_395] : memref<4x!tpu.dma_semaphore, #tpu.memory_space<semaphore_mem>> -> memref<1x!tpu.dma_semaphore, #tpu.memory_space<semaphore_mem>>
        %dma_wait3A_403 = tpu.memref_squeeze %dma_wait3A_402 : memref<1x!tpu.dma_semaphore, #tpu.memory_space<semaphore_mem>> -> memref<!tpu.dma_semaphore, #tpu.memory_space<semaphore_mem>>
        %dma_wait3A_404 = arith.constant 0 : i32
        %dma_wait3A_405 = tpu.memref_slice %arg7[%rem3A_395, %dma_wait3A_396, %dma_wait3A_404] : memref<4x2x40xi32, #tpu.memory_space<vmem>> -> memref<1x1x40xi32, #tpu.memory_space<vmem>>
        %dma_wait3A_406 = tpu.memref_squeeze %dma_wait3A_405 : memref<1x1x40xi32, #tpu.memory_space<vmem>> -> memref<40xi32, #tpu.memory_space<vmem>>
        %dma_wait3A_407 = arith.constant 0 : i32
        %dma_wait3A_408 = tpu.memref_slice %arg3[%dma_wait3A_407] : memref<640000xi32, #tpu.memory_space<hbm>> -> memref<40xi32, #tpu.memory_space<hbm>>
        tpu.wait_dma2 semaphore(%dma_wait3A_403 : memref<!tpu.dma_semaphore, #tpu.memory_space<semaphore_mem>>) src(%dma_wait3A_408 : memref<40xi32, #tpu.memory_space<hbm>>) dst(%dma_wait3A_406 : memref<40xi32, #tpu.memory_space<vmem>>)
        %dma_wait3A_409 = arith.constant 1 : i32
        %dma_wait3A_410 = arith.constant 0 : i32
        %dma_wait3A_411 = tpu.memref_slice %arg7[%rem3A_395, %dma_wait3A_409, %dma_wait3A_410] : memref<4x2x40xi32, #tpu.memory_space<vmem>> -> memref<1x1x40xi32, #tpu.memory_space<vmem>>
        %dma_wait3A_412 = tpu.memref_squeeze %dma_wait3A_411 : memref<1x1x40xi32, #tpu.memory_space<vmem>> -> memref<40xi32, #tpu.memory_space<vmem>>
        %dma_wait3A_413 = arith.constant 0 : i32
        %dma_wait3A_414 = tpu.memref_slice %arg3[%dma_wait3A_413] : memref<640000xi32, #tpu.memory_space<hbm>> -> memref<40xi32, #tpu.memory_space<hbm>>
        %dma_wait3A_415 = tpu.memref_slice %arg11[%rem3A_395] : memref<4x!tpu.dma_semaphore, #tpu.memory_space<semaphore_mem>> -> memref<1x!tpu.dma_semaphore, #tpu.memory_space<semaphore_mem>>
        %dma_wait3A_416 = tpu.memref_squeeze %dma_wait3A_415 : memref<1x!tpu.dma_semaphore, #tpu.memory_space<semaphore_mem>> -> memref<!tpu.dma_semaphore, #tpu.memory_space<semaphore_mem>>
        %dma_wait3A_417 = arith.constant 0 : i32
        %dma_wait3A_418 = tpu.memref_slice %arg7[%rem3A_395, %dma_wait3A_409, %dma_wait3A_417] : memref<4x2x40xi32, #tpu.memory_space<vmem>> -> memref<1x1x40xi32, #tpu.memory_space<vmem>>
        %dma_wait3A_419 = tpu.memref_squeeze %dma_wait3A_418 : memref<1x1x40xi32, #tpu.memory_space<vmem>> -> memref<40xi32, #tpu.memory_space<vmem>>
        %dma_wait3A_420 = arith.constant 0 : i32
        %dma_wait3A_421 = tpu.memref_slice %arg3[%dma_wait3A_420] : memref<640000xi32, #tpu.memory_space<hbm>> -> memref<40xi32, #tpu.memory_space<hbm>>
        tpu.wait_dma2 semaphore(%dma_wait3A_416 : memref<!tpu.dma_semaphore, #tpu.memory_space<semaphore_mem>>) src(%dma_wait3A_421 : memref<40xi32, #tpu.memory_space<hbm>>) dst(%dma_wait3A_419 : memref<40xi32, #tpu.memory_space<vmem>>)
        %add3A_422 = arith.constant 1 : i32
        %add3A_423 = arith.addi %add3A_232, %add3A_422 : i32
        %rem3A_424 = arith.constant 4 : i32
        %rem3A_425 = arith.remsi %add3A_423, %rem3A_424 : i32
        %dma_start3A_426 = arith.constant 0 : i32
        %dma_start3A_427 = arith.constant 1 : i32
        %dma_start3A_428 = arith.constant 1 : i32
        %dma_start3A_429 = arith.constant 0 : i32
        %dma_start3A_430 = arith.constant 0 : i32
        %dma_start3A_431 = tpu.memref_slice %arg8[%dma_start3A_427, %dma_start3A_429, %dma_start3A_430] : memref<2x40x128xf32, #tpu.memory_space<vmem>> -> memref<1x40x128xf32, #tpu.memory_space<vmem>>
        %dma_start3A_432 = tpu.memref_squeeze %dma_start3A_431 : memref<1x40x128xf32, #tpu.memory_space<vmem>> -> memref<40x128xf32, #tpu.memory_space<vmem>>
        %dma_start3A_433 = arith.constant 0 : i32
        %dma_start3A_434 = tpu.memref_slice %arg7[%rem3A_425, %dma_start3A_426, %dma_start3A_433] : memref<4x2x40xi32, #tpu.memory_space<vmem>> -> memref<1x1x40xi32, #tpu.memory_space<vmem>>
        %dma_start3A_435 = tpu.memref_squeeze %dma_start3A_434 : memref<1x1x40xi32, #tpu.memory_space<vmem>> -> memref<40xi32, #tpu.memory_space<vmem>>
        %dma_start3A_436 = arith.constant 0 : i32
        %dma_start3A_437 = arith.constant 0 : i32
        %dma_start3A_438 = tpu.memref_slice %arg2[%dma_start3A_436, %dma_start3A_437] : memref<10000x128xf32, #tpu.memory_space<hbm>> -> memref<10000x128xf32, #tpu.memory_space<hbm>>
        %dma_start3A_439 = tpu.memref_slice %arg12[%dma_start3A_428] : memref<2x!tpu.dma_semaphore, #tpu.memory_space<semaphore_mem>> -> memref<1x!tpu.dma_semaphore, #tpu.memory_space<semaphore_mem>>
        %dma_start3A_440 = tpu.memref_squeeze %dma_start3A_439 : memref<1x!tpu.dma_semaphore, #tpu.memory_space<semaphore_mem>> -> memref<!tpu.dma_semaphore, #tpu.memory_space<semaphore_mem>>
        tpu.enqueue_indirect_dma source(%dma_start3A_438 : memref<10000x128xf32, #tpu.memory_space<hbm>>) target(%dma_start3A_432 : memref<40x128xf32, #tpu.memory_space<vmem>>) offsets(%dma_start3A_435 : memref<40xi32, #tpu.memory_space<vmem>>) semaphore(%dma_start3A_440 : memref<!tpu.dma_semaphore, #tpu.memory_space<semaphore_mem>>)
        %mul3A_441 = arith.constant 40 : i32
        %mul3A_442 = arith.muli %add3A_423, %mul3A_441 : i32
        %add3A_443 = arith.addi %mul3A_2, %mul3A_442 : i32
        %dma_start3A_444 = arith.constant 1 : i32
        %dma_start3A_445 = arith.constant 1 : i32
        %dma_start3A_446 = arith.constant 0 : i32
        %dma_start3A_447 = arith.constant 0 : i32
        %dma_start3A_448 = tpu.memref_slice %arg9[%dma_start3A_444, %dma_start3A_446, %dma_start3A_447] : memref<2x40x64xi32, #tpu.memory_space<vmem>> -> memref<1x40x64xi32, #tpu.memory_space<vmem>>
        %dma_start3A_449 = tpu.memref_squeeze %dma_start3A_448 : memref<1x40x64xi32, #tpu.memory_space<vmem>> -> memref<40x64xi32, #tpu.memory_space<vmem>>
        %dma_start3A_450 = arith.constant 0 : i32
        %dma_start3A_451 = tpu.memref_slice %arg4[%add3A_443, %dma_start3A_450] : memref<320000x64xi32, #tpu.memory_space<hbm>> -> memref<40x64xi32, #tpu.memory_space<hbm>>
        %dma_start3A_452 = tpu.memref_slice %arg13[%dma_start3A_445] : memref<2x!tpu.dma_semaphore, #tpu.memory_space<semaphore_mem>> -> memref<1x!tpu.dma_semaphore, #tpu.memory_space<semaphore_mem>>
        %dma_start3A_453 = tpu.memref_squeeze %dma_start3A_452 : memref<1x!tpu.dma_semaphore, #tpu.memory_space<semaphore_mem>> -> memref<!tpu.dma_semaphore, #tpu.memory_space<semaphore_mem>>
        %dma_start3A_454 = arith.constant 0 : i32
        %dma_start3A_455 = arith.constant 0 : i32
        %dma_start3A_456 = tpu.memref_slice %arg9[%dma_start3A_444, %dma_start3A_454, %dma_start3A_455] : memref<2x40x64xi32, #tpu.memory_space<vmem>> -> memref<1x40x64xi32, #tpu.memory_space<vmem>>
        %dma_start3A_457 = tpu.memref_squeeze %dma_start3A_456 : memref<1x40x64xi32, #tpu.memory_space<vmem>> -> memref<40x64xi32, #tpu.memory_space<vmem>>
        %dma_start3A_458 = arith.constant 0 : i32
        %dma_start3A_459 = tpu.memref_slice %arg4[%add3A_443, %dma_start3A_458] : memref<320000x64xi32, #tpu.memory_space<hbm>> -> memref<40x64xi32, #tpu.memory_space<hbm>>
        tpu.enqueue_dma source(%dma_start3A_459 : memref<40x64xi32, #tpu.memory_space<hbm>>) target(%dma_start3A_457 : memref<40x64xi32, #tpu.memory_space<vmem>>) target_semaphore(%dma_start3A_453 : memref<!tpu.dma_semaphore, #tpu.memory_space<semaphore_mem>>)
      } else {
      }
      %ge3A = arith.constant 2 : i32
      %ge3A_244 = arith.cmpi sge, %add3A_232, %ge3A : i32
      %convert_element_type3A_245 = arith.extui %ge3A_244 : i1 to i32
      %cond3A_246 = arith.constant 0 : i32
      %cond3A_247 = arith.cmpi ne, %convert_element_type3A_245, %cond3A_246 : i32
      scf.if %cond3A_247 {
        %dma_wait3A_392 = arith.constant 0 : i32
        %dma_wait3A_393 = arith.constant 0 : i32
        %dma_wait3A_394 = arith.constant 0 : i32
        %dma_wait3A_395 = arith.constant 0 : i32
        %dma_wait3A_396 = tpu.memref_slice %arg10[%dma_wait3A_392, %dma_wait3A_394, %dma_wait3A_395] : memref<2x40x128xf32, #tpu.memory_space<vmem>> -> memref<1x40x128xf32, #tpu.memory_space<vmem>>
        %dma_wait3A_397 = tpu.memref_squeeze %dma_wait3A_396 : memref<1x40x128xf32, #tpu.memory_space<vmem>> -> memref<40x128xf32, #tpu.memory_space<vmem>>
        %dma_wait3A_398 = arith.constant 0 : i32
        %dma_wait3A_399 = arith.constant 0 : i32
        %dma_wait3A_400 = tpu.memref_slice %arg6[%dma_wait3A_398, %dma_wait3A_399] : memref<10000x128xf32, #tpu.memory_space<vmem_shared>> -> memref<40x128xf32, #tpu.memory_space<vmem_shared>>
        %dma_wait3A_401 = tpu.memref_slice %arg14[%dma_wait3A_393] : memref<2x!tpu.dma_semaphore, #tpu.memory_space<semaphore_mem>> -> memref<1x!tpu.dma_semaphore, #tpu.memory_space<semaphore_mem>>
        %dma_wait3A_402 = tpu.memref_squeeze %dma_wait3A_401 : memref<1x!tpu.dma_semaphore, #tpu.memory_space<semaphore_mem>> -> memref<!tpu.dma_semaphore, #tpu.memory_space<semaphore_mem>>
        %dma_wait3A_403 = arith.constant 0 : i32
        %dma_wait3A_404 = arith.constant 0 : i32
        %dma_wait3A_405 = tpu.memref_slice %arg6[%dma_wait3A_403, %dma_wait3A_404] : memref<10000x128xf32, #tpu.memory_space<vmem_shared>> -> memref<40x128xf32, #tpu.memory_space<vmem_shared>>
        %dma_wait3A_406 = arith.constant 0 : i32
        %dma_wait3A_407 = arith.constant 0 : i32
        %dma_wait3A_408 = tpu.memref_slice %arg10[%dma_wait3A_392, %dma_wait3A_406, %dma_wait3A_407] : memref<2x40x128xf32, #tpu.memory_space<vmem>> -> memref<1x40x128xf32, #tpu.memory_space<vmem>>
        %dma_wait3A_409 = tpu.memref_squeeze %dma_wait3A_408 : memref<1x40x128xf32, #tpu.memory_space<vmem>> -> memref<40x128xf32, #tpu.memory_space<vmem>>
        tpu.wait_dma2 semaphore(%dma_wait3A_402 : memref<!tpu.dma_semaphore, #tpu.memory_space<semaphore_mem>>) src(%dma_wait3A_409 : memref<40x128xf32, #tpu.memory_space<vmem>>) dst(%dma_wait3A_405 : memref<40x128xf32, #tpu.memory_space<vmem_shared>>)
      } else {
      }
      %dma_wait3A_248 = arith.constant 0 : i32
      %dma_wait3A_249 = arith.constant 0 : i32
      %dma_wait3A_250 = arith.constant 0 : i32
      %dma_wait3A_251 = arith.constant 0 : i32
      %dma_wait3A_252 = tpu.memref_slice %arg8[%dma_wait3A_248, %dma_wait3A_250, %dma_wait3A_251] : memref<2x40x128xf32, #tpu.memory_space<vmem>> -> memref<1x40x128xf32, #tpu.memory_space<vmem>>
      %dma_wait3A_253 = tpu.memref_squeeze %dma_wait3A_252 : memref<1x40x128xf32, #tpu.memory_space<vmem>> -> memref<40x128xf32, #tpu.memory_space<vmem>>
      %dma_wait3A_254 = arith.constant 0 : i32
      %dma_wait3A_255 = arith.constant 0 : i32
      %dma_wait3A_256 = tpu.memref_slice %arg2[%dma_wait3A_254, %dma_wait3A_255] : memref<10000x128xf32, #tpu.memory_space<hbm>> -> memref<40x128xf32, #tpu.memory_space<hbm>>
      %dma_wait3A_257 = tpu.memref_slice %arg12[%dma_wait3A_249] : memref<2x!tpu.dma_semaphore, #tpu.memory_space<semaphore_mem>> -> memref<1x!tpu.dma_semaphore, #tpu.memory_space<semaphore_mem>>
      %dma_wait3A_258 = tpu.memref_squeeze %dma_wait3A_257 : memref<1x!tpu.dma_semaphore, #tpu.memory_space<semaphore_mem>> -> memref<!tpu.dma_semaphore, #tpu.memory_space<semaphore_mem>>
      %dma_wait3A_259 = arith.constant 0 : i32
      %dma_wait3A_260 = arith.constant 0 : i32
      %dma_wait3A_261 = tpu.memref_slice %arg8[%dma_wait3A_248, %dma_wait3A_259, %dma_wait3A_260] : memref<2x40x128xf32, #tpu.memory_space<vmem>> -> memref<1x40x128xf32, #tpu.memory_space<vmem>>
      %dma_wait3A_262 = tpu.memref_squeeze %dma_wait3A_261 : memref<1x40x128xf32, #tpu.memory_space<vmem>> -> memref<40x128xf32, #tpu.memory_space<vmem>>
      %dma_wait3A_263 = arith.constant 0 : i32
      %dma_wait3A_264 = arith.constant 0 : i32
      %dma_wait3A_265 = tpu.memref_slice %arg2[%dma_wait3A_263, %dma_wait3A_264] : memref<10000x128xf32, #tpu.memory_space<hbm>> -> memref<40x128xf32, #tpu.memory_space<hbm>>
      tpu.wait_dma2 semaphore(%dma_wait3A_258 : memref<!tpu.dma_semaphore, #tpu.memory_space<semaphore_mem>>) src(%dma_wait3A_265 : memref<40x128xf32, #tpu.memory_space<hbm>>) dst(%dma_wait3A_262 : memref<40x128xf32, #tpu.memory_space<vmem>>)
      %dma_wait3A_266 = arith.constant 0 : i32
      %dma_wait3A_267 = arith.constant 0 : i32
      %dma_wait3A_268 = arith.constant 0 : i32
      %dma_wait3A_269 = arith.constant 0 : i32
      %dma_wait3A_270 = tpu.memref_slice %arg9[%dma_wait3A_266, %dma_wait3A_268, %dma_wait3A_269] : memref<2x40x64xi32, #tpu.memory_space<vmem>> -> memref<1x40x64xi32, #tpu.memory_space<vmem>>
      %dma_wait3A_271 = tpu.memref_squeeze %dma_wait3A_270 : memref<1x40x64xi32, #tpu.memory_space<vmem>> -> memref<40x64xi32, #tpu.memory_space<vmem>>
      %dma_wait3A_272 = arith.constant 0 : i32
      %dma_wait3A_273 = arith.constant 0 : i32
      %dma_wait3A_274 = tpu.memref_slice %arg4[%dma_wait3A_272, %dma_wait3A_273] : memref<320000x64xi32, #tpu.memory_space<hbm>> -> memref<40x64xi32, #tpu.memory_space<hbm>>
      %dma_wait3A_275 = tpu.memref_slice %arg13[%dma_wait3A_267] : memref<2x!tpu.dma_semaphore, #tpu.memory_space<semaphore_mem>> -> memref<1x!tpu.dma_semaphore, #tpu.memory_space<semaphore_mem>>
      %dma_wait3A_276 = tpu.memref_squeeze %dma_wait3A_275 : memref<1x!tpu.dma_semaphore, #tpu.memory_space<semaphore_mem>> -> memref<!tpu.dma_semaphore, #tpu.memory_space<semaphore_mem>>
      %dma_wait3A_277 = arith.constant 0 : i32
      %dma_wait3A_278 = arith.constant 0 : i32
      %dma_wait3A_279 = tpu.memref_slice %arg9[%dma_wait3A_266, %dma_wait3A_277, %dma_wait3A_278] : memref<2x40x64xi32, #tpu.memory_space<vmem>> -> memref<1x40x64xi32, #tpu.memory_space<vmem>>
      %dma_wait3A_280 = tpu.memref_squeeze %dma_wait3A_279 : memref<1x40x64xi32, #tpu.memory_space<vmem>> -> memref<40x64xi32, #tpu.memory_space<vmem>>
      %dma_wait3A_281 = arith.constant 0 : i32
      %dma_wait3A_282 = arith.constant 0 : i32
      %dma_wait3A_283 = tpu.memref_slice %arg4[%dma_wait3A_281, %dma_wait3A_282] : memref<320000x64xi32, #tpu.memory_space<hbm>> -> memref<40x64xi32, #tpu.memory_space<hbm>>
      tpu.wait_dma2 semaphore(%dma_wait3A_276 : memref<!tpu.dma_semaphore, #tpu.memory_space<semaphore_mem>>) src(%dma_wait3A_283 : memref<40x64xi32, #tpu.memory_space<hbm>>) dst(%dma_wait3A_280 : memref<40x64xi32, #tpu.memory_space<vmem>>)
      %scan3A_284 = arith.constant 0 : i32
      %scan3A_285 = arith.constant 0 : i32
      %scan3A_286 = arith.constant 20 : i32
      %scan3A_287 = arith.addi %scan3A_285, %scan3A_286 : i32
      %scan3A_288 = arith.constant 1 : i32
      %scan3A_289 = scf.for %scan3A_392 = %scan3A_285 to %scan3A_287 step %scan3A_288 iter_args(%scan3A_393 = %scan3A_284) -> (i32)  : i32 {
        %mul3A_394 = arith.constant 2 : i32
        %mul3A_395 = arith.muli %mul3A_394, %scan3A_392 : i32
        %add3A_396 = arith.constant 0 : i32
        %add3A_397 = arith.addi %mul3A_395, %add3A_396 : i32
        %get3A = arith.constant 0 : i32
        %get3A_398 = arith.index_cast %get3A : i32 to index
        %get3A_399 = arith.index_cast %add3A_397 : i32 to index
        %get3A_400 = arith.constant 0 : index
        %get3A_401 = tpu.vector_load %arg9[%get3A_398, %get3A_399, %get3A_400] {strides = array<i32>} : memref<2x40x64xi32, #tpu.memory_space<vmem>>, vector<16xi32>,
        %shift_left3A = arith.constant 16 : i32
        %shift_left3A_402 = vector.broadcast %shift_left3A : i32 to vector<16xi32>
        %shift_left3A_403 = arith.shli %get3A_401, %shift_left3A_402 : vector<16xi32>
        %bitcast3A = vector.bitcast %shift_left3A_403 : vector<16xi32> to vector<16xf32>
        %and3A = arith.constant -65536 : i32
        %and3A_404 = vector.broadcast %and3A : i32 to vector<16xi32>
        %and3A_405 = arith.andi %get3A_401, %and3A_404 : vector<16xi32>
        %bitcast3A_406 = vector.bitcast %and3A_405 : vector<16xi32> to vector<16xf32>
        %get3A_407 = arith.constant 0 : i32
        %get3A_408 = arith.index_cast %get3A_407 : i32 to index
        %get3A_409 = arith.index_cast %add3A_397 : i32 to index
        %get3A_410 = arith.constant 0 : index
        %get3A_411 = tpu.vector_load %arg8[%get3A_408, %get3A_409, %get3A_410] {strides = array<i32>} : memref<2x40x128xf32, #tpu.memory_space<vmem>>, vector<16xf32>,
        %get3A_412 = arith.constant 0 : i32
        %get3A_413 = arith.index_cast %get3A_412 : i32 to index
        %get3A_414 = arith.index_cast %add3A_397 : i32 to index
        %get3A_415 = arith.constant 64 : index
        %get3A_416 = tpu.vector_load %arg8[%get3A_413, %get3A_414, %get3A_415] {strides = array<i32>} : memref<2x40x128xf32, #tpu.memory_space<vmem>>, vector<16xf32>,
        %add3A_417 = arith.addf %get3A_411, %bitcast3A : vector<16xf32>
        %max3A = arith.constant 0.000000e+00 : f32
        %max3A_418 = vector.broadcast %max3A : f32 to vector<16xf32>
        %max3A_419 = arith.maximumf %add3A_417, %max3A_418 : vector<16xf32>
        %swap3A = arith.constant 0 : i32
        %swap3A_420 = arith.index_cast %swap3A : i32 to index
        %swap3A_421 = arith.index_cast %add3A_397 : i32 to index
        %swap3A_422 = arith.constant 0 : index
        %swap3A_423 = tpu.vector_load %arg10[%swap3A_420, %swap3A_421, %swap3A_422] {strides = array<i32>} : memref<2x40x128xf32, #tpu.memory_space<vmem>>, vector<16xf32>,
        tpu.vector_store %arg10[%swap3A_420, %swap3A_421, %swap3A_422], %max3A_419 {strides = array<i32>} : memref<2x40x128xf32, #tpu.memory_space<vmem>>, vector<16xf32>,
        %add3A_424 = arith.addf %get3A_416, %bitcast3A_406 : vector<16xf32>
        %max3A_425 = arith.constant 0.000000e+00 : f32
        %max3A_426 = vector.broadcast %max3A_425 : f32 to vector<16xf32>
        %max3A_427 = arith.maximumf %add3A_424, %max3A_426 : vector<16xf32>
        %swap3A_428 = arith.constant 0 : i32
        %swap3A_429 = arith.index_cast %swap3A_428 : i32 to index
        %swap3A_430 = arith.index_cast %add3A_397 : i32 to index
        %swap3A_431 = arith.constant 64 : index
        %swap3A_432 = tpu.vector_load %arg10[%swap3A_429, %swap3A_430, %swap3A_431] {strides = array<i32>} : memref<2x40x128xf32, #tpu.memory_space<vmem>>, vector<16xf32>,
        tpu.vector_store %arg10[%swap3A_429, %swap3A_430, %swap3A_431], %max3A_427 {strides = array<i32>} : memref<2x40x128xf32, #tpu.memory_space<vmem>>, vector<16xf32>,
        %get3A_433 = arith.constant 0 : i32
        %get3A_434 = arith.index_cast %get3A_433 : i32 to index
        %get3A_435 = arith.index_cast %add3A_397 : i32 to index
        %get3A_436 = arith.constant 16 : index
        %get3A_437 = tpu.vector_load %arg9[%get3A_434, %get3A_435, %get3A_436] {strides = array<i32>} : memref<2x40x64xi32, #tpu.memory_space<vmem>>, vector<16xi32>,
        %shift_left3A_438 = arith.constant 16 : i32
        %shift_left3A_439 = vector.broadcast %shift_left3A_438 : i32 to vector<16xi32>
        %shift_left3A_440 = arith.shli %get3A_437, %shift_left3A_439 : vector<16xi32>
        %bitcast3A_441 = vector.bitcast %shift_left3A_440 : vector<16xi32> to vector<16xf32>
        %and3A_442 = arith.constant -65536 : i32
        %and3A_443 = vector.broadcast %and3A_442 : i32 to vector<16xi32>
        %and3A_444 = arith.andi %get3A_437, %and3A_443 : vector<16xi32>
        %bitcast3A_445 = vector.bitcast %and3A_444 : vector<16xi32> to vector<16xf32>
        %get3A_446 = arith.constant 0 : i32
        %get3A_447 = arith.index_cast %get3A_446 : i32 to index
        %get3A_448 = arith.index_cast %add3A_397 : i32 to index
        %get3A_449 = arith.constant 16 : index
        %get3A_450 = tpu.vector_load %arg8[%get3A_447, %get3A_448, %get3A_449] {strides = array<i32>} : memref<2x40x128xf32, #tpu.memory_space<vmem>>, vector<16xf32>,
        %get3A_451 = arith.constant 0 : i32
        %get3A_452 = arith.index_cast %get3A_451 : i32 to index
        %get3A_453 = arith.index_cast %add3A_397 : i32 to index
        %get3A_454 = arith.constant 80 : index
        %get3A_455 = tpu.vector_load %arg8[%get3A_452, %get3A_453, %get3A_454] {strides = array<i32>} : memref<2x40x128xf32, #tpu.memory_space<vmem>>, vector<16xf32>,
        %add3A_456 = arith.addf %get3A_450, %bitcast3A_441 : vector<16xf32>
        %max3A_457 = arith.constant 0.000000e+00 : f32
        %max3A_458 = vector.broadcast %max3A_457 : f32 to vector<16xf32>
        %max3A_459 = arith.maximumf %add3A_456, %max3A_458 : vector<16xf32>
        %swap3A_460 = arith.constant 0 : i32
        %swap3A_461 = arith.index_cast %swap3A_460 : i32 to index
        %swap3A_462 = arith.index_cast %add3A_397 : i32 to index
        %swap3A_463 = arith.constant 16 : index
        %swap3A_464 = tpu.vector_load %arg10[%swap3A_461, %swap3A_462, %swap3A_463] {strides = array<i32>} : memref<2x40x128xf32, #tpu.memory_space<vmem>>, vector<16xf32>,
        tpu.vector_store %arg10[%swap3A_461, %swap3A_462, %swap3A_463], %max3A_459 {strides = array<i32>} : memref<2x40x128xf32, #tpu.memory_space<vmem>>, vector<16xf32>,
        %add3A_465 = arith.addf %get3A_455, %bitcast3A_445 : vector<16xf32>
        %max3A_466 = arith.constant 0.000000e+00 : f32
        %max3A_467 = vector.broadcast %max3A_466 : f32 to vector<16xf32>
        %max3A_468 = arith.maximumf %add3A_465, %max3A_467 : vector<16xf32>
        %swap3A_469 = arith.constant 0 : i32
        %swap3A_470 = arith.index_cast %swap3A_469 : i32 to index
        %swap3A_471 = arith.index_cast %add3A_397 : i32 to index
        %swap3A_472 = arith.constant 80 : index
        %swap3A_473 = tpu.vector_load %arg10[%swap3A_470, %swap3A_471, %swap3A_472] {strides = array<i32>} : memref<2x40x128xf32, #tpu.memory_space<vmem>>, vector<16xf32>,
        tpu.vector_store %arg10[%swap3A_470, %swap3A_471, %swap3A_472], %max3A_468 {strides = array<i32>} : memref<2x40x128xf32, #tpu.memory_space<vmem>>, vector<16xf32>,
        %get3A_474 = arith.constant 0 : i32
        %get3A_475 = arith.index_cast %get3A_474 : i32 to index
        %get3A_476 = arith.index_cast %add3A_397 : i32 to index
        %get3A_477 = arith.constant 32 : index
        %get3A_478 = tpu.vector_load %arg9[%get3A_475, %get3A_476, %get3A_477] {strides = array<i32>} : memref<2x40x64xi32, #tpu.memory_space<vmem>>, vector<16xi32>,
        %shift_left3A_479 = arith.constant 16 : i32
        %shift_left3A_480 = vector.broadcast %shift_left3A_479 : i32 to vector<16xi32>
        %shift_left3A_481 = arith.shli %get3A_478, %shift_left3A_480 : vector<16xi32>
        %bitcast3A_482 = vector.bitcast %shift_left3A_481 : vector<16xi32> to vector<16xf32>
        %and3A_483 = arith.constant -65536 : i32
        %and3A_484 = vector.broadcast %and3A_483 : i32 to vector<16xi32>
        %and3A_485 = arith.andi %get3A_478, %and3A_484 : vector<16xi32>
        %bitcast3A_486 = vector.bitcast %and3A_485 : vector<16xi32> to vector<16xf32>
        %get3A_487 = arith.constant 0 : i32
        %get3A_488 = arith.index_cast %get3A_487 : i32 to index
        %get3A_489 = arith.index_cast %add3A_397 : i32 to index
        %get3A_490 = arith.constant 32 : index
        %get3A_491 = tpu.vector_load %arg8[%get3A_488, %get3A_489, %get3A_490] {strides = array<i32>} : memref<2x40x128xf32, #tpu.memory_space<vmem>>, vector<16xf32>,
        %get3A_492 = arith.constant 0 : i32
        %get3A_493 = arith.index_cast %get3A_492 : i32 to index
        %get3A_494 = arith.index_cast %add3A_397 : i32 to index
        %get3A_495 = arith.constant 96 : index
        %get3A_496 = tpu.vector_load %arg8[%get3A_493, %get3A_494, %get3A_495] {strides = array<i32>} : memref<2x40x128xf32, #tpu.memory_space<vmem>>, vector<16xf32>,
        %add3A_497 = arith.addf %get3A_491, %bitcast3A_482 : vector<16xf32>
        %max3A_498 = arith.constant 0.000000e+00 : f32
        %max3A_499 = vector.broadcast %max3A_498 : f32 to vector<16xf32>
        %max3A_500 = arith.maximumf %add3A_497, %max3A_499 : vector<16xf32>
        %swap3A_501 = arith.constant 0 : i32
        %swap3A_502 = arith.index_cast %swap3A_501 : i32 to index
        %swap3A_503 = arith.index_cast %add3A_397 : i32 to index
        %swap3A_504 = arith.constant 32 : index
        %swap3A_505 = tpu.vector_load %arg10[%swap3A_502, %swap3A_503, %swap3A_504] {strides = array<i32>} : memref<2x40x128xf32, #tpu.memory_space<vmem>>, vector<16xf32>,
        tpu.vector_store %arg10[%swap3A_502, %swap3A_503, %swap3A_504], %max3A_500 {strides = array<i32>} : memref<2x40x128xf32, #tpu.memory_space<vmem>>, vector<16xf32>,
        %add3A_506 = arith.addf %get3A_496, %bitcast3A_486 : vector<16xf32>
        %max3A_507 = arith.constant 0.000000e+00 : f32
        %max3A_508 = vector.broadcast %max3A_507 : f32 to vector<16xf32>
        %max3A_509 = arith.maximumf %add3A_506, %max3A_508 : vector<16xf32>
        %swap3A_510 = arith.constant 0 : i32
        %swap3A_511 = arith.index_cast %swap3A_510 : i32 to index
        %swap3A_512 = arith.index_cast %add3A_397 : i32 to index
        %swap3A_513 = arith.constant 96 : index
        %swap3A_514 = tpu.vector_load %arg10[%swap3A_511, %swap3A_512, %swap3A_513] {strides = array<i32>} : memref<2x40x128xf32, #tpu.memory_space<vmem>>, vector<16xf32>,
        tpu.vector_store %arg10[%swap3A_511, %swap3A_512, %swap3A_513], %max3A_509 {strides = array<i32>} : memref<2x40x128xf32, #tpu.memory_space<vmem>>, vector<16xf32>,
        %get3A_515 = arith.constant 0 : i32
        %get3A_516 = arith.index_cast %get3A_515 : i32 to index
        %get3A_517 = arith.index_cast %add3A_397 : i32 to index
        %get3A_518 = arith.constant 48 : index
        %get3A_519 = tpu.vector_load %arg9[%get3A_516, %get3A_517, %get3A_518] {strides = array<i32>} : memref<2x40x64xi32, #tpu.memory_space<vmem>>, vector<16xi32>,
        %shift_left3A_520 = arith.constant 16 : i32
        %shift_left3A_521 = vector.broadcast %shift_left3A_520 : i32 to vector<16xi32>
        %shift_left3A_522 = arith.shli %get3A_519, %shift_left3A_521 : vector<16xi32>
        %bitcast3A_523 = vector.bitcast %shift_left3A_522 : vector<16xi32> to vector<16xf32>
        %and3A_524 = arith.constant -65536 : i32
        %and3A_525 = vector.broadcast %and3A_524 : i32 to vector<16xi32>
        %and3A_526 = arith.andi %get3A_519, %and3A_525 : vector<16xi32>
        %bitcast3A_527 = vector.bitcast %and3A_526 : vector<16xi32> to vector<16xf32>
        %get3A_528 = arith.constant 0 : i32
        %get3A_529 = arith.index_cast %get3A_528 : i32 to index
        %get3A_530 = arith.index_cast %add3A_397 : i32 to index
        %get3A_531 = arith.constant 48 : index
        %get3A_532 = tpu.vector_load %arg8[%get3A_529, %get3A_530, %get3A_531] {strides = array<i32>} : memref<2x40x128xf32, #tpu.memory_space<vmem>>, vector<16xf32>,
        %get3A_533 = arith.constant 0 : i32
        %get3A_534 = arith.index_cast %get3A_533 : i32 to index
        %get3A_535 = arith.index_cast %add3A_397 : i32 to index
        %get3A_536 = arith.constant 112 : index
        %get3A_537 = tpu.vector_load %arg8[%get3A_534, %get3A_535, %get3A_536] {strides = array<i32>} : memref<2x40x128xf32, #tpu.memory_space<vmem>>, vector<16xf32>,
        %add3A_538 = arith.addf %get3A_532, %bitcast3A_523 : vector<16xf32>
        %max3A_539 = arith.constant 0.000000e+00 : f32
        %max3A_540 = vector.broadcast %max3A_539 : f32 to vector<16xf32>
        %max3A_541 = arith.maximumf %add3A_538, %max3A_540 : vector<16xf32>
        %swap3A_542 = arith.constant 0 : i32
        %swap3A_543 = arith.index_cast %swap3A_542 : i32 to index
        %swap3A_544 = arith.index_cast %add3A_397 : i32 to index
        %swap3A_545 = arith.constant 48 : index
        %swap3A_546 = tpu.vector_load %arg10[%swap3A_543, %swap3A_544, %swap3A_545] {strides = array<i32>} : memref<2x40x128xf32, #tpu.memory_space<vmem>>, vector<16xf32>,
        tpu.vector_store %arg10[%swap3A_543, %swap3A_544, %swap3A_545], %max3A_541 {strides = array<i32>} : memref<2x40x128xf32, #tpu.memory_space<vmem>>, vector<16xf32>,
        %add3A_547 = arith.addf %get3A_537, %bitcast3A_527 : vector<16xf32>
        %max3A_548 = arith.constant 0.000000e+00 : f32
        %max3A_549 = vector.broadcast %max3A_548 : f32 to vector<16xf32>
        %max3A_550 = arith.maximumf %add3A_547, %max3A_549 : vector<16xf32>
        %swap3A_551 = arith.constant 0 : i32
        %swap3A_552 = arith.index_cast %swap3A_551 : i32 to index
        %swap3A_553 = arith.index_cast %add3A_397 : i32 to index
        %swap3A_554 = arith.constant 112 : index
        %swap3A_555 = tpu.vector_load %arg10[%swap3A_552, %swap3A_553, %swap3A_554] {strides = array<i32>} : memref<2x40x128xf32, #tpu.memory_space<vmem>>, vector<16xf32>,
        tpu.vector_store %arg10[%swap3A_552, %swap3A_553, %swap3A_554], %max3A_550 {strides = array<i32>} : memref<2x40x128xf32, #tpu.memory_space<vmem>>, vector<16xf32>,
        %mul3A_556 = arith.constant 2 : i32
        %mul3A_557 = arith.muli %mul3A_556, %scan3A_392 : i32
        %add3A_558 = arith.constant 1 : i32
        %add3A_559 = arith.addi %mul3A_557, %add3A_558 : i32
        %get3A_560 = arith.constant 0 : i32
        %get3A_561 = arith.index_cast %get3A_560 : i32 to index
        %get3A_562 = arith.index_cast %add3A_559 : i32 to index
        %get3A_563 = arith.constant 0 : index
        %get3A_564 = tpu.vector_load %arg9[%get3A_561, %get3A_562, %get3A_563] {strides = array<i32>} : memref<2x40x64xi32, #tpu.memory_space<vmem>>, vector<16xi32>,
        %shift_left3A_565 = arith.constant 16 : i32
        %shift_left3A_566 = vector.broadcast %shift_left3A_565 : i32 to vector<16xi32>
        %shift_left3A_567 = arith.shli %get3A_564, %shift_left3A_566 : vector<16xi32>
        %bitcast3A_568 = vector.bitcast %shift_left3A_567 : vector<16xi32> to vector<16xf32>
        %and3A_569 = arith.constant -65536 : i32
        %and3A_570 = vector.broadcast %and3A_569 : i32 to vector<16xi32>
        %and3A_571 = arith.andi %get3A_564, %and3A_570 : vector<16xi32>
        %bitcast3A_572 = vector.bitcast %and3A_571 : vector<16xi32> to vector<16xf32>
        %get3A_573 = arith.constant 0 : i32
        %get3A_574 = arith.index_cast %get3A_573 : i32 to index
        %get3A_575 = arith.index_cast %add3A_559 : i32 to index
        %get3A_576 = arith.constant 0 : index
        %get3A_577 = tpu.vector_load %arg8[%get3A_574, %get3A_575, %get3A_576] {strides = array<i32>} : memref<2x40x128xf32, #tpu.memory_space<vmem>>, vector<16xf32>,
        %get3A_578 = arith.constant 0 : i32
        %get3A_579 = arith.index_cast %get3A_578 : i32 to index
        %get3A_580 = arith.index_cast %add3A_559 : i32 to index
        %get3A_581 = arith.constant 64 : index
        %get3A_582 = tpu.vector_load %arg8[%get3A_579, %get3A_580, %get3A_581] {strides = array<i32>} : memref<2x40x128xf32, #tpu.memory_space<vmem>>, vector<16xf32>,
        %add3A_583 = arith.addf %get3A_577, %bitcast3A_568 : vector<16xf32>
        %max3A_584 = arith.constant 0.000000e+00 : f32
        %max3A_585 = vector.broadcast %max3A_584 : f32 to vector<16xf32>
        %max3A_586 = arith.maximumf %add3A_583, %max3A_585 : vector<16xf32>
        %swap3A_587 = arith.constant 0 : i32
        %swap3A_588 = arith.index_cast %swap3A_587 : i32 to index
        %swap3A_589 = arith.index_cast %add3A_559 : i32 to index
        %swap3A_590 = arith.constant 0 : index
        %swap3A_591 = tpu.vector_load %arg10[%swap3A_588, %swap3A_589, %swap3A_590] {strides = array<i32>} : memref<2x40x128xf32, #tpu.memory_space<vmem>>, vector<16xf32>,
        tpu.vector_store %arg10[%swap3A_588, %swap3A_589, %swap3A_590], %max3A_586 {strides = array<i32>} : memref<2x40x128xf32, #tpu.memory_space<vmem>>, vector<16xf32>,
        %add3A_592 = arith.addf %get3A_582, %bitcast3A_572 : vector<16xf32>
        %max3A_593 = arith.constant 0.000000e+00 : f32
        %max3A_594 = vector.broadcast %max3A_593 : f32 to vector<16xf32>
        %max3A_595 = arith.maximumf %add3A_592, %max3A_594 : vector<16xf32>
        %swap3A_596 = arith.constant 0 : i32
        %swap3A_597 = arith.index_cast %swap3A_596 : i32 to index
        %swap3A_598 = arith.index_cast %add3A_559 : i32 to index
        %swap3A_599 = arith.constant 64 : index
        %swap3A_600 = tpu.vector_load %arg10[%swap3A_597, %swap3A_598, %swap3A_599] {strides = array<i32>} : memref<2x40x128xf32, #tpu.memory_space<vmem>>, vector<16xf32>,
        tpu.vector_store %arg10[%swap3A_597, %swap3A_598, %swap3A_599], %max3A_595 {strides = array<i32>} : memref<2x40x128xf32, #tpu.memory_space<vmem>>, vector<16xf32>,
        %get3A_601 = arith.constant 0 : i32
        %get3A_602 = arith.index_cast %get3A_601 : i32 to index
        %get3A_603 = arith.index_cast %add3A_559 : i32 to index
        %get3A_604 = arith.constant 16 : index
        %get3A_605 = tpu.vector_load %arg9[%get3A_602, %get3A_603, %get3A_604] {strides = array<i32>} : memref<2x40x64xi32, #tpu.memory_space<vmem>>, vector<16xi32>,
        %shift_left3A_606 = arith.constant 16 : i32
        %shift_left3A_607 = vector.broadcast %shift_left3A_606 : i32 to vector<16xi32>
        %shift_left3A_608 = arith.shli %get3A_605, %shift_left3A_607 : vector<16xi32>
        %bitcast3A_609 = vector.bitcast %shift_left3A_608 : vector<16xi32> to vector<16xf32>
        %and3A_610 = arith.constant -65536 : i32
        %and3A_611 = vector.broadcast %and3A_610 : i32 to vector<16xi32>
        %and3A_612 = arith.andi %get3A_605, %and3A_611 : vector<16xi32>
        %bitcast3A_613 = vector.bitcast %and3A_612 : vector<16xi32> to vector<16xf32>
        %get3A_614 = arith.constant 0 : i32
        %get3A_615 = arith.index_cast %get3A_614 : i32 to index
        %get3A_616 = arith.index_cast %add3A_559 : i32 to index
        %get3A_617 = arith.constant 16 : index
        %get3A_618 = tpu.vector_load %arg8[%get3A_615, %get3A_616, %get3A_617] {strides = array<i32>} : memref<2x40x128xf32, #tpu.memory_space<vmem>>, vector<16xf32>,
        %get3A_619 = arith.constant 0 : i32
        %get3A_620 = arith.index_cast %get3A_619 : i32 to index
        %get3A_621 = arith.index_cast %add3A_559 : i32 to index
        %get3A_622 = arith.constant 80 : index
        %get3A_623 = tpu.vector_load %arg8[%get3A_620, %get3A_621, %get3A_622] {strides = array<i32>} : memref<2x40x128xf32, #tpu.memory_space<vmem>>, vector<16xf32>,
        %add3A_624 = arith.addf %get3A_618, %bitcast3A_609 : vector<16xf32>
        %max3A_625 = arith.constant 0.000000e+00 : f32
        %max3A_626 = vector.broadcast %max3A_625 : f32 to vector<16xf32>
        %max3A_627 = arith.maximumf %add3A_624, %max3A_626 : vector<16xf32>
        %swap3A_628 = arith.constant 0 : i32
        %swap3A_629 = arith.index_cast %swap3A_628 : i32 to index
        %swap3A_630 = arith.index_cast %add3A_559 : i32 to index
        %swap3A_631 = arith.constant 16 : index
        %swap3A_632 = tpu.vector_load %arg10[%swap3A_629, %swap3A_630, %swap3A_631] {strides = array<i32>} : memref<2x40x128xf32, #tpu.memory_space<vmem>>, vector<16xf32>,
        tpu.vector_store %arg10[%swap3A_629, %swap3A_630, %swap3A_631], %max3A_627 {strides = array<i32>} : memref<2x40x128xf32, #tpu.memory_space<vmem>>, vector<16xf32>,
        %add3A_633 = arith.addf %get3A_623, %bitcast3A_613 : vector<16xf32>
        %max3A_634 = arith.constant 0.000000e+00 : f32
        %max3A_635 = vector.broadcast %max3A_634 : f32 to vector<16xf32>
        %max3A_636 = arith.maximumf %add3A_633, %max3A_635 : vector<16xf32>
        %swap3A_637 = arith.constant 0 : i32
        %swap3A_638 = arith.index_cast %swap3A_637 : i32 to index
        %swap3A_639 = arith.index_cast %add3A_559 : i32 to index
        %swap3A_640 = arith.constant 80 : index
        %swap3A_641 = tpu.vector_load %arg10[%swap3A_638, %swap3A_639, %swap3A_640] {strides = array<i32>} : memref<2x40x128xf32, #tpu.memory_space<vmem>>, vector<16xf32>,
        tpu.vector_store %arg10[%swap3A_638, %swap3A_639, %swap3A_640], %max3A_636 {strides = array<i32>} : memref<2x40x128xf32, #tpu.memory_space<vmem>>, vector<16xf32>,
        %get3A_642 = arith.constant 0 : i32
        %get3A_643 = arith.index_cast %get3A_642 : i32 to index
        %get3A_644 = arith.index_cast %add3A_559 : i32 to index
        %get3A_645 = arith.constant 32 : index
        %get3A_646 = tpu.vector_load %arg9[%get3A_643, %get3A_644, %get3A_645] {strides = array<i32>} : memref<2x40x64xi32, #tpu.memory_space<vmem>>, vector<16xi32>,
        %shift_left3A_647 = arith.constant 16 : i32
        %shift_left3A_648 = vector.broadcast %shift_left3A_647 : i32 to vector<16xi32>
        %shift_left3A_649 = arith.shli %get3A_646, %shift_left3A_648 : vector<16xi32>
        %bitcast3A_650 = vector.bitcast %shift_left3A_649 : vector<16xi32> to vector<16xf32>
        %and3A_651 = arith.constant -65536 : i32
        %and3A_652 = vector.broadcast %and3A_651 : i32 to vector<16xi32>
        %and3A_653 = arith.andi %get3A_646, %and3A_652 : vector<16xi32>
        %bitcast3A_654 = vector.bitcast %and3A_653 : vector<16xi32> to vector<16xf32>
        %get3A_655 = arith.constant 0 : i32
        %get3A_656 = arith.index_cast %get3A_655 : i32 to index
        %get3A_657 = arith.index_cast %add3A_559 : i32 to index
        %get3A_658 = arith.constant 32 : index
        %get3A_659 = tpu.vector_load %arg8[%get3A_656, %get3A_657, %get3A_658] {strides = array<i32>} : memref<2x40x128xf32, #tpu.memory_space<vmem>>, vector<16xf32>,
        %get3A_660 = arith.constant 0 : i32
        %get3A_661 = arith.index_cast %get3A_660 : i32 to index
        %get3A_662 = arith.index_cast %add3A_559 : i32 to index
        %get3A_663 = arith.constant 96 : index
        %get3A_664 = tpu.vector_load %arg8[%get3A_661, %get3A_662, %get3A_663] {strides = array<i32>} : memref<2x40x128xf32, #tpu.memory_space<vmem>>, vector<16xf32>,
        %add3A_665 = arith.addf %get3A_659, %bitcast3A_650 : vector<16xf32>
        %max3A_666 = arith.constant 0.000000e+00 : f32
        %max3A_667 = vector.broadcast %max3A_666 : f32 to vector<16xf32>
        %max3A_668 = arith.maximumf %add3A_665, %max3A_667 : vector<16xf32>
        %swap3A_669 = arith.constant 0 : i32
        %swap3A_670 = arith.index_cast %swap3A_669 : i32 to index
        %swap3A_671 = arith.index_cast %add3A_559 : i32 to index
        %swap3A_672 = arith.constant 32 : index
        %swap3A_673 = tpu.vector_load %arg10[%swap3A_670, %swap3A_671, %swap3A_672] {strides = array<i32>} : memref<2x40x128xf32, #tpu.memory_space<vmem>>, vector<16xf32>,
        tpu.vector_store %arg10[%swap3A_670, %swap3A_671, %swap3A_672], %max3A_668 {strides = array<i32>} : memref<2x40x128xf32, #tpu.memory_space<vmem>>, vector<16xf32>,
        %add3A_674 = arith.addf %get3A_664, %bitcast3A_654 : vector<16xf32>
        %max3A_675 = arith.constant 0.000000e+00 : f32
        %max3A_676 = vector.broadcast %max3A_675 : f32 to vector<16xf32>
        %max3A_677 = arith.maximumf %add3A_674, %max3A_676 : vector<16xf32>
        %swap3A_678 = arith.constant 0 : i32
        %swap3A_679 = arith.index_cast %swap3A_678 : i32 to index
        %swap3A_680 = arith.index_cast %add3A_559 : i32 to index
        %swap3A_681 = arith.constant 96 : index
        %swap3A_682 = tpu.vector_load %arg10[%swap3A_679, %swap3A_680, %swap3A_681] {strides = array<i32>} : memref<2x40x128xf32, #tpu.memory_space<vmem>>, vector<16xf32>,
        tpu.vector_store %arg10[%swap3A_679, %swap3A_680, %swap3A_681], %max3A_677 {strides = array<i32>} : memref<2x40x128xf32, #tpu.memory_space<vmem>>, vector<16xf32>,
        %get3A_683 = arith.constant 0 : i32
        %get3A_684 = arith.index_cast %get3A_683 : i32 to index
        %get3A_685 = arith.index_cast %add3A_559 : i32 to index
        %get3A_686 = arith.constant 48 : index
        %get3A_687 = tpu.vector_load %arg9[%get3A_684, %get3A_685, %get3A_686] {strides = array<i32>} : memref<2x40x64xi32, #tpu.memory_space<vmem>>, vector<16xi32>,
        %shift_left3A_688 = arith.constant 16 : i32
        %shift_left3A_689 = vector.broadcast %shift_left3A_688 : i32 to vector<16xi32>
        %shift_left3A_690 = arith.shli %get3A_687, %shift_left3A_689 : vector<16xi32>
        %bitcast3A_691 = vector.bitcast %shift_left3A_690 : vector<16xi32> to vector<16xf32>
        %and3A_692 = arith.constant -65536 : i32
        %and3A_693 = vector.broadcast %and3A_692 : i32 to vector<16xi32>
        %and3A_694 = arith.andi %get3A_687, %and3A_693 : vector<16xi32>
        %bitcast3A_695 = vector.bitcast %and3A_694 : vector<16xi32> to vector<16xf32>
        %get3A_696 = arith.constant 0 : i32
        %get3A_697 = arith.index_cast %get3A_696 : i32 to index
        %get3A_698 = arith.index_cast %add3A_559 : i32 to index
        %get3A_699 = arith.constant 48 : index
        %get3A_700 = tpu.vector_load %arg8[%get3A_697, %get3A_698, %get3A_699] {strides = array<i32>} : memref<2x40x128xf32, #tpu.memory_space<vmem>>, vector<16xf32>,
        %get3A_701 = arith.constant 0 : i32
        %get3A_702 = arith.index_cast %get3A_701 : i32 to index
        %get3A_703 = arith.index_cast %add3A_559 : i32 to index
        %get3A_704 = arith.constant 112 : index
        %get3A_705 = tpu.vector_load %arg8[%get3A_702, %get3A_703, %get3A_704] {strides = array<i32>} : memref<2x40x128xf32, #tpu.memory_space<vmem>>, vector<16xf32>,
        %add3A_706 = arith.addf %get3A_700, %bitcast3A_691 : vector<16xf32>
        %max3A_707 = arith.constant 0.000000e+00 : f32
        %max3A_708 = vector.broadcast %max3A_707 : f32 to vector<16xf32>
        %max3A_709 = arith.maximumf %add3A_706, %max3A_708 : vector<16xf32>
        %swap3A_710 = arith.constant 0 : i32
        %swap3A_711 = arith.index_cast %swap3A_710 : i32 to index
        %swap3A_712 = arith.index_cast %add3A_559 : i32 to index
        %swap3A_713 = arith.constant 48 : index
        %swap3A_714 = tpu.vector_load %arg10[%swap3A_711, %swap3A_712, %swap3A_713] {strides = array<i32>} : memref<2x40x128xf32, #tpu.memory_space<vmem>>, vector<16xf32>,
        tpu.vector_store %arg10[%swap3A_711, %swap3A_712, %swap3A_713], %max3A_709 {strides = array<i32>} : memref<2x40x128xf32, #tpu.memory_space<vmem>>, vector<16xf32>,
        %add3A_715 = arith.addf %get3A_705, %bitcast3A_695 : vector<16xf32>
        %max3A_716 = arith.constant 0.000000e+00 : f32
        %max3A_717 = vector.broadcast %max3A_716 : f32 to vector<16xf32>
        %max3A_718 = arith.maximumf %add3A_715, %max3A_717 : vector<16xf32>
        %swap3A_719 = arith.constant 0 : i32
        %swap3A_720 = arith.index_cast %swap3A_719 : i32 to index
        %swap3A_721 = arith.index_cast %add3A_559 : i32 to index
        %swap3A_722 = arith.constant 112 : index
        %swap3A_723 = tpu.vector_load %arg10[%swap3A_720, %swap3A_721, %swap3A_722] {strides = array<i32>} : memref<2x40x128xf32, #tpu.memory_space<vmem>>, vector<16xf32>,
        tpu.vector_store %arg10[%swap3A_720, %swap3A_721, %swap3A_722], %max3A_718 {strides = array<i32>} : memref<2x40x128xf32, #tpu.memory_space<vmem>>, vector<16xf32>,
        %scan3A_724 = arith.constant 0 : i32
        scf.yield %scan3A_724 : i32
      }
      %scan3A_290 = arith.constant 20 : i32
      %rem3A_291 = arith.constant 4 : i32
      %rem3A_292 = arith.remsi %add3A_232, %rem3A_291 : i32
      %dma_start3A_293 = arith.constant 0 : i32
      %dma_start3A_294 = arith.constant 1 : i32
      %dma_start3A_295 = arith.constant 0 : i32
      %dma_start3A_296 = arith.constant 0 : i32
      %dma_start3A_297 = arith.constant 0 : i32
      %dma_start3A_298 = tpu.memref_slice %arg10[%dma_start3A_293, %dma_start3A_296, %dma_start3A_297] : memref<2x40x128xf32, #tpu.memory_space<vmem>> -> memref<1x40x128xf32, #tpu.memory_space<vmem>>
      %dma_start3A_299 = tpu.memref_squeeze %dma_start3A_298 : memref<1x40x128xf32, #tpu.memory_space<vmem>> -> memref<40x128xf32, #tpu.memory_space<vmem>>
      %dma_start3A_300 = arith.constant 0 : i32
      %dma_start3A_301 = tpu.memref_slice %arg7[%rem3A_292, %dma_start3A_294, %dma_start3A_300] : memref<4x2x40xi32, #tpu.memory_space<vmem>> -> memref<1x1x40xi32, #tpu.memory_space<vmem>>
      %dma_start3A_302 = tpu.memref_squeeze %dma_start3A_301 : memref<1x1x40xi32, #tpu.memory_space<vmem>> -> memref<40xi32, #tpu.memory_space<vmem>>
      %dma_start3A_303 = arith.constant 0 : i32
      %dma_start3A_304 = arith.constant 0 : i32
      %dma_start3A_305 = tpu.memref_slice %arg6[%dma_start3A_303, %dma_start3A_304] : memref<10000x128xf32, #tpu.memory_space<vmem_shared>> -> memref<10000x128xf32, #tpu.memory_space<vmem_shared>>
      %dma_start3A_306 = tpu.memref_slice %arg14[%dma_start3A_295] : memref<2x!tpu.dma_semaphore, #tpu.memory_space<semaphore_mem>> -> memref<1x!tpu.dma_semaphore, #tpu.memory_space<semaphore_mem>>
      %dma_start3A_307 = tpu.memref_squeeze %dma_start3A_306 : memref<1x!tpu.dma_semaphore, #tpu.memory_space<semaphore_mem>> -> memref<!tpu.dma_semaphore, #tpu.memory_space<semaphore_mem>>
      tpu.enqueue_indirect_dma source(%dma_start3A_299 : memref<40x128xf32, #tpu.memory_space<vmem>>) target(%dma_start3A_305 : memref<10000x128xf32, #tpu.memory_space<vmem_shared>>) offsets(%dma_start3A_302 : memref<40xi32, #tpu.memory_space<vmem>>) semaphore(%dma_start3A_307 : memref<!tpu.dma_semaphore, #tpu.memory_space<semaphore_mem>>) {add = true}
      %mul3A_308 = arith.constant 2 : i32
      %mul3A_309 = arith.muli %scan3A_227, %mul3A_308 : i32
      %add3A_310 = arith.constant 1 : i32
      %add3A_311 = arith.addi %mul3A_309, %add3A_310 : i32
      %add3A_312 = arith.constant 3 : i32
      %add3A_313 = arith.addi %add3A_311, %add3A_312 : i32
      %lt3A_314 = arith.constant 250 : i32
      %lt3A_315 = arith.cmpi slt, %add3A_313, %lt3A_314 : i32
      %convert_element_type3A_316 = arith.extui %lt3A_315 : i1 to i32
      %cond3A_317 = arith.constant 0 : i32
      %cond3A_318 = arith.cmpi ne, %convert_element_type3A_316, %cond3A_317 : i32
      scf.if %cond3A_318 {
        %add3A_392 = arith.constant 3 : i32
        %add3A_393 = arith.addi %add3A_311, %add3A_392 : i32
        %rem3A_394 = arith.constant 4 : i32
        %rem3A_395 = arith.remsi %add3A_393, %rem3A_394 : i32
        %mul3A_396 = arith.constant 40 : i32
        %mul3A_397 = arith.muli %add3A_393, %mul3A_396 : i32
        %add3A_398 = arith.addi %mul3A_2, %mul3A_397 : i32
        %dma_start3A_399 = arith.constant 0 : i32
        %dma_start3A_400 = arith.constant 0 : i32
        %dma_start3A_401 = tpu.memref_slice %arg7[%rem3A_395, %dma_start3A_399, %dma_start3A_400] : memref<4x2x40xi32, #tpu.memory_space<vmem>> -> memref<1x1x40xi32, #tpu.memory_space<vmem>>
        %dma_start3A_402 = tpu.memref_squeeze %dma_start3A_401 : memref<1x1x40xi32, #tpu.memory_space<vmem>> -> memref<40xi32, #tpu.memory_space<vmem>>
        %dma_start3A_403 = tpu.memref_slice %arg3[%add3A_398] : memref<640000xi32, #tpu.memory_space<hbm>> -> memref<40xi32, #tpu.memory_space<hbm>>
        %dma_start3A_404 = tpu.memref_slice %arg11[%rem3A_395] : memref<4x!tpu.dma_semaphore, #tpu.memory_space<semaphore_mem>> -> memref<1x!tpu.dma_semaphore, #tpu.memory_space<semaphore_mem>>
        %dma_start3A_405 = tpu.memref_squeeze %dma_start3A_404 : memref<1x!tpu.dma_semaphore, #tpu.memory_space<semaphore_mem>> -> memref<!tpu.dma_semaphore, #tpu.memory_space<semaphore_mem>>
        %dma_start3A_406 = arith.constant 0 : i32
        %dma_start3A_407 = tpu.memref_slice %arg7[%rem3A_395, %dma_start3A_399, %dma_start3A_406] : memref<4x2x40xi32, #tpu.memory_space<vmem>> -> memref<1x1x40xi32, #tpu.memory_space<vmem>>
        %dma_start3A_408 = tpu.memref_squeeze %dma_start3A_407 : memref<1x1x40xi32, #tpu.memory_space<vmem>> -> memref<40xi32, #tpu.memory_space<vmem>>
        %dma_start3A_409 = tpu.memref_slice %arg3[%add3A_398] : memref<640000xi32, #tpu.memory_space<hbm>> -> memref<40xi32, #tpu.memory_space<hbm>>
        tpu.enqueue_dma source(%dma_start3A_409 : memref<40xi32, #tpu.memory_space<hbm>>) target(%dma_start3A_408 : memref<40xi32, #tpu.memory_space<vmem>>) target_semaphore(%dma_start3A_405 : memref<!tpu.dma_semaphore, #tpu.memory_space<semaphore_mem>>)
        %add3A_410 = arith.constant 320000 : i32
        %add3A_411 = arith.addi %add3A_410, %add3A_398 : i32
        %dma_start3A_412 = arith.constant 1 : i32
        %dma_start3A_413 = arith.constant 0 : i32
        %dma_start3A_414 = tpu.memref_slice %arg7[%rem3A_395, %dma_start3A_412, %dma_start3A_413] : memref<4x2x40xi32, #tpu.memory_space<vmem>> -> memref<1x1x40xi32, #tpu.memory_space<vmem>>
        %dma_start3A_415 = tpu.memref_squeeze %dma_start3A_414 : memref<1x1x40xi32, #tpu.memory_space<vmem>> -> memref<40xi32, #tpu.memory_space<vmem>>
        %dma_start3A_416 = tpu.memref_slice %arg3[%add3A_411] : memref<640000xi32, #tpu.memory_space<hbm>> -> memref<40xi32, #tpu.memory_space<hbm>>
        %dma_start3A_417 = tpu.memref_slice %arg11[%rem3A_395] : memref<4x!tpu.dma_semaphore, #tpu.memory_space<semaphore_mem>> -> memref<1x!tpu.dma_semaphore, #tpu.memory_space<semaphore_mem>>
        %dma_start3A_418 = tpu.memref_squeeze %dma_start3A_417 : memref<1x!tpu.dma_semaphore, #tpu.memory_space<semaphore_mem>> -> memref<!tpu.dma_semaphore, #tpu.memory_space<semaphore_mem>>
        %dma_start3A_419 = arith.constant 0 : i32
        %dma_start3A_420 = tpu.memref_slice %arg7[%rem3A_395, %dma_start3A_412, %dma_start3A_419] : memref<4x2x40xi32, #tpu.memory_space<vmem>> -> memref<1x1x40xi32, #tpu.memory_space<vmem>>
        %dma_start3A_421 = tpu.memref_squeeze %dma_start3A_420 : memref<1x1x40xi32, #tpu.memory_space<vmem>> -> memref<40xi32, #tpu.memory_space<vmem>>
        %dma_start3A_422 = tpu.memref_slice %arg3[%add3A_411] : memref<640000xi32, #tpu.memory_space<hbm>> -> memref<40xi32, #tpu.memory_space<hbm>>
        tpu.enqueue_dma source(%dma_start3A_422 : memref<40xi32, #tpu.memory_space<hbm>>) target(%dma_start3A_421 : memref<40xi32, #tpu.memory_space<vmem>>) target_semaphore(%dma_start3A_418 : memref<!tpu.dma_semaphore, #tpu.memory_space<semaphore_mem>>)
      } else {
      }
      %add3A_319 = arith.constant 1 : i32
      %add3A_320 = arith.addi %add3A_311, %add3A_319 : i32
      %lt3A_321 = arith.constant 250 : i32
      %lt3A_322 = arith.cmpi slt, %add3A_320, %lt3A_321 : i32
      %convert_element_type3A_323 = arith.extui %lt3A_322 : i1 to i32
      %cond3A_324 = arith.constant 0 : i32
      %cond3A_325 = arith.cmpi ne, %convert_element_type3A_323, %cond3A_324 : i32
      scf.if %cond3A_325 {
        %add3A_392 = arith.constant 1 : i32
        %add3A_393 = arith.addi %add3A_311, %add3A_392 : i32
        %rem3A_394 = arith.constant 4 : i32
        %rem3A_395 = arith.remsi %add3A_393, %rem3A_394 : i32
        %dma_wait3A_396 = arith.constant 0 : i32
        %dma_wait3A_397 = arith.constant 0 : i32
        %dma_wait3A_398 = tpu.memref_slice %arg7[%rem3A_395, %dma_wait3A_396, %dma_wait3A_397] : memref<4x2x40xi32, #tpu.memory_space<vmem>> -> memref<1x1x40xi32, #tpu.memory_space<vmem>>
        %dma_wait3A_399 = tpu.memref_squeeze %dma_wait3A_398 : memref<1x1x40xi32, #tpu.memory_space<vmem>> -> memref<40xi32, #tpu.memory_space<vmem>>
        %dma_wait3A_400 = arith.constant 0 : i32
        %dma_wait3A_401 = tpu.memref_slice %arg3[%dma_wait3A_400] : memref<640000xi32, #tpu.memory_space<hbm>> -> memref<40xi32, #tpu.memory_space<hbm>>
        %dma_wait3A_402 = tpu.memref_slice %arg11[%rem3A_395] : memref<4x!tpu.dma_semaphore, #tpu.memory_space<semaphore_mem>> -> memref<1x!tpu.dma_semaphore, #tpu.memory_space<semaphore_mem>>
        %dma_wait3A_403 = tpu.memref_squeeze %dma_wait3A_402 : memref<1x!tpu.dma_semaphore, #tpu.memory_space<semaphore_mem>> -> memref<!tpu.dma_semaphore, #tpu.memory_space<semaphore_mem>>
        %dma_wait3A_404 = arith.constant 0 : i32
        %dma_wait3A_405 = tpu.memref_slice %arg7[%rem3A_395, %dma_wait3A_396, %dma_wait3A_404] : memref<4x2x40xi32, #tpu.memory_space<vmem>> -> memref<1x1x40xi32, #tpu.memory_space<vmem>>
        %dma_wait3A_406 = tpu.memref_squeeze %dma_wait3A_405 : memref<1x1x40xi32, #tpu.memory_space<vmem>> -> memref<40xi32, #tpu.memory_space<vmem>>
        %dma_wait3A_407 = arith.constant 0 : i32
        %dma_wait3A_408 = tpu.memref_slice %arg3[%dma_wait3A_407] : memref<640000xi32, #tpu.memory_space<hbm>> -> memref<40xi32, #tpu.memory_space<hbm>>
        tpu.wait_dma2 semaphore(%dma_wait3A_403 : memref<!tpu.dma_semaphore, #tpu.memory_space<semaphore_mem>>) src(%dma_wait3A_408 : memref<40xi32, #tpu.memory_space<hbm>>) dst(%dma_wait3A_406 : memref<40xi32, #tpu.memory_space<vmem>>)
        %dma_wait3A_409 = arith.constant 1 : i32
        %dma_wait3A_410 = arith.constant 0 : i32
        %dma_wait3A_411 = tpu.memref_slice %arg7[%rem3A_395, %dma_wait3A_409, %dma_wait3A_410] : memref<4x2x40xi32, #tpu.memory_space<vmem>> -> memref<1x1x40xi32, #tpu.memory_space<vmem>>
        %dma_wait3A_412 = tpu.memref_squeeze %dma_wait3A_411 : memref<1x1x40xi32, #tpu.memory_space<vmem>> -> memref<40xi32, #tpu.memory_space<vmem>>
        %dma_wait3A_413 = arith.constant 0 : i32
        %dma_wait3A_414 = tpu.memref_slice %arg3[%dma_wait3A_413] : memref<640000xi32, #tpu.memory_space<hbm>> -> memref<40xi32, #tpu.memory_space<hbm>>
        %dma_wait3A_415 = tpu.memref_slice %arg11[%rem3A_395] : memref<4x!tpu.dma_semaphore, #tpu.memory_space<semaphore_mem>> -> memref<1x!tpu.dma_semaphore, #tpu.memory_space<semaphore_mem>>
        %dma_wait3A_416 = tpu.memref_squeeze %dma_wait3A_415 : memref<1x!tpu.dma_semaphore, #tpu.memory_space<semaphore_mem>> -> memref<!tpu.dma_semaphore, #tpu.memory_space<semaphore_mem>>
        %dma_wait3A_417 = arith.constant 0 : i32
        %dma_wait3A_418 = tpu.memref_slice %arg7[%rem3A_395, %dma_wait3A_409, %dma_wait3A_417] : memref<4x2x40xi32, #tpu.memory_space<vmem>> -> memref<1x1x40xi32, #tpu.memory_space<vmem>>
        %dma_wait3A_419 = tpu.memref_squeeze %dma_wait3A_418 : memref<1x1x40xi32, #tpu.memory_space<vmem>> -> memref<40xi32, #tpu.memory_space<vmem>>
        %dma_wait3A_420 = arith.constant 0 : i32
        %dma_wait3A_421 = tpu.memref_slice %arg3[%dma_wait3A_420] : memref<640000xi32, #tpu.memory_space<hbm>> -> memref<40xi32, #tpu.memory_space<hbm>>
        tpu.wait_dma2 semaphore(%dma_wait3A_416 : memref<!tpu.dma_semaphore, #tpu.memory_space<semaphore_mem>>) src(%dma_wait3A_421 : memref<40xi32, #tpu.memory_space<hbm>>) dst(%dma_wait3A_419 : memref<40xi32, #tpu.memory_space<vmem>>)
        %add3A_422 = arith.constant 1 : i32
        %add3A_423 = arith.addi %add3A_311, %add3A_422 : i32
        %rem3A_424 = arith.constant 4 : i32
        %rem3A_425 = arith.remsi %add3A_423, %rem3A_424 : i32
        %dma_start3A_426 = arith.constant 0 : i32
        %dma_start3A_427 = arith.constant 0 : i32
        %dma_start3A_428 = arith.constant 0 : i32
        %dma_start3A_429 = arith.constant 0 : i32
        %dma_start3A_430 = arith.constant 0 : i32
        %dma_start3A_431 = tpu.memref_slice %arg8[%dma_start3A_427, %dma_start3A_429, %dma_start3A_430] : memref<2x40x128xf32, #tpu.memory_space<vmem>> -> memref<1x40x128xf32, #tpu.memory_space<vmem>>
        %dma_start3A_432 = tpu.memref_squeeze %dma_start3A_431 : memref<1x40x128xf32, #tpu.memory_space<vmem>> -> memref<40x128xf32, #tpu.memory_space<vmem>>
        %dma_start3A_433 = arith.constant 0 : i32
        %dma_start3A_434 = tpu.memref_slice %arg7[%rem3A_425, %dma_start3A_426, %dma_start3A_433] : memref<4x2x40xi32, #tpu.memory_space<vmem>> -> memref<1x1x40xi32, #tpu.memory_space<vmem>>
        %dma_start3A_435 = tpu.memref_squeeze %dma_start3A_434 : memref<1x1x40xi32, #tpu.memory_space<vmem>> -> memref<40xi32, #tpu.memory_space<vmem>>
        %dma_start3A_436 = arith.constant 0 : i32
        %dma_start3A_437 = arith.constant 0 : i32
        %dma_start3A_438 = tpu.memref_slice %arg2[%dma_start3A_436, %dma_start3A_437] : memref<10000x128xf32, #tpu.memory_space<hbm>> -> memref<10000x128xf32, #tpu.memory_space<hbm>>
        %dma_start3A_439 = tpu.memref_slice %arg12[%dma_start3A_428] : memref<2x!tpu.dma_semaphore, #tpu.memory_space<semaphore_mem>> -> memref<1x!tpu.dma_semaphore, #tpu.memory_space<semaphore_mem>>
        %dma_start3A_440 = tpu.memref_squeeze %dma_start3A_439 : memref<1x!tpu.dma_semaphore, #tpu.memory_space<semaphore_mem>> -> memref<!tpu.dma_semaphore, #tpu.memory_space<semaphore_mem>>
        tpu.enqueue_indirect_dma source(%dma_start3A_438 : memref<10000x128xf32, #tpu.memory_space<hbm>>) target(%dma_start3A_432 : memref<40x128xf32, #tpu.memory_space<vmem>>) offsets(%dma_start3A_435 : memref<40xi32, #tpu.memory_space<vmem>>) semaphore(%dma_start3A_440 : memref<!tpu.dma_semaphore, #tpu.memory_space<semaphore_mem>>)
        %mul3A_441 = arith.constant 40 : i32
        %mul3A_442 = arith.muli %add3A_423, %mul3A_441 : i32
        %add3A_443 = arith.addi %mul3A_2, %mul3A_442 : i32
        %dma_start3A_444 = arith.constant 0 : i32
        %dma_start3A_445 = arith.constant 0 : i32
        %dma_start3A_446 = arith.constant 0 : i32
        %dma_start3A_447 = arith.constant 0 : i32
        %dma_start3A_448 = tpu.memref_slice %arg9[%dma_start3A_444, %dma_start3A_446, %dma_start3A_447] : memref<2x40x64xi32, #tpu.memory_space<vmem>> -> memref<1x40x64xi32, #tpu.memory_space<vmem>>
        %dma_start3A_449 = tpu.memref_squeeze %dma_start3A_448 : memref<1x40x64xi32, #tpu.memory_space<vmem>> -> memref<40x64xi32, #tpu.memory_space<vmem>>
        %dma_start3A_450 = arith.constant 0 : i32
        %dma_start3A_451 = tpu.memref_slice %arg4[%add3A_443, %dma_start3A_450] : memref<320000x64xi32, #tpu.memory_space<hbm>> -> memref<40x64xi32, #tpu.memory_space<hbm>>
        %dma_start3A_452 = tpu.memref_slice %arg13[%dma_start3A_445] : memref<2x!tpu.dma_semaphore, #tpu.memory_space<semaphore_mem>> -> memref<1x!tpu.dma_semaphore, #tpu.memory_space<semaphore_mem>>
        %dma_start3A_453 = tpu.memref_squeeze %dma_start3A_452 : memref<1x!tpu.dma_semaphore, #tpu.memory_space<semaphore_mem>> -> memref<!tpu.dma_semaphore, #tpu.memory_space<semaphore_mem>>
        %dma_start3A_454 = arith.constant 0 : i32
        %dma_start3A_455 = arith.constant 0 : i32
        %dma_start3A_456 = tpu.memref_slice %arg9[%dma_start3A_444, %dma_start3A_454, %dma_start3A_455] : memref<2x40x64xi32, #tpu.memory_space<vmem>> -> memref<1x40x64xi32, #tpu.memory_space<vmem>>
        %dma_start3A_457 = tpu.memref_squeeze %dma_start3A_456 : memref<1x40x64xi32, #tpu.memory_space<vmem>> -> memref<40x64xi32, #tpu.memory_space<vmem>>
        %dma_start3A_458 = arith.constant 0 : i32
        %dma_start3A_459 = tpu.memref_slice %arg4[%add3A_443, %dma_start3A_458] : memref<320000x64xi32, #tpu.memory_space<hbm>> -> memref<40x64xi32, #tpu.memory_space<hbm>>
        tpu.enqueue_dma source(%dma_start3A_459 : memref<40x64xi32, #tpu.memory_space<hbm>>) target(%dma_start3A_457 : memref<40x64xi32, #tpu.memory_space<vmem>>) target_semaphore(%dma_start3A_453 : memref<!tpu.dma_semaphore, #tpu.memory_space<semaphore_mem>>)
      } else {
      }
      %ge3A_326 = arith.constant 2 : i32
      %ge3A_327 = arith.cmpi sge, %add3A_311, %ge3A_326 : i32
      %convert_element_type3A_328 = arith.extui %ge3A_327 : i1 to i32
      %cond3A_329 = arith.constant 0 : i32
      %cond3A_330 = arith.cmpi ne, %convert_element_type3A_328, %cond3A_329 : i32
      scf.if %cond3A_330 {
        %dma_wait3A_392 = arith.constant 1 : i32
        %dma_wait3A_393 = arith.constant 1 : i32
        %dma_wait3A_394 = arith.constant 0 : i32
        %dma_wait3A_395 = arith.constant 0 : i32
        %dma_wait3A_396 = tpu.memref_slice %arg10[%dma_wait3A_392, %dma_wait3A_394, %dma_wait3A_395] : memref<2x40x128xf32, #tpu.memory_space<vmem>> -> memref<1x40x128xf32, #tpu.memory_space<vmem>>
        %dma_wait3A_397 = tpu.memref_squeeze %dma_wait3A_396 : memref<1x40x128xf32, #tpu.memory_space<vmem>> -> memref<40x128xf32, #tpu.memory_space<vmem>>
        %dma_wait3A_398 = arith.constant 0 : i32
        %dma_wait3A_399 = arith.constant 0 : i32
        %dma_wait3A_400 = tpu.memref_slice %arg6[%dma_wait3A_398, %dma_wait3A_399] : memref<10000x128xf32, #tpu.memory_space<vmem_shared>> -> memref<40x128xf32, #tpu.memory_space<vmem_shared>>
        %dma_wait3A_401 = tpu.memref_slice %arg14[%dma_wait3A_393] : memref<2x!tpu.dma_semaphore, #tpu.memory_space<semaphore_mem>> -> memref<1x!tpu.dma_semaphore, #tpu.memory_space<semaphore_mem>>
        %dma_wait3A_402 = tpu.memref_squeeze %dma_wait3A_401 : memref<1x!tpu.dma_semaphore, #tpu.memory_space<semaphore_mem>> -> memref<!tpu.dma_semaphore, #tpu.memory_space<semaphore_mem>>
        %dma_wait3A_403 = arith.constant 0 : i32
        %dma_wait3A_404 = arith.constant 0 : i32
        %dma_wait3A_405 = tpu.memref_slice %arg6[%dma_wait3A_403, %dma_wait3A_404] : memref<10000x128xf32, #tpu.memory_space<vmem_shared>> -> memref<40x128xf32, #tpu.memory_space<vmem_shared>>
        %dma_wait3A_406 = arith.constant 0 : i32
        %dma_wait3A_407 = arith.constant 0 : i32
        %dma_wait3A_408 = tpu.memref_slice %arg10[%dma_wait3A_392, %dma_wait3A_406, %dma_wait3A_407] : memref<2x40x128xf32, #tpu.memory_space<vmem>> -> memref<1x40x128xf32, #tpu.memory_space<vmem>>
        %dma_wait3A_409 = tpu.memref_squeeze %dma_wait3A_408 : memref<1x40x128xf32, #tpu.memory_space<vmem>> -> memref<40x128xf32, #tpu.memory_space<vmem>>
        tpu.wait_dma2 semaphore(%dma_wait3A_402 : memref<!tpu.dma_semaphore, #tpu.memory_space<semaphore_mem>>) src(%dma_wait3A_409 : memref<40x128xf32, #tpu.memory_space<vmem>>) dst(%dma_wait3A_405 : memref<40x128xf32, #tpu.memory_space<vmem_shared>>)
      } else {
      }
      %dma_wait3A_331 = arith.constant 1 : i32
      %dma_wait3A_332 = arith.constant 1 : i32
      %dma_wait3A_333 = arith.constant 0 : i32
      %dma_wait3A_334 = arith.constant 0 : i32
      %dma_wait3A_335 = tpu.memref_slice %arg8[%dma_wait3A_331, %dma_wait3A_333, %dma_wait3A_334] : memref<2x40x128xf32, #tpu.memory_space<vmem>> -> memref<1x40x128xf32, #tpu.memory_space<vmem>>
      %dma_wait3A_336 = tpu.memref_squeeze %dma_wait3A_335 : memref<1x40x128xf32, #tpu.memory_space<vmem>> -> memref<40x128xf32, #tpu.memory_space<vmem>>
      %dma_wait3A_337 = arith.constant 0 : i32
      %dma_wait3A_338 = arith.constant 0 : i32
      %dma_wait3A_339 = tpu.memref_slice %arg2[%dma_wait3A_337, %dma_wait3A_338] : memref<10000x128xf32, #tpu.memory_space<hbm>> -> memref<40x128xf32, #tpu.memory_space<hbm>>
      %dma_wait3A_340 = tpu.memref_slice %arg12[%dma_wait3A_332] : memref<2x!tpu.dma_semaphore, #tpu.memory_space<semaphore_mem>> -> memref<1x!tpu.dma_semaphore, #tpu.memory_space<semaphore_mem>>
      %dma_wait3A_341 = tpu.memref_squeeze %dma_wait3A_340 : memref<1x!tpu.dma_semaphore, #tpu.memory_space<semaphore_mem>> -> memref<!tpu.dma_semaphore, #tpu.memory_space<semaphore_mem>>
      %dma_wait3A_342 = arith.constant 0 : i32
      %dma_wait3A_343 = arith.constant 0 : i32
      %dma_wait3A_344 = tpu.memref_slice %arg8[%dma_wait3A_331, %dma_wait3A_342, %dma_wait3A_343] : memref<2x40x128xf32, #tpu.memory_space<vmem>> -> memref<1x40x128xf32, #tpu.memory_space<vmem>>
      %dma_wait3A_345 = tpu.memref_squeeze %dma_wait3A_344 : memref<1x40x128xf32, #tpu.memory_space<vmem>> -> memref<40x128xf32, #tpu.memory_space<vmem>>
      %dma_wait3A_346 = arith.constant 0 : i32
      %dma_wait3A_347 = arith.constant 0 : i32
      %dma_wait3A_348 = tpu.memref_slice %arg2[%dma_wait3A_346, %dma_wait3A_347] : memref<10000x128xf32, #tpu.memory_space<hbm>> -> memref<40x128xf32, #tpu.memory_space<hbm>>
      tpu.wait_dma2 semaphore(%dma_wait3A_341 : memref<!tpu.dma_semaphore, #tpu.memory_space<semaphore_mem>>) src(%dma_wait3A_348 : memref<40x128xf32, #tpu.memory_space<hbm>>) dst(%dma_wait3A_345 : memref<40x128xf32, #tpu.memory_space<vmem>>)
      %dma_wait3A_349 = arith.constant 1 : i32
      %dma_wait3A_350 = arith.constant 1 : i32
      %dma_wait3A_351 = arith.constant 0 : i32
      %dma_wait3A_352 = arith.constant 0 : i32
      %dma_wait3A_353 = tpu.memref_slice %arg9[%dma_wait3A_349, %dma_wait3A_351, %dma_wait3A_352] : memref<2x40x64xi32, #tpu.memory_space<vmem>> -> memref<1x40x64xi32, #tpu.memory_space<vmem>>
      %dma_wait3A_354 = tpu.memref_squeeze %dma_wait3A_353 : memref<1x40x64xi32, #tpu.memory_space<vmem>> -> memref<40x64xi32, #tpu.memory_space<vmem>>
      %dma_wait3A_355 = arith.constant 0 : i32
      %dma_wait3A_356 = arith.constant 0 : i32
      %dma_wait3A_357 = tpu.memref_slice %arg4[%dma_wait3A_355, %dma_wait3A_356] : memref<320000x64xi32, #tpu.memory_space<hbm>> -> memref<40x64xi32, #tpu.memory_space<hbm>>
      %dma_wait3A_358 = tpu.memref_slice %arg13[%dma_wait3A_350] : memref<2x!tpu.dma_semaphore, #tpu.memory_space<semaphore_mem>> -> memref<1x!tpu.dma_semaphore, #tpu.memory_space<semaphore_mem>>
      %dma_wait3A_359 = tpu.memref_squeeze %dma_wait3A_358 : memref<1x!tpu.dma_semaphore, #tpu.memory_space<semaphore_mem>> -> memref<!tpu.dma_semaphore, #tpu.memory_space<semaphore_mem>>
      %dma_wait3A_360 = arith.constant 0 : i32
      %dma_wait3A_361 = arith.constant 0 : i32
      %dma_wait3A_362 = tpu.memref_slice %arg9[%dma_wait3A_349, %dma_wait3A_360, %dma_wait3A_361] : memref<2x40x64xi32, #tpu.memory_space<vmem>> -> memref<1x40x64xi32, #tpu.memory_space<vmem>>
      %dma_wait3A_363 = tpu.memref_squeeze %dma_wait3A_362 : memref<1x40x64xi32, #tpu.memory_space<vmem>> -> memref<40x64xi32, #tpu.memory_space<vmem>>
      %dma_wait3A_364 = arith.constant 0 : i32
      %dma_wait3A_365 = arith.constant 0 : i32
      %dma_wait3A_366 = tpu.memref_slice %arg4[%dma_wait3A_364, %dma_wait3A_365] : memref<320000x64xi32, #tpu.memory_space<hbm>> -> memref<40x64xi32, #tpu.memory_space<hbm>>
      tpu.wait_dma2 semaphore(%dma_wait3A_359 : memref<!tpu.dma_semaphore, #tpu.memory_space<semaphore_mem>>) src(%dma_wait3A_366 : memref<40x64xi32, #tpu.memory_space<hbm>>) dst(%dma_wait3A_363 : memref<40x64xi32, #tpu.memory_space<vmem>>)
      %scan3A_367 = arith.constant 0 : i32
      %scan3A_368 = arith.constant 0 : i32
      %scan3A_369 = arith.constant 20 : i32
      %scan3A_370 = arith.addi %scan3A_368, %scan3A_369 : i32
      %scan3A_371 = arith.constant 1 : i32
      %scan3A_372 = scf.for %scan3A_392 = %scan3A_368 to %scan3A_370 step %scan3A_371 iter_args(%scan3A_393 = %scan3A_367) -> (i32)  : i32 {
        %mul3A_394 = arith.constant 2 : i32
        %mul3A_395 = arith.muli %mul3A_394, %scan3A_392 : i32
        %add3A_396 = arith.constant 0 : i32
        %add3A_397 = arith.addi %mul3A_395, %add3A_396 : i32
        %get3A = arith.constant 1 : i32
        %get3A_398 = arith.index_cast %get3A : i32 to index
        %get3A_399 = arith.index_cast %add3A_397 : i32 to index
        %get3A_400 = arith.constant 0 : index
        %get3A_401 = tpu.vector_load %arg9[%get3A_398, %get3A_399, %get3A_400] {strides = array<i32>} : memref<2x40x64xi32, #tpu.memory_space<vmem>>, vector<16xi32>,
        %shift_left3A = arith.constant 16 : i32
        %shift_left3A_402 = vector.broadcast %shift_left3A : i32 to vector<16xi32>
        %shift_left3A_403 = arith.shli %get3A_401, %shift_left3A_402 : vector<16xi32>
        %bitcast3A = vector.bitcast %shift_left3A_403 : vector<16xi32> to vector<16xf32>
        %and3A = arith.constant -65536 : i32
        %and3A_404 = vector.broadcast %and3A : i32 to vector<16xi32>
        %and3A_405 = arith.andi %get3A_401, %and3A_404 : vector<16xi32>
        %bitcast3A_406 = vector.bitcast %and3A_405 : vector<16xi32> to vector<16xf32>
        %get3A_407 = arith.constant 1 : i32
        %get3A_408 = arith.index_cast %get3A_407 : i32 to index
        %get3A_409 = arith.index_cast %add3A_397 : i32 to index
        %get3A_410 = arith.constant 0 : index
        %get3A_411 = tpu.vector_load %arg8[%get3A_408, %get3A_409, %get3A_410] {strides = array<i32>} : memref<2x40x128xf32, #tpu.memory_space<vmem>>, vector<16xf32>,
        %get3A_412 = arith.constant 1 : i32
        %get3A_413 = arith.index_cast %get3A_412 : i32 to index
        %get3A_414 = arith.index_cast %add3A_397 : i32 to index
        %get3A_415 = arith.constant 64 : index
        %get3A_416 = tpu.vector_load %arg8[%get3A_413, %get3A_414, %get3A_415] {strides = array<i32>} : memref<2x40x128xf32, #tpu.memory_space<vmem>>, vector<16xf32>,
        %add3A_417 = arith.addf %get3A_411, %bitcast3A : vector<16xf32>
        %max3A = arith.constant 0.000000e+00 : f32
        %max3A_418 = vector.broadcast %max3A : f32 to vector<16xf32>
        %max3A_419 = arith.maximumf %add3A_417, %max3A_418 : vector<16xf32>
        %swap3A = arith.constant 1 : i32
        %swap3A_420 = arith.index_cast %swap3A : i32 to index
        %swap3A_421 = arith.index_cast %add3A_397 : i32 to index
        %swap3A_422 = arith.constant 0 : index
        %swap3A_423 = tpu.vector_load %arg10[%swap3A_420, %swap3A_421, %swap3A_422] {strides = array<i32>} : memref<2x40x128xf32, #tpu.memory_space<vmem>>, vector<16xf32>,
        tpu.vector_store %arg10[%swap3A_420, %swap3A_421, %swap3A_422], %max3A_419 {strides = array<i32>} : memref<2x40x128xf32, #tpu.memory_space<vmem>>, vector<16xf32>,
        %add3A_424 = arith.addf %get3A_416, %bitcast3A_406 : vector<16xf32>
        %max3A_425 = arith.constant 0.000000e+00 : f32
        %max3A_426 = vector.broadcast %max3A_425 : f32 to vector<16xf32>
        %max3A_427 = arith.maximumf %add3A_424, %max3A_426 : vector<16xf32>
        %swap3A_428 = arith.constant 1 : i32
        %swap3A_429 = arith.index_cast %swap3A_428 : i32 to index
        %swap3A_430 = arith.index_cast %add3A_397 : i32 to index
        %swap3A_431 = arith.constant 64 : index
        %swap3A_432 = tpu.vector_load %arg10[%swap3A_429, %swap3A_430, %swap3A_431] {strides = array<i32>} : memref<2x40x128xf32, #tpu.memory_space<vmem>>, vector<16xf32>,
        tpu.vector_store %arg10[%swap3A_429, %swap3A_430, %swap3A_431], %max3A_427 {strides = array<i32>} : memref<2x40x128xf32, #tpu.memory_space<vmem>>, vector<16xf32>,
        %get3A_433 = arith.constant 1 : i32
        %get3A_434 = arith.index_cast %get3A_433 : i32 to index
        %get3A_435 = arith.index_cast %add3A_397 : i32 to index
        %get3A_436 = arith.constant 16 : index
        %get3A_437 = tpu.vector_load %arg9[%get3A_434, %get3A_435, %get3A_436] {strides = array<i32>} : memref<2x40x64xi32, #tpu.memory_space<vmem>>, vector<16xi32>,
        %shift_left3A_438 = arith.constant 16 : i32
        %shift_left3A_439 = vector.broadcast %shift_left3A_438 : i32 to vector<16xi32>
        %shift_left3A_440 = arith.shli %get3A_437, %shift_left3A_439 : vector<16xi32>
        %bitcast3A_441 = vector.bitcast %shift_left3A_440 : vector<16xi32> to vector<16xf32>
        %and3A_442 = arith.constant -65536 : i32
        %and3A_443 = vector.broadcast %and3A_442 : i32 to vector<16xi32>
        %and3A_444 = arith.andi %get3A_437, %and3A_443 : vector<16xi32>
        %bitcast3A_445 = vector.bitcast %and3A_444 : vector<16xi32> to vector<16xf32>
        %get3A_446 = arith.constant 1 : i32
        %get3A_447 = arith.index_cast %get3A_446 : i32 to index
        %get3A_448 = arith.index_cast %add3A_397 : i32 to index
        %get3A_449 = arith.constant 16 : index
        %get3A_450 = tpu.vector_load %arg8[%get3A_447, %get3A_448, %get3A_449] {strides = array<i32>} : memref<2x40x128xf32, #tpu.memory_space<vmem>>, vector<16xf32>,
        %get3A_451 = arith.constant 1 : i32
        %get3A_452 = arith.index_cast %get3A_451 : i32 to index
        %get3A_453 = arith.index_cast %add3A_397 : i32 to index
        %get3A_454 = arith.constant 80 : index
        %get3A_455 = tpu.vector_load %arg8[%get3A_452, %get3A_453, %get3A_454] {strides = array<i32>} : memref<2x40x128xf32, #tpu.memory_space<vmem>>, vector<16xf32>,
        %add3A_456 = arith.addf %get3A_450, %bitcast3A_441 : vector<16xf32>
        %max3A_457 = arith.constant 0.000000e+00 : f32
        %max3A_458 = vector.broadcast %max3A_457 : f32 to vector<16xf32>
        %max3A_459 = arith.maximumf %add3A_456, %max3A_458 : vector<16xf32>
        %swap3A_460 = arith.constant 1 : i32
        %swap3A_461 = arith.index_cast %swap3A_460 : i32 to index
        %swap3A_462 = arith.index_cast %add3A_397 : i32 to index
        %swap3A_463 = arith.constant 16 : index
        %swap3A_464 = tpu.vector_load %arg10[%swap3A_461, %swap3A_462, %swap3A_463] {strides = array<i32>} : memref<2x40x128xf32, #tpu.memory_space<vmem>>, vector<16xf32>,
        tpu.vector_store %arg10[%swap3A_461, %swap3A_462, %swap3A_463], %max3A_459 {strides = array<i32>} : memref<2x40x128xf32, #tpu.memory_space<vmem>>, vector<16xf32>,
        %add3A_465 = arith.addf %get3A_455, %bitcast3A_445 : vector<16xf32>
        %max3A_466 = arith.constant 0.000000e+00 : f32
        %max3A_467 = vector.broadcast %max3A_466 : f32 to vector<16xf32>
        %max3A_468 = arith.maximumf %add3A_465, %max3A_467 : vector<16xf32>
        %swap3A_469 = arith.constant 1 : i32
        %swap3A_470 = arith.index_cast %swap3A_469 : i32 to index
        %swap3A_471 = arith.index_cast %add3A_397 : i32 to index
        %swap3A_472 = arith.constant 80 : index
        %swap3A_473 = tpu.vector_load %arg10[%swap3A_470, %swap3A_471, %swap3A_472] {strides = array<i32>} : memref<2x40x128xf32, #tpu.memory_space<vmem>>, vector<16xf32>,
        tpu.vector_store %arg10[%swap3A_470, %swap3A_471, %swap3A_472], %max3A_468 {strides = array<i32>} : memref<2x40x128xf32, #tpu.memory_space<vmem>>, vector<16xf32>,
        %get3A_474 = arith.constant 1 : i32
        %get3A_475 = arith.index_cast %get3A_474 : i32 to index
        %get3A_476 = arith.index_cast %add3A_397 : i32 to index
        %get3A_477 = arith.constant 32 : index
        %get3A_478 = tpu.vector_load %arg9[%get3A_475, %get3A_476, %get3A_477] {strides = array<i32>} : memref<2x40x64xi32, #tpu.memory_space<vmem>>, vector<16xi32>,
        %shift_left3A_479 = arith.constant 16 : i32
        %shift_left3A_480 = vector.broadcast %shift_left3A_479 : i32 to vector<16xi32>
        %shift_left3A_481 = arith.shli %get3A_478, %shift_left3A_480 : vector<16xi32>
        %bitcast3A_482 = vector.bitcast %shift_left3A_481 : vector<16xi32> to vector<16xf32>
        %and3A_483 = arith.constant -65536 : i32
        %and3A_484 = vector.broadcast %and3A_483 : i32 to vector<16xi32>
        %and3A_485 = arith.andi %get3A_478, %and3A_484 : vector<16xi32>
        %bitcast3A_486 = vector.bitcast %and3A_485 : vector<16xi32> to vector<16xf32>
        %get3A_487 = arith.constant 1 : i32
        %get3A_488 = arith.index_cast %get3A_487 : i32 to index
        %get3A_489 = arith.index_cast %add3A_397 : i32 to index
        %get3A_490 = arith.constant 32 : index
        %get3A_491 = tpu.vector_load %arg8[%get3A_488, %get3A_489, %get3A_490] {strides = array<i32>} : memref<2x40x128xf32, #tpu.memory_space<vmem>>, vector<16xf32>,
        %get3A_492 = arith.constant 1 : i32
        %get3A_493 = arith.index_cast %get3A_492 : i32 to index
        %get3A_494 = arith.index_cast %add3A_397 : i32 to index
        %get3A_495 = arith.constant 96 : index
        %get3A_496 = tpu.vector_load %arg8[%get3A_493, %get3A_494, %get3A_495] {strides = array<i32>} : memref<2x40x128xf32, #tpu.memory_space<vmem>>, vector<16xf32>,
        %add3A_497 = arith.addf %get3A_491, %bitcast3A_482 : vector<16xf32>
        %max3A_498 = arith.constant 0.000000e+00 : f32
        %max3A_499 = vector.broadcast %max3A_498 : f32 to vector<16xf32>
        %max3A_500 = arith.maximumf %add3A_497, %max3A_499 : vector<16xf32>
        %swap3A_501 = arith.constant 1 : i32
        %swap3A_502 = arith.index_cast %swap3A_501 : i32 to index
        %swap3A_503 = arith.index_cast %add3A_397 : i32 to index
        %swap3A_504 = arith.constant 32 : index
        %swap3A_505 = tpu.vector_load %arg10[%swap3A_502, %swap3A_503, %swap3A_504] {strides = array<i32>} : memref<2x40x128xf32, #tpu.memory_space<vmem>>, vector<16xf32>,
        tpu.vector_store %arg10[%swap3A_502, %swap3A_503, %swap3A_504], %max3A_500 {strides = array<i32>} : memref<2x40x128xf32, #tpu.memory_space<vmem>>, vector<16xf32>,
        %add3A_506 = arith.addf %get3A_496, %bitcast3A_486 : vector<16xf32>
        %max3A_507 = arith.constant 0.000000e+00 : f32
        %max3A_508 = vector.broadcast %max3A_507 : f32 to vector<16xf32>
        %max3A_509 = arith.maximumf %add3A_506, %max3A_508 : vector<16xf32>
        %swap3A_510 = arith.constant 1 : i32
        %swap3A_511 = arith.index_cast %swap3A_510 : i32 to index
        %swap3A_512 = arith.index_cast %add3A_397 : i32 to index
        %swap3A_513 = arith.constant 96 : index
        %swap3A_514 = tpu.vector_load %arg10[%swap3A_511, %swap3A_512, %swap3A_513] {strides = array<i32>} : memref<2x40x128xf32, #tpu.memory_space<vmem>>, vector<16xf32>,
        tpu.vector_store %arg10[%swap3A_511, %swap3A_512, %swap3A_513], %max3A_509 {strides = array<i32>} : memref<2x40x128xf32, #tpu.memory_space<vmem>>, vector<16xf32>,
        %get3A_515 = arith.constant 1 : i32
        %get3A_516 = arith.index_cast %get3A_515 : i32 to index
        %get3A_517 = arith.index_cast %add3A_397 : i32 to index
        %get3A_518 = arith.constant 48 : index
        %get3A_519 = tpu.vector_load %arg9[%get3A_516, %get3A_517, %get3A_518] {strides = array<i32>} : memref<2x40x64xi32, #tpu.memory_space<vmem>>, vector<16xi32>,
        %shift_left3A_520 = arith.constant 16 : i32
        %shift_left3A_521 = vector.broadcast %shift_left3A_520 : i32 to vector<16xi32>
        %shift_left3A_522 = arith.shli %get3A_519, %shift_left3A_521 : vector<16xi32>
        %bitcast3A_523 = vector.bitcast %shift_left3A_522 : vector<16xi32> to vector<16xf32>
        %and3A_524 = arith.constant -65536 : i32
        %and3A_525 = vector.broadcast %and3A_524 : i32 to vector<16xi32>
        %and3A_526 = arith.andi %get3A_519, %and3A_525 : vector<16xi32>
        %bitcast3A_527 = vector.bitcast %and3A_526 : vector<16xi32> to vector<16xf32>
        %get3A_528 = arith.constant 1 : i32
        %get3A_529 = arith.index_cast %get3A_528 : i32 to index
        %get3A_530 = arith.index_cast %add3A_397 : i32 to index
        %get3A_531 = arith.constant 48 : index
        %get3A_532 = tpu.vector_load %arg8[%get3A_529, %get3A_530, %get3A_531] {strides = array<i32>} : memref<2x40x128xf32, #tpu.memory_space<vmem>>, vector<16xf32>,
        %get3A_533 = arith.constant 1 : i32
        %get3A_534 = arith.index_cast %get3A_533 : i32 to index
        %get3A_535 = arith.index_cast %add3A_397 : i32 to index
        %get3A_536 = arith.constant 112 : index
        %get3A_537 = tpu.vector_load %arg8[%get3A_534, %get3A_535, %get3A_536] {strides = array<i32>} : memref<2x40x128xf32, #tpu.memory_space<vmem>>, vector<16xf32>,
        %add3A_538 = arith.addf %get3A_532, %bitcast3A_523 : vector<16xf32>
        %max3A_539 = arith.constant 0.000000e+00 : f32
        %max3A_540 = vector.broadcast %max3A_539 : f32 to vector<16xf32>
        %max3A_541 = arith.maximumf %add3A_538, %max3A_540 : vector<16xf32>
        %swap3A_542 = arith.constant 1 : i32
        %swap3A_543 = arith.index_cast %swap3A_542 : i32 to index
        %swap3A_544 = arith.index_cast %add3A_397 : i32 to index
        %swap3A_545 = arith.constant 48 : index
        %swap3A_546 = tpu.vector_load %arg10[%swap3A_543, %swap3A_544, %swap3A_545] {strides = array<i32>} : memref<2x40x128xf32, #tpu.memory_space<vmem>>, vector<16xf32>,
        tpu.vector_store %arg10[%swap3A_543, %swap3A_544, %swap3A_545], %max3A_541 {strides = array<i32>} : memref<2x40x128xf32, #tpu.memory_space<vmem>>, vector<16xf32>,
        %add3A_547 = arith.addf %get3A_537, %bitcast3A_527 : vector<16xf32>
        %max3A_548 = arith.constant 0.000000e+00 : f32
        %max3A_549 = vector.broadcast %max3A_548 : f32 to vector<16xf32>
        %max3A_550 = arith.maximumf %add3A_547, %max3A_549 : vector<16xf32>
        %swap3A_551 = arith.constant 1 : i32
        %swap3A_552 = arith.index_cast %swap3A_551 : i32 to index
        %swap3A_553 = arith.index_cast %add3A_397 : i32 to index
        %swap3A_554 = arith.constant 112 : index
        %swap3A_555 = tpu.vector_load %arg10[%swap3A_552, %swap3A_553, %swap3A_554] {strides = array<i32>} : memref<2x40x128xf32, #tpu.memory_space<vmem>>, vector<16xf32>,
        tpu.vector_store %arg10[%swap3A_552, %swap3A_553, %swap3A_554], %max3A_550 {strides = array<i32>} : memref<2x40x128xf32, #tpu.memory_space<vmem>>, vector<16xf32>,
        %mul3A_556 = arith.constant 2 : i32
        %mul3A_557 = arith.muli %mul3A_556, %scan3A_392 : i32
        %add3A_558 = arith.constant 1 : i32
        %add3A_559 = arith.addi %mul3A_557, %add3A_558 : i32
        %get3A_560 = arith.constant 1 : i32
        %get3A_561 = arith.index_cast %get3A_560 : i32 to index
        %get3A_562 = arith.index_cast %add3A_559 : i32 to index
        %get3A_563 = arith.constant 0 : index
        %get3A_564 = tpu.vector_load %arg9[%get3A_561, %get3A_562, %get3A_563] {strides = array<i32>} : memref<2x40x64xi32, #tpu.memory_space<vmem>>, vector<16xi32>,
        %shift_left3A_565 = arith.constant 16 : i32
        %shift_left3A_566 = vector.broadcast %shift_left3A_565 : i32 to vector<16xi32>
        %shift_left3A_567 = arith.shli %get3A_564, %shift_left3A_566 : vector<16xi32>
        %bitcast3A_568 = vector.bitcast %shift_left3A_567 : vector<16xi32> to vector<16xf32>
        %and3A_569 = arith.constant -65536 : i32
        %and3A_570 = vector.broadcast %and3A_569 : i32 to vector<16xi32>
        %and3A_571 = arith.andi %get3A_564, %and3A_570 : vector<16xi32>
        %bitcast3A_572 = vector.bitcast %and3A_571 : vector<16xi32> to vector<16xf32>
        %get3A_573 = arith.constant 1 : i32
        %get3A_574 = arith.index_cast %get3A_573 : i32 to index
        %get3A_575 = arith.index_cast %add3A_559 : i32 to index
        %get3A_576 = arith.constant 0 : index
        %get3A_577 = tpu.vector_load %arg8[%get3A_574, %get3A_575, %get3A_576] {strides = array<i32>} : memref<2x40x128xf32, #tpu.memory_space<vmem>>, vector<16xf32>,
        %get3A_578 = arith.constant 1 : i32
        %get3A_579 = arith.index_cast %get3A_578 : i32 to index
        %get3A_580 = arith.index_cast %add3A_559 : i32 to index
        %get3A_581 = arith.constant 64 : index
        %get3A_582 = tpu.vector_load %arg8[%get3A_579, %get3A_580, %get3A_581] {strides = array<i32>} : memref<2x40x128xf32, #tpu.memory_space<vmem>>, vector<16xf32>,
        %add3A_583 = arith.addf %get3A_577, %bitcast3A_568 : vector<16xf32>
        %max3A_584 = arith.constant 0.000000e+00 : f32
        %max3A_585 = vector.broadcast %max3A_584 : f32 to vector<16xf32>
        %max3A_586 = arith.maximumf %add3A_583, %max3A_585 : vector<16xf32>
        %swap3A_587 = arith.constant 1 : i32
        %swap3A_588 = arith.index_cast %swap3A_587 : i32 to index
        %swap3A_589 = arith.index_cast %add3A_559 : i32 to index
        %swap3A_590 = arith.constant 0 : index
        %swap3A_591 = tpu.vector_load %arg10[%swap3A_588, %swap3A_589, %swap3A_590] {strides = array<i32>} : memref<2x40x128xf32, #tpu.memory_space<vmem>>, vector<16xf32>,
        tpu.vector_store %arg10[%swap3A_588, %swap3A_589, %swap3A_590], %max3A_586 {strides = array<i32>} : memref<2x40x128xf32, #tpu.memory_space<vmem>>, vector<16xf32>,
        %add3A_592 = arith.addf %get3A_582, %bitcast3A_572 : vector<16xf32>
        %max3A_593 = arith.constant 0.000000e+00 : f32
        %max3A_594 = vector.broadcast %max3A_593 : f32 to vector<16xf32>
        %max3A_595 = arith.maximumf %add3A_592, %max3A_594 : vector<16xf32>
        %swap3A_596 = arith.constant 1 : i32
        %swap3A_597 = arith.index_cast %swap3A_596 : i32 to index
        %swap3A_598 = arith.index_cast %add3A_559 : i32 to index
        %swap3A_599 = arith.constant 64 : index
        %swap3A_600 = tpu.vector_load %arg10[%swap3A_597, %swap3A_598, %swap3A_599] {strides = array<i32>} : memref<2x40x128xf32, #tpu.memory_space<vmem>>, vector<16xf32>,
        tpu.vector_store %arg10[%swap3A_597, %swap3A_598, %swap3A_599], %max3A_595 {strides = array<i32>} : memref<2x40x128xf32, #tpu.memory_space<vmem>>, vector<16xf32>,
        %get3A_601 = arith.constant 1 : i32
        %get3A_602 = arith.index_cast %get3A_601 : i32 to index
        %get3A_603 = arith.index_cast %add3A_559 : i32 to index
        %get3A_604 = arith.constant 16 : index
        %get3A_605 = tpu.vector_load %arg9[%get3A_602, %get3A_603, %get3A_604] {strides = array<i32>} : memref<2x40x64xi32, #tpu.memory_space<vmem>>, vector<16xi32>,
        %shift_left3A_606 = arith.constant 16 : i32
        %shift_left3A_607 = vector.broadcast %shift_left3A_606 : i32 to vector<16xi32>
        %shift_left3A_608 = arith.shli %get3A_605, %shift_left3A_607 : vector<16xi32>
        %bitcast3A_609 = vector.bitcast %shift_left3A_608 : vector<16xi32> to vector<16xf32>
        %and3A_610 = arith.constant -65536 : i32
        %and3A_611 = vector.broadcast %and3A_610 : i32 to vector<16xi32>
        %and3A_612 = arith.andi %get3A_605, %and3A_611 : vector<16xi32>
        %bitcast3A_613 = vector.bitcast %and3A_612 : vector<16xi32> to vector<16xf32>
        %get3A_614 = arith.constant 1 : i32
        %get3A_615 = arith.index_cast %get3A_614 : i32 to index
        %get3A_616 = arith.index_cast %add3A_559 : i32 to index
        %get3A_617 = arith.constant 16 : index
        %get3A_618 = tpu.vector_load %arg8[%get3A_615, %get3A_616, %get3A_617] {strides = array<i32>} : memref<2x40x128xf32, #tpu.memory_space<vmem>>, vector<16xf32>,
        %get3A_619 = arith.constant 1 : i32
        %get3A_620 = arith.index_cast %get3A_619 : i32 to index
        %get3A_621 = arith.index_cast %add3A_559 : i32 to index
        %get3A_622 = arith.constant 80 : index
        %get3A_623 = tpu.vector_load %arg8[%get3A_620, %get3A_621, %get3A_622] {strides = array<i32>} : memref<2x40x128xf32, #tpu.memory_space<vmem>>, vector<16xf32>,
        %add3A_624 = arith.addf %get3A_618, %bitcast3A_609 : vector<16xf32>
        %max3A_625 = arith.constant 0.000000e+00 : f32
        %max3A_626 = vector.broadcast %max3A_625 : f32 to vector<16xf32>
        %max3A_627 = arith.maximumf %add3A_624, %max3A_626 : vector<16xf32>
        %swap3A_628 = arith.constant 1 : i32
        %swap3A_629 = arith.index_cast %swap3A_628 : i32 to index
        %swap3A_630 = arith.index_cast %add3A_559 : i32 to index
        %swap3A_631 = arith.constant 16 : index
        %swap3A_632 = tpu.vector_load %arg10[%swap3A_629, %swap3A_630, %swap3A_631] {strides = array<i32>} : memref<2x40x128xf32, #tpu.memory_space<vmem>>, vector<16xf32>,
        tpu.vector_store %arg10[%swap3A_629, %swap3A_630, %swap3A_631], %max3A_627 {strides = array<i32>} : memref<2x40x128xf32, #tpu.memory_space<vmem>>, vector<16xf32>,
        %add3A_633 = arith.addf %get3A_623, %bitcast3A_613 : vector<16xf32>
        %max3A_634 = arith.constant 0.000000e+00 : f32
        %max3A_635 = vector.broadcast %max3A_634 : f32 to vector<16xf32>
        %max3A_636 = arith.maximumf %add3A_633, %max3A_635 : vector<16xf32>
        %swap3A_637 = arith.constant 1 : i32
        %swap3A_638 = arith.index_cast %swap3A_637 : i32 to index
        %swap3A_639 = arith.index_cast %add3A_559 : i32 to index
        %swap3A_640 = arith.constant 80 : index
        %swap3A_641 = tpu.vector_load %arg10[%swap3A_638, %swap3A_639, %swap3A_640] {strides = array<i32>} : memref<2x40x128xf32, #tpu.memory_space<vmem>>, vector<16xf32>,
        tpu.vector_store %arg10[%swap3A_638, %swap3A_639, %swap3A_640], %max3A_636 {strides = array<i32>} : memref<2x40x128xf32, #tpu.memory_space<vmem>>, vector<16xf32>,
        %get3A_642 = arith.constant 1 : i32
        %get3A_643 = arith.index_cast %get3A_642 : i32 to index
        %get3A_644 = arith.index_cast %add3A_559 : i32 to index
        %get3A_645 = arith.constant 32 : index
        %get3A_646 = tpu.vector_load %arg9[%get3A_643, %get3A_644, %get3A_645] {strides = array<i32>} : memref<2x40x64xi32, #tpu.memory_space<vmem>>, vector<16xi32>,
        %shift_left3A_647 = arith.constant 16 : i32
        %shift_left3A_648 = vector.broadcast %shift_left3A_647 : i32 to vector<16xi32>
        %shift_left3A_649 = arith.shli %get3A_646, %shift_left3A_648 : vector<16xi32>
        %bitcast3A_650 = vector.bitcast %shift_left3A_649 : vector<16xi32> to vector<16xf32>
        %and3A_651 = arith.constant -65536 : i32
        %and3A_652 = vector.broadcast %and3A_651 : i32 to vector<16xi32>
        %and3A_653 = arith.andi %get3A_646, %and3A_652 : vector<16xi32>
        %bitcast3A_654 = vector.bitcast %and3A_653 : vector<16xi32> to vector<16xf32>
        %get3A_655 = arith.constant 1 : i32
        %get3A_656 = arith.index_cast %get3A_655 : i32 to index
        %get3A_657 = arith.index_cast %add3A_559 : i32 to index
        %get3A_658 = arith.constant 32 : index
        %get3A_659 = tpu.vector_load %arg8[%get3A_656, %get3A_657, %get3A_658] {strides = array<i32>} : memref<2x40x128xf32, #tpu.memory_space<vmem>>, vector<16xf32>,
        %get3A_660 = arith.constant 1 : i32
        %get3A_661 = arith.index_cast %get3A_660 : i32 to index
        %get3A_662 = arith.index_cast %add3A_559 : i32 to index
        %get3A_663 = arith.constant 96 : index
        %get3A_664 = tpu.vector_load %arg8[%get3A_661, %get3A_662, %get3A_663] {strides = array<i32>} : memref<2x40x128xf32, #tpu.memory_space<vmem>>, vector<16xf32>,
        %add3A_665 = arith.addf %get3A_659, %bitcast3A_650 : vector<16xf32>
        %max3A_666 = arith.constant 0.000000e+00 : f32
        %max3A_667 = vector.broadcast %max3A_666 : f32 to vector<16xf32>
        %max3A_668 = arith.maximumf %add3A_665, %max3A_667 : vector<16xf32>
        %swap3A_669 = arith.constant 1 : i32
        %swap3A_670 = arith.index_cast %swap3A_669 : i32 to index
        %swap3A_671 = arith.index_cast %add3A_559 : i32 to index
        %swap3A_672 = arith.constant 32 : index
        %swap3A_673 = tpu.vector_load %arg10[%swap3A_670, %swap3A_671, %swap3A_672] {strides = array<i32>} : memref<2x40x128xf32, #tpu.memory_space<vmem>>, vector<16xf32>,
        tpu.vector_store %arg10[%swap3A_670, %swap3A_671, %swap3A_672], %max3A_668 {strides = array<i32>} : memref<2x40x128xf32, #tpu.memory_space<vmem>>, vector<16xf32>,
        %add3A_674 = arith.addf %get3A_664, %bitcast3A_654 : vector<16xf32>
        %max3A_675 = arith.constant 0.000000e+00 : f32
        %max3A_676 = vector.broadcast %max3A_675 : f32 to vector<16xf32>
        %max3A_677 = arith.maximumf %add3A_674, %max3A_676 : vector<16xf32>
        %swap3A_678 = arith.constant 1 : i32
        %swap3A_679 = arith.index_cast %swap3A_678 : i32 to index
        %swap3A_680 = arith.index_cast %add3A_559 : i32 to index
        %swap3A_681 = arith.constant 96 : index
        %swap3A_682 = tpu.vector_load %arg10[%swap3A_679, %swap3A_680, %swap3A_681] {strides = array<i32>} : memref<2x40x128xf32, #tpu.memory_space<vmem>>, vector<16xf32>,
        tpu.vector_store %arg10[%swap3A_679, %swap3A_680, %swap3A_681], %max3A_677 {strides = array<i32>} : memref<2x40x128xf32, #tpu.memory_space<vmem>>, vector<16xf32>,
        %get3A_683 = arith.constant 1 : i32
        %get3A_684 = arith.index_cast %get3A_683 : i32 to index
        %get3A_685 = arith.index_cast %add3A_559 : i32 to index
        %get3A_686 = arith.constant 48 : index
        %get3A_687 = tpu.vector_load %arg9[%get3A_684, %get3A_685, %get3A_686] {strides = array<i32>} : memref<2x40x64xi32, #tpu.memory_space<vmem>>, vector<16xi32>,
        %shift_left3A_688 = arith.constant 16 : i32
        %shift_left3A_689 = vector.broadcast %shift_left3A_688 : i32 to vector<16xi32>
        %shift_left3A_690 = arith.shli %get3A_687, %shift_left3A_689 : vector<16xi32>
        %bitcast3A_691 = vector.bitcast %shift_left3A_690 : vector<16xi32> to vector<16xf32>
        %and3A_692 = arith.constant -65536 : i32
        %and3A_693 = vector.broadcast %and3A_692 : i32 to vector<16xi32>
        %and3A_694 = arith.andi %get3A_687, %and3A_693 : vector<16xi32>
        %bitcast3A_695 = vector.bitcast %and3A_694 : vector<16xi32> to vector<16xf32>
        %get3A_696 = arith.constant 1 : i32
        %get3A_697 = arith.index_cast %get3A_696 : i32 to index
        %get3A_698 = arith.index_cast %add3A_559 : i32 to index
        %get3A_699 = arith.constant 48 : index
        %get3A_700 = tpu.vector_load %arg8[%get3A_697, %get3A_698, %get3A_699] {strides = array<i32>} : memref<2x40x128xf32, #tpu.memory_space<vmem>>, vector<16xf32>,
        %get3A_701 = arith.constant 1 : i32
        %get3A_702 = arith.index_cast %get3A_701 : i32 to index
        %get3A_703 = arith.index_cast %add3A_559 : i32 to index
        %get3A_704 = arith.constant 112 : index
        %get3A_705 = tpu.vector_load %arg8[%get3A_702, %get3A_703, %get3A_704] {strides = array<i32>} : memref<2x40x128xf32, #tpu.memory_space<vmem>>, vector<16xf32>,
        %add3A_706 = arith.addf %get3A_700, %bitcast3A_691 : vector<16xf32>
        %max3A_707 = arith.constant 0.000000e+00 : f32
        %max3A_708 = vector.broadcast %max3A_707 : f32 to vector<16xf32>
        %max3A_709 = arith.maximumf %add3A_706, %max3A_708 : vector<16xf32>
        %swap3A_710 = arith.constant 1 : i32
        %swap3A_711 = arith.index_cast %swap3A_710 : i32 to index
        %swap3A_712 = arith.index_cast %add3A_559 : i32 to index
        %swap3A_713 = arith.constant 48 : index
        %swap3A_714 = tpu.vector_load %arg10[%swap3A_711, %swap3A_712, %swap3A_713] {strides = array<i32>} : memref<2x40x128xf32, #tpu.memory_space<vmem>>, vector<16xf32>,
        tpu.vector_store %arg10[%swap3A_711, %swap3A_712, %swap3A_713], %max3A_709 {strides = array<i32>} : memref<2x40x128xf32, #tpu.memory_space<vmem>>, vector<16xf32>,
        %add3A_715 = arith.addf %get3A_705, %bitcast3A_695 : vector<16xf32>
        %max3A_716 = arith.constant 0.000000e+00 : f32
        %max3A_717 = vector.broadcast %max3A_716 : f32 to vector<16xf32>
        %max3A_718 = arith.maximumf %add3A_715, %max3A_717 : vector<16xf32>
        %swap3A_719 = arith.constant 1 : i32
        %swap3A_720 = arith.index_cast %swap3A_719 : i32 to index
        %swap3A_721 = arith.index_cast %add3A_559 : i32 to index
        %swap3A_722 = arith.constant 112 : index
        %swap3A_723 = tpu.vector_load %arg10[%swap3A_720, %swap3A_721, %swap3A_722] {strides = array<i32>} : memref<2x40x128xf32, #tpu.memory_space<vmem>>, vector<16xf32>,
        tpu.vector_store %arg10[%swap3A_720, %swap3A_721, %swap3A_722], %max3A_718 {strides = array<i32>} : memref<2x40x128xf32, #tpu.memory_space<vmem>>, vector<16xf32>,
        %scan3A_724 = arith.constant 0 : i32
        scf.yield %scan3A_724 : i32
      }
      %scan3A_373 = arith.constant 20 : i32
      %rem3A_374 = arith.constant 4 : i32
      %rem3A_375 = arith.remsi %add3A_311, %rem3A_374 : i32
      %dma_start3A_376 = arith.constant 1 : i32
      %dma_start3A_377 = arith.constant 1 : i32
      %dma_start3A_378 = arith.constant 1 : i32
      %dma_start3A_379 = arith.constant 0 : i32
      %dma_start3A_380 = arith.constant 0 : i32
      %dma_start3A_381 = tpu.memref_slice %arg10[%dma_start3A_376, %dma_start3A_379, %dma_start3A_380] : memref<2x40x128xf32, #tpu.memory_space<vmem>> -> memref<1x40x128xf32, #tpu.memory_space<vmem>>
      %dma_start3A_382 = tpu.memref_squeeze %dma_start3A_381 : memref<1x40x128xf32, #tpu.memory_space<vmem>> -> memref<40x128xf32, #tpu.memory_space<vmem>>
      %dma_start3A_383 = arith.constant 0 : i32
      %dma_start3A_384 = tpu.memref_slice %arg7[%rem3A_375, %dma_start3A_377, %dma_start3A_383] : memref<4x2x40xi32, #tpu.memory_space<vmem>> -> memref<1x1x40xi32, #tpu.memory_space<vmem>>
      %dma_start3A_385 = tpu.memref_squeeze %dma_start3A_384 : memref<1x1x40xi32, #tpu.memory_space<vmem>> -> memref<40xi32, #tpu.memory_space<vmem>>
      %dma_start3A_386 = arith.constant 0 : i32
      %dma_start3A_387 = arith.constant 0 : i32
      %dma_start3A_388 = tpu.memref_slice %arg6[%dma_start3A_386, %dma_start3A_387] : memref<10000x128xf32, #tpu.memory_space<vmem_shared>> -> memref<10000x128xf32, #tpu.memory_space<vmem_shared>>
      %dma_start3A_389 = tpu.memref_slice %arg14[%dma_start3A_378] : memref<2x!tpu.dma_semaphore, #tpu.memory_space<semaphore_mem>> -> memref<1x!tpu.dma_semaphore, #tpu.memory_space<semaphore_mem>>
      %dma_start3A_390 = tpu.memref_squeeze %dma_start3A_389 : memref<1x!tpu.dma_semaphore, #tpu.memory_space<semaphore_mem>> -> memref<!tpu.dma_semaphore, #tpu.memory_space<semaphore_mem>>
      tpu.enqueue_indirect_dma source(%dma_start3A_382 : memref<40x128xf32, #tpu.memory_space<vmem>>) target(%dma_start3A_388 : memref<10000x128xf32, #tpu.memory_space<vmem_shared>>) offsets(%dma_start3A_385 : memref<40xi32, #tpu.memory_space<vmem>>) semaphore(%dma_start3A_390 : memref<!tpu.dma_semaphore, #tpu.memory_space<semaphore_mem>>) {add = true}
      %scan3A_391 = arith.constant 0 : i32
      scf.yield %scan3A_391 : i32
    }
    %scan3A_177 = arith.constant 125 : i32
    %dma_wait3A_178 = arith.constant 0 : i32
    %dma_wait3A_179 = arith.constant 0 : i32
    %dma_wait3A_180 = arith.constant 0 : i32
    %dma_wait3A_181 = arith.constant 0 : i32
    %dma_wait3A_182 = tpu.memref_slice %arg10[%dma_wait3A_178, %dma_wait3A_180, %dma_wait3A_181] : memref<2x40x128xf32, #tpu.memory_space<vmem>> -> memref<1x40x128xf32, #tpu.memory_space<vmem>>
    %dma_wait3A_183 = tpu.memref_squeeze %dma_wait3A_182 : memref<1x40x128xf32, #tpu.memory_space<vmem>> -> memref<40x128xf32, #tpu.memory_space<vmem>>
    %dma_wait3A_184 = arith.constant 0 : i32
    %dma_wait3A_185 = arith.constant 0 : i32
    %dma_wait3A_186 = tpu.memref_slice %arg6[%dma_wait3A_184, %dma_wait3A_185] : memref<10000x128xf32, #tpu.memory_space<vmem_shared>> -> memref<40x128xf32, #tpu.memory_space<vmem_shared>>
    %dma_wait3A_187 = tpu.memref_slice %arg14[%dma_wait3A_179] : memref<2x!tpu.dma_semaphore, #tpu.memory_space<semaphore_mem>> -> memref<1x!tpu.dma_semaphore, #tpu.memory_space<semaphore_mem>>
    %dma_wait3A_188 = tpu.memref_squeeze %dma_wait3A_187 : memref<1x!tpu.dma_semaphore, #tpu.memory_space<semaphore_mem>> -> memref<!tpu.dma_semaphore, #tpu.memory_space<semaphore_mem>>
    %dma_wait3A_189 = arith.constant 0 : i32
    %dma_wait3A_190 = arith.constant 0 : i32
    %dma_wait3A_191 = tpu.memref_slice %arg6[%dma_wait3A_189, %dma_wait3A_190] : memref<10000x128xf32, #tpu.memory_space<vmem_shared>> -> memref<40x128xf32, #tpu.memory_space<vmem_shared>>
    %dma_wait3A_192 = arith.constant 0 : i32
    %dma_wait3A_193 = arith.constant 0 : i32
    %dma_wait3A_194 = tpu.memref_slice %arg10[%dma_wait3A_178, %dma_wait3A_192, %dma_wait3A_193] : memref<2x40x128xf32, #tpu.memory_space<vmem>> -> memref<1x40x128xf32, #tpu.memory_space<vmem>>
    %dma_wait3A_195 = tpu.memref_squeeze %dma_wait3A_194 : memref<1x40x128xf32, #tpu.memory_space<vmem>> -> memref<40x128xf32, #tpu.memory_space<vmem>>
    tpu.wait_dma2 semaphore(%dma_wait3A_188 : memref<!tpu.dma_semaphore, #tpu.memory_space<semaphore_mem>>) src(%dma_wait3A_195 : memref<40x128xf32, #tpu.memory_space<vmem>>) dst(%dma_wait3A_191 : memref<40x128xf32, #tpu.memory_space<vmem_shared>>)
    %dma_wait3A_196 = arith.constant 1 : i32
    %dma_wait3A_197 = arith.constant 1 : i32
    %dma_wait3A_198 = arith.constant 0 : i32
    %dma_wait3A_199 = arith.constant 0 : i32
    %dma_wait3A_200 = tpu.memref_slice %arg10[%dma_wait3A_196, %dma_wait3A_198, %dma_wait3A_199] : memref<2x40x128xf32, #tpu.memory_space<vmem>> -> memref<1x40x128xf32, #tpu.memory_space<vmem>>
    %dma_wait3A_201 = tpu.memref_squeeze %dma_wait3A_200 : memref<1x40x128xf32, #tpu.memory_space<vmem>> -> memref<40x128xf32, #tpu.memory_space<vmem>>
    %dma_wait3A_202 = arith.constant 0 : i32
    %dma_wait3A_203 = arith.constant 0 : i32
    %dma_wait3A_204 = tpu.memref_slice %arg6[%dma_wait3A_202, %dma_wait3A_203] : memref<10000x128xf32, #tpu.memory_space<vmem_shared>> -> memref<40x128xf32, #tpu.memory_space<vmem_shared>>
    %dma_wait3A_205 = tpu.memref_slice %arg14[%dma_wait3A_197] : memref<2x!tpu.dma_semaphore, #tpu.memory_space<semaphore_mem>> -> memref<1x!tpu.dma_semaphore, #tpu.memory_space<semaphore_mem>>
    %dma_wait3A_206 = tpu.memref_squeeze %dma_wait3A_205 : memref<1x!tpu.dma_semaphore, #tpu.memory_space<semaphore_mem>> -> memref<!tpu.dma_semaphore, #tpu.memory_space<semaphore_mem>>
    %dma_wait3A_207 = arith.constant 0 : i32
    %dma_wait3A_208 = arith.constant 0 : i32
    %dma_wait3A_209 = tpu.memref_slice %arg6[%dma_wait3A_207, %dma_wait3A_208] : memref<10000x128xf32, #tpu.memory_space<vmem_shared>> -> memref<40x128xf32, #tpu.memory_space<vmem_shared>>
    %dma_wait3A_210 = arith.constant 0 : i32
    %dma_wait3A_211 = arith.constant 0 : i32
    %dma_wait3A_212 = tpu.memref_slice %arg10[%dma_wait3A_196, %dma_wait3A_210, %dma_wait3A_211] : memref<2x40x128xf32, #tpu.memory_space<vmem>> -> memref<1x40x128xf32, #tpu.memory_space<vmem>>
    %dma_wait3A_213 = tpu.memref_squeeze %dma_wait3A_212 : memref<1x40x128xf32, #tpu.memory_space<vmem>> -> memref<40x128xf32, #tpu.memory_space<vmem>>
    tpu.wait_dma2 semaphore(%dma_wait3A_206 : memref<!tpu.dma_semaphore, #tpu.memory_space<semaphore_mem>>) src(%dma_wait3A_213 : memref<40x128xf32, #tpu.memory_space<vmem>>) dst(%dma_wait3A_209 : memref<40x128xf32, #tpu.memory_space<vmem_shared>>)
    %barrier3A_214 = arith.constant 0 : index
    tpu.barrier barrier_id(%barrier3A_214)
    %while3A_215 = arith.constant 0 : i32
    %while3A_216 = arith.constant 0 : i32
    %while3A_217 = arith.subi %select_n3A, %while3A_215 : i32
    %while3A_218 = arith.addi %while3A_215, %while3A_217 : i32
    %while3A_219 = arith.constant 1 : i32
    %while3A_220 = arith.divsi %while3A_217, %while3A_219 : i32
    %while3A_221 = arith.muli %while3A_220, %while3A_219 : i32
    %while3A_222 = arith.addi %while3A_215, %while3A_221 : i32
    %while3A_223 = arith.constant 1 : i32
    %while3A_224 = scf.for %while3A_227 = %while3A_215 to %while3A_222 step %while3A_223 iter_args(%while3A_228 = %while3A_216) -> (i32)  : i32 {
      %mul3A_229 = arith.constant 640 : i32
      %mul3A_230 = arith.muli %arg1, %mul3A_229 : i32
      %mul3A_231 = arith.constant 40 : i32
      %mul3A_232 = arith.muli %while3A_227, %mul3A_231 : i32
      %add3A_233 = arith.addi %mul3A_230, %mul3A_232 : i32
      %mul3A_234 = arith.constant 640 : i32
      %mul3A_235 = arith.muli %arg1, %mul3A_234 : i32
      %mul3A_236 = arith.constant 40 : i32
      %mul3A_237 = arith.muli %while3A_227, %mul3A_236 : i32
      %add3A_238 = arith.addi %mul3A_235, %mul3A_237 : i32
      "tpu.region"() ({
        %run_scoped3A = tpu.sem_alloc : memref<!tpu.dma_semaphore, #tpu.memory_space<semaphore_mem>>
        %dma_start3A_240 = arith.constant 0 : i32
        %dma_start3A_241 = tpu.memref_slice %arg5[%arg0, %add3A_238, %dma_start3A_240] : memref<2x10000x128xf32, #tpu.memory_space<hbm>> -> memref<1x40x128xf32, #tpu.memory_space<hbm>>
        %dma_start3A_242 = tpu.memref_squeeze %dma_start3A_241 : memref<1x40x128xf32, #tpu.memory_space<hbm>> -> memref<40x128xf32, #tpu.memory_space<hbm>>
        %dma_start3A_243 = arith.constant 0 : i32
        %dma_start3A_244 = tpu.memref_slice %arg6[%add3A_233, %dma_start3A_243] : memref<10000x128xf32, #tpu.memory_space<vmem_shared>> -> memref<40x128xf32, #tpu.memory_space<vmem_shared>>
        tpu.enqueue_dma source(%dma_start3A_244 : memref<40x128xf32, #tpu.memory_space<vmem_shared>>) target(%dma_start3A_242 : memref<40x128xf32, #tpu.memory_space<hbm>>) target_semaphore(%run_scoped3A : memref<!tpu.dma_semaphore, #tpu.memory_space<semaphore_mem>>)
        %dma_wait3A_245 = arith.constant 0 : i32
        %dma_wait3A_246 = tpu.memref_slice %arg5[%arg0, %add3A_238, %dma_wait3A_245] : memref<2x10000x128xf32, #tpu.memory_space<hbm>> -> memref<1x40x128xf32, #tpu.memory_space<hbm>>
        %dma_wait3A_247 = tpu.memref_squeeze %dma_wait3A_246 : memref<1x40x128xf32, #tpu.memory_space<hbm>> -> memref<40x128xf32, #tpu.memory_space<hbm>>
        %dma_wait3A_248 = arith.constant 0 : i32
        %dma_wait3A_249 = tpu.memref_slice %arg6[%add3A_233, %dma_wait3A_248] : memref<10000x128xf32, #tpu.memory_space<vmem_shared>> -> memref<40x128xf32, #tpu.memory_space<vmem_shared>>
        tpu.wait_dma2 semaphore(%run_scoped3A : memref<!tpu.dma_semaphore, #tpu.memory_space<semaphore_mem>>) src(%dma_wait3A_249 : memref<40x128xf32, #tpu.memory_space<vmem_shared>>) dst(%dma_wait3A_247 : memref<40x128xf32, #tpu.memory_space<hbm>>)
        tpu.yield
      }) : () -> ()
      %while3A_239 = arith.constant 0 : i32
      scf.yield %while3A_239 : i32
    }
    %while3A_225 = arith.constant 1 : i32
    %while3A_226 = scf.for %while3A_227 = %while3A_222 to %while3A_218 step %while3A_225 iter_args(%while3A_228 = %while3A_224) -> (i32)  : i32 {
      %mul3A_229 = arith.constant 640 : i32
      %mul3A_230 = arith.muli %arg1, %mul3A_229 : i32
      %mul3A_231 = arith.constant 40 : i32
      %mul3A_232 = arith.muli %while3A_227, %mul3A_231 : i32
      %add3A_233 = arith.addi %mul3A_230, %mul3A_232 : i32
      %mul3A_234 = arith.constant 640 : i32
      %mul3A_235 = arith.muli %arg1, %mul3A_234 : i32
      %mul3A_236 = arith.constant 40 : i32
      %mul3A_237 = arith.muli %while3A_227, %mul3A_236 : i32
      %add3A_238 = arith.addi %mul3A_235, %mul3A_237 : i32
      "tpu.region"() ({
        %run_scoped3A = tpu.sem_alloc : memref<!tpu.dma_semaphore, #tpu.memory_space<semaphore_mem>>
        %dma_start3A_240 = arith.constant 0 : i32
        %dma_start3A_241 = tpu.memref_slice %arg5[%arg0, %add3A_238, %dma_start3A_240] : memref<2x10000x128xf32, #tpu.memory_space<hbm>> -> memref<1x40x128xf32, #tpu.memory_space<hbm>>
        %dma_start3A_242 = tpu.memref_squeeze %dma_start3A_241 : memref<1x40x128xf32, #tpu.memory_space<hbm>> -> memref<40x128xf32, #tpu.memory_space<hbm>>
        %dma_start3A_243 = arith.constant 0 : i32
        %dma_start3A_244 = tpu.memref_slice %arg6[%add3A_233, %dma_start3A_243] : memref<10000x128xf32, #tpu.memory_space<vmem_shared>> -> memref<40x128xf32, #tpu.memory_space<vmem_shared>>
        tpu.enqueue_dma source(%dma_start3A_244 : memref<40x128xf32, #tpu.memory_space<vmem_shared>>) target(%dma_start3A_242 : memref<40x128xf32, #tpu.memory_space<hbm>>) target_semaphore(%run_scoped3A : memref<!tpu.dma_semaphore, #tpu.memory_space<semaphore_mem>>)
        %dma_wait3A_245 = arith.constant 0 : i32
        %dma_wait3A_246 = tpu.memref_slice %arg5[%arg0, %add3A_238, %dma_wait3A_245] : memref<2x10000x128xf32, #tpu.memory_space<hbm>> -> memref<1x40x128xf32, #tpu.memory_space<hbm>>
        %dma_wait3A_247 = tpu.memref_squeeze %dma_wait3A_246 : memref<1x40x128xf32, #tpu.memory_space<hbm>> -> memref<40x128xf32, #tpu.memory_space<hbm>>
        %dma_wait3A_248 = arith.constant 0 : i32
        %dma_wait3A_249 = tpu.memref_slice %arg6[%add3A_233, %dma_wait3A_248] : memref<10000x128xf32, #tpu.memory_space<vmem_shared>> -> memref<40x128xf32, #tpu.memory_space<vmem_shared>>
        tpu.wait_dma2 semaphore(%run_scoped3A : memref<!tpu.dma_semaphore, #tpu.memory_space<semaphore_mem>>) src(%dma_wait3A_249 : memref<40x128xf32, #tpu.memory_space<vmem_shared>>) dst(%dma_wait3A_247 : memref<40x128xf32, #tpu.memory_space<hbm>>)
        tpu.yield
      }) : () -> ()
      %while3A_239 = arith.constant 0 : i32
      scf.yield %while3A_239 : i32
    }
    return
  }
}

module attributes {stable_mosaic.version = 14 : i64} {
  func.func @body(%arg0: i32, %arg1: memref<1000x128xf32, #tpu.memory_space<vmem>>, %arg2: memref<2x1000x128xf32, #tpu.memory_space<vmem>>, %arg3: memref<128x128xf32, #tpu.memory_space<vmem>>, %arg4: memref<1x128xf32, #tpu.memory_space<vmem>>, %arg5: memref<128x128xf32, #tpu.memory_space<vmem>>, %arg6: memref<1x128xf32, #tpu.memory_space<vmem>>, %arg7: memref<1000x128xf32, #tpu.memory_space<vmem>>) attributes {dimension_semantics = [#tpu.dimension_semantics<arbitrary>], iteration_bounds = array<i64: 10>, scalar_prefetch = 0 : i64, scratch_operands = 0 : i64, tpu.core_type = #tpu.core_type<tc>, window_params = [{transform_indices = @transform_0, window_bounds = array<i64: 1000, 128>}, {transform_indices = @transform_1, window_bounds = array<i64: 2, 1000, 128>}, {pipeline_mode = #tpu.pipeline_mode<synchronous>, transform_indices = @transform_2, window_bounds = array<i64: 128, 128>}, {pipeline_mode = #tpu.pipeline_mode<synchronous>, transform_indices = @transform_3, window_bounds = array<i64: 1, 128>}, {pipeline_mode = #tpu.pipeline_mode<synchronous>, transform_indices = @transform_4, window_bounds = array<i64: 128, 128>}, {pipeline_mode = #tpu.pipeline_mode<synchronous>, transform_indices = @transform_5, window_bounds = array<i64: 1, 128>}, {transform_indices = @transform_6, window_bounds = array<i64: 1000, 128>}]} {
    %get3A = arith.constant 0 : index
    %get3A_0 = arith.constant 0 : index
    %get3A_1 = vector.load %arg1[%get3A, %get3A_0] : memref<1000x128xf32, #tpu.memory_space<vmem>>, vector<1000x128xf32>
    %get3A_2 = arith.constant 0 : index
    %get3A_3 = arith.constant 0 : index
    %get3A_4 = arith.constant 0 : index
    %get3A_5 = vector.load %arg2[%get3A_2, %get3A_3, %get3A_4] : memref<2x1000x128xf32, #tpu.memory_space<vmem>>, vector<1x1000x128xf32>
    %get3A_6 = vector.shape_cast %get3A_5 : vector<1x1000x128xf32> to vector<1000x128xf32>
    %add3A = arith.addf %get3A_1, %get3A_6 : vector<1000x128xf32>
    %get3A_7 = arith.constant 1 : index
    %get3A_8 = arith.constant 0 : index
    %get3A_9 = arith.constant 0 : index
    %get3A_10 = vector.load %arg2[%get3A_7, %get3A_8, %get3A_9] : memref<2x1000x128xf32, #tpu.memory_space<vmem>>, vector<1x1000x128xf32>
    %get3A_11 = vector.shape_cast %get3A_10 : vector<1x1000x128xf32> to vector<1000x128xf32>
    %add3A_12 = arith.addf %add3A, %get3A_11 : vector<1000x128xf32>
    %get3A_13 = arith.constant 0 : index
    %get3A_14 = arith.constant 0 : index
    %get3A_15 = vector.load %arg3[%get3A_13, %get3A_14] : memref<128x128xf32, #tpu.memory_space<vmem>>, vector<128x128xf32>
    %dot_general3A = arith.constant dense<0.000000e+00> : vector<1000x128xf32>
    %dot_general3A_16 = tpu.matmul %add3A_12, %get3A_15, %dot_general3A {dimension_numbers = #tpu.dot_dimension_numbers<[1], [0], [0], [1], [0, 0, 1, 1], [], []>, transpose_lhs_hint = false} : vector<1000x128xf32>, vector<128x128xf32>, vector<1000x128xf32> -> vector<1000x128xf32>
    %get3A_17 = arith.constant 0 : index
    %get3A_18 = arith.constant 0 : index
    %get3A_19 = vector.load %arg4[%get3A_17, %get3A_18] : memref<1x128xf32, #tpu.memory_space<vmem>>, vector<1x128xf32>
    %add3A_20 = vector.broadcast %get3A_19 : vector<1x128xf32> to vector<1000x128xf32>
    %add3A_21 = arith.addf %dot_general3A_16, %add3A_20 : vector<1000x128xf32>
    %max3A = arith.constant 0.000000e+00 : f32
    %max3A_22 = vector.broadcast %max3A : f32 to vector<1000x128xf32>
    %max3A_23 = arith.maximumf %add3A_21, %max3A_22 : vector<1000x128xf32>
    %get3A_24 = arith.constant 0 : index
    %get3A_25 = arith.constant 0 : index
    %get3A_26 = vector.load %arg5[%get3A_24, %get3A_25] : memref<128x128xf32, #tpu.memory_space<vmem>>, vector<128x128xf32>
    %dot_general3A_27 = arith.constant dense<0.000000e+00> : vector<1000x128xf32>
    %dot_general3A_28 = tpu.matmul %max3A_23, %get3A_26, %dot_general3A_27 {dimension_numbers = #tpu.dot_dimension_numbers<[1], [0], [0], [1], [0, 0, 1, 1], [], []>, transpose_lhs_hint = false} : vector<1000x128xf32>, vector<128x128xf32>, vector<1000x128xf32> -> vector<1000x128xf32>
    %get3A_29 = arith.constant 0 : index
    %get3A_30 = arith.constant 0 : index
    %get3A_31 = vector.load %arg6[%get3A_29, %get3A_30] : memref<1x128xf32, #tpu.memory_space<vmem>>, vector<1x128xf32>
    %add3A_32 = vector.broadcast %get3A_31 : vector<1x128xf32> to vector<1000x128xf32>
    %add3A_33 = arith.addf %dot_general3A_28, %add3A_32 : vector<1000x128xf32>
    %swap3A = arith.constant 0 : index
    %swap3A_34 = arith.constant 0 : index
    %swap3A_35 = vector.load %arg7[%swap3A, %swap3A_34] : memref<1000x128xf32, #tpu.memory_space<vmem>>, vector<1000x128xf32>
    tpu.vector_store %arg7[%swap3A, %swap3A_34], %add3A_33 {strides = array<i32>} : memref<1000x128xf32, #tpu.memory_space<vmem>>, vector<1000x128xf32>,
    return
  }
  func.func @transform_0(%arg0: i32) -> (i32, i32) {
    %c0_i32 = arith.constant 0 : i32
    %c0_i32_0 = arith.constant 0 : i32
    return %arg0, %c0_i32 : i32, i32
  }
  func.func @transform_1(%arg0: i32) -> (i32, i32, i32) {
    %c0_i32 = arith.constant 0 : i32
    %c0_i32_0 = arith.constant 0 : i32
    %c0_i32_1 = arith.constant 0 : i32
    return %c0_i32, %arg0, %c0_i32_0 : i32, i32, i32
  }
  func.func @transform_2(%arg0: i32) -> (i32, i32) {
    %c0_i32 = arith.constant 0 : i32
    %c0_i32_0 = arith.constant 0 : i32
    %c0_i32_1 = arith.constant 0 : i32
    return %c0_i32, %c0_i32_0 : i32, i32
  }
  func.func @transform_3(%arg0: i32) -> (i32, i32) {
    %c0_i32 = arith.constant 0 : i32
    %c0_i32_0 = arith.constant 0 : i32
    %c0_i32_1 = arith.constant 0 : i32
    return %c0_i32, %c0_i32_0 : i32, i32
  }
  func.func @transform_4(%arg0: i32) -> (i32, i32) {
    %c0_i32 = arith.constant 0 : i32
    %c0_i32_0 = arith.constant 0 : i32
    %c0_i32_1 = arith.constant 0 : i32
    return %c0_i32, %c0_i32_0 : i32, i32
  }
  func.func @transform_5(%arg0: i32) -> (i32, i32) {
    %c0_i32 = arith.constant 0 : i32
    %c0_i32_0 = arith.constant 0 : i32
    %c0_i32_1 = arith.constant 0 : i32
    return %c0_i32, %c0_i32_0 : i32, i32
  }
  func.func @transform_6(%arg0: i32) -> (i32, i32) {
    %c0_i32 = arith.constant 0 : i32
    %c0_i32_0 = arith.constant 0 : i32
    return %arg0, %c0_i32 : i32, i32
  }
}

module attributes {stable_mosaic.version = 14 : i64} {
  func.func @body(%arg0: i32, %arg1: memref<16x3200xf32, #tpu.memory_space<vmem>>, %arg2: memref<16x128xf32, #tpu.memory_space<vmem>>, %arg3: memref<1x128xf32, #tpu.memory_space<vmem>>, %arg4: memref<3200x64xi32, #tpu.memory_space<vmem>>) attributes {dimension_semantics = [#tpu.dimension_semantics<arbitrary>], iteration_bounds = array<i64: 100>, scalar_prefetch = 0 : i64, scratch_operands = 0 : i64, tpu.core_type = #tpu.core_type<tc>, window_params = [{transform_indices = @transform_0, window_bounds = array<i64: 16, 3200>}, {pipeline_mode = #tpu.pipeline_mode<synchronous>, transform_indices = @transform_1, window_bounds = array<i64: 16, 128>}, {pipeline_mode = #tpu.pipeline_mode<synchronous>, transform_indices = @transform_2, window_bounds = array<i64: 1, 128>}, {transform_indices = @transform_3, window_bounds = array<i64: 3200, 64>}]} {
    %get3A = arith.constant 0 : index
    %get3A_0 = arith.constant 0 : index
    %get3A_1 = vector.load %arg1[%get3A, %get3A_0] : memref<16x3200xf32, #tpu.memory_space<vmem>>, vector<16x3200xf32>
    %get3A_2 = arith.constant 0 : index
    %get3A_3 = arith.constant 0 : index
    %get3A_4 = vector.load %arg2[%get3A_2, %get3A_3] : memref<16x128xf32, #tpu.memory_space<vmem>>, vector<16x128xf32>
    %dot_general3A = arith.constant dense<0.000000e+00> : vector<3200x128xf32>
    %dot_general3A_5 = tpu.matmul %get3A_1, %get3A_4, %dot_general3A {dimension_numbers = #tpu.dot_dimension_numbers<[0], [0], [1], [1], [0, 1, 1, 1], [], []>, transpose_lhs_hint = false} : vector<16x3200xf32>, vector<16x128xf32>, vector<3200x128xf32> -> vector<3200x128xf32>
    %get3A_6 = arith.constant 0 : index
    %get3A_7 = arith.constant 0 : index
    %get3A_8 = vector.load %arg3[%get3A_6, %get3A_7] : memref<1x128xf32, #tpu.memory_space<vmem>>, vector<1x128xf32>
    %add3A = vector.broadcast %get3A_8 : vector<1x128xf32> to vector<3200x128xf32>
    %add3A_9 = arith.addf %dot_general3A_5, %add3A : vector<3200x128xf32>
    %slice3A = vector.extract_strided_slice %add3A_9 {offsets = [0, 0], sizes = [3200, 64], strides = [1, 1]} : vector<3200x128xf32> to vector<3200x64xf32>
    %bitcast_convert_type3A = tpu.bitcast %slice3A : vector<3200x64xf32> -> vector<3200x64xi32>
    %add3A_10 = arith.constant 32767 : i32
    %add3A_11 = vector.broadcast %add3A_10 : i32 to vector<3200x64xi32>
    %add3A_12 = arith.addi %bitcast_convert_type3A, %add3A_11 : vector<3200x64xi32>
    %shift_right_arithmetic3A = arith.constant 16 : i32
    %shift_right_arithmetic3A_13 = vector.broadcast %shift_right_arithmetic3A : i32 to vector<3200x64xi32>
    %shift_right_arithmetic3A_14 = arith.shrsi %bitcast_convert_type3A, %shift_right_arithmetic3A_13 : vector<3200x64xi32>
    %and3A = arith.constant 1 : i32
    %and3A_15 = vector.broadcast %and3A : i32 to vector<3200x64xi32>
    %and3A_16 = arith.andi %shift_right_arithmetic3A_14, %and3A_15 : vector<3200x64xi32>
    %add3A_17 = arith.addi %add3A_12, %and3A_16 : vector<3200x64xi32>
    %slice3A_18 = vector.extract_strided_slice %add3A_9 {offsets = [0, 64], sizes = [3200, 64], strides = [1, 1]} : vector<3200x128xf32> to vector<3200x64xf32>
    %bitcast_convert_type3A_19 = tpu.bitcast %slice3A_18 : vector<3200x64xf32> -> vector<3200x64xi32>
    %add3A_20 = arith.constant 32767 : i32
    %add3A_21 = vector.broadcast %add3A_20 : i32 to vector<3200x64xi32>
    %add3A_22 = arith.addi %bitcast_convert_type3A_19, %add3A_21 : vector<3200x64xi32>
    %shift_right_arithmetic3A_23 = arith.constant 16 : i32
    %shift_right_arithmetic3A_24 = vector.broadcast %shift_right_arithmetic3A_23 : i32 to vector<3200x64xi32>
    %shift_right_arithmetic3A_25 = arith.shrsi %bitcast_convert_type3A_19, %shift_right_arithmetic3A_24 : vector<3200x64xi32>
    %and3A_26 = arith.constant 1 : i32
    %and3A_27 = vector.broadcast %and3A_26 : i32 to vector<3200x64xi32>
    %and3A_28 = arith.andi %shift_right_arithmetic3A_25, %and3A_27 : vector<3200x64xi32>
    %add3A_29 = arith.addi %add3A_22, %and3A_28 : vector<3200x64xi32>
    %shift_right_arithmetic3A_30 = arith.constant 16 : i32
    %shift_right_arithmetic3A_31 = vector.broadcast %shift_right_arithmetic3A_30 : i32 to vector<3200x64xi32>
    %shift_right_arithmetic3A_32 = arith.shrsi %add3A_17, %shift_right_arithmetic3A_31 : vector<3200x64xi32>
    %and3A_33 = arith.constant 65535 : i32
    %and3A_34 = vector.broadcast %and3A_33 : i32 to vector<3200x64xi32>
    %and3A_35 = arith.andi %shift_right_arithmetic3A_32, %and3A_34 : vector<3200x64xi32>
    %and3A_36 = arith.constant -65536 : i32
    %and3A_37 = vector.broadcast %and3A_36 : i32 to vector<3200x64xi32>
    %and3A_38 = arith.andi %add3A_29, %and3A_37 : vector<3200x64xi32>
    %or3A = arith.ori %and3A_35, %and3A_38 : vector<3200x64xi32>
    %swap3A = arith.constant 0 : index
    %swap3A_39 = arith.constant 0 : index
    %swap3A_40 = vector.load %arg4[%swap3A, %swap3A_39] : memref<3200x64xi32, #tpu.memory_space<vmem>>, vector<3200x64xi32>
    tpu.vector_store %arg4[%swap3A, %swap3A_39], %or3A {strides = array<i32>} : memref<3200x64xi32, #tpu.memory_space<vmem>>, vector<3200x64xi32>,
    return
  }
  func.func @transform_0(%arg0: i32) -> (i32, i32) {
    %c0_i32 = arith.constant 0 : i32
    %c0_i32_0 = arith.constant 0 : i32
    return %c0_i32, %arg0 : i32, i32
  }
  func.func @transform_1(%arg0: i32) -> (i32, i32) {
    %c0_i32 = arith.constant 0 : i32
    %c0_i32_0 = arith.constant 0 : i32
    %c0_i32_1 = arith.constant 0 : i32
    return %c0_i32, %c0_i32_0 : i32, i32
  }
  func.func @transform_2(%arg0: i32) -> (i32, i32) {
    %c0_i32 = arith.constant 0 : i32
    %c0_i32_0 = arith.constant 0 : i32
    %c0_i32_1 = arith.constant 0 : i32
    return %c0_i32, %c0_i32_0 : i32, i32
  }
  func.func @transform_3(%arg0: i32) -> (i32, i32) {
    %c0_i32 = arith.constant 0 : i32
    %c0_i32_0 = arith.constant 0 : i32
    return %arg0, %c0_i32 : i32, i32
  }
}

</mosaic_0001>

<sc_bundles>
// kernel: kernel.5.cloned.1.call-start
scs
__scs_entry_jumppad:
0x0: {  	(pc) =	sbr.rel $0x88, $3  }
0x1: {  	(tag) =	ssettag $0x0;
	lr =	simm.s32 $0x1  }
0x2: {  	[smem:$0x3F98] =	sst lr;
	_ =	strace $0xD0000000  }
0x3: {  	_ = 	snop  }
0x4: {  	_ = 	snop  }
0x5: {  	_ = 	snop  }
0x6: {  	_ = 	snop  }
0x7: {  	_ = 	snop  }
__scs_overlays_trampoline_lowered:
0x8: {  	[smem:$0x3FA7] =	sst s0  }
0x9: {  	[smem:$0x3FA8] =	sst s1  }
0xa: {  	[smem:$0x3FA9] =	sst s2  }
0xb: {  	[smem:$0x3FAA] =	sst s3  }
0xc: {  	[smem:$0x3FAB] =	sst s4  }
0xd: {  	[smem:$0x3FAC] =	sst s5  }
0xe: {  	[smem:$0x3FAD] =	sst s6  }
0xf: {  	[smem:$0x3FAE] =	sst s7  }
0x10: {  	[smem:$0x3FAF] =	sst s8  }
0x11: {  	[smem:$0x3FB0] =	sst s9;
	s0 =	simm.s32 @!p0 $0x0  }
0x12: {  	s1 =	sld [smem:$0x3F96];
	s0 =	simm.s32 @p0 $0x1  }
0x13: {  	[smem:$0x3FB1] =	sst s0;
	s0 =	simm.s32 @!p1 $0x0  }
0x14: {  	s2 =	sld [smem:$0x3F95];
	s0 =	simm.s32 @p1 $0x1  }
0x15: {  	[smem:$0x3FB2] =	sst s0;
	s0 =	simm.s32 @!p2 $0x0  }
0x16: {  	s3 =	sld [smem:$0x3FDB];
	s0 =	simm.s32 @p2 $0x1  }
0x17: {  	s4 =	simm.s32 $0x1BF5;
	[smem:$0x3FB4] =	sst s0  }
0x18: {  	s0 =	sld [smem:$0x3F97];
	_ =	swait.ge [sflag:s4], $0x0  }
0x19: {  	s7 =	sld [smem:$0x3F98]  }
0x1a: {  	s8 =	sadd.s32 $0xFFFFE003, lr  }
0x1b: {  	s9 =	sadd.s32 $0xFFFFFEF7, lr;
	s5 =	simm.s32 $0xFFFFFFFF;
	p2 =	slt.u32 s8, $0xFFFFF086  }
0x1c: {  	p1 =	slt.u32 s9, $0xF7A;
	s5 =	simm.s32 @!p2 $0x0  }
0x1d: {  	s5 =	simm.s32 @p1 $0x1;
	p0 =	seq.s32 s7, s2  }
0x1e: {  	s7 =	smul.u32 @!p0 $0xF7A, s2;
	p2 =	seq.s32 @!p0 s5, $0x0  }
0x1f: {  	s9 =	smul.u32 $0xF7A, s1;
	s8 =	simm.s32 @!p0 $0x1BF5;
	p2 =	por !p2, p0  }
0x20: {  	[sflag:s8] =	ssyncset.s32 @!p0 $0xFFFFF086;
	s6 =	sadd.s32 @!p0 s3, s7;
	s7 =	simm.s32 @!p0 $0x108  }
0x21: {  	s3 =	sadd.s32 s3, s9;
	s6 =	sadd.s32 @!p0 $0x88, s6;
	s7 =	simm.s32 @p2 $0x1082  }
0x22: {  	[simem:s7], [sflag:s8] =	dma.local @!p0 [hbm:s6], $0xF7A  }
0x23: {  	s9 =	sor.u32 $0xD0000000, s2;
	s6 =	simm.s32 $0x108;
	_ =	swait.ge @!p0 [sflag:s8], $0x0  }
0x24: {  	s3 =	sadd.s32 $0x88, s3;
	s6 =	simm.s32 @!p1 $0x1082;
	[sflag:s4] =	ssyncset.s32 $0xFFFFF086  }
0x25: {  	[simem:s6], [sflag:s4] =	dma.local [hbm:s3], $0xF7A  }
0x26: {  	[smem:$0x3F98] =	sst s1;
	(tag) =	ssettag s2;
	_ =	strace s9  }
0x27: {  	s1 =	sld [smem:$0x3FA8]  }
0x28: {  	s2 =	sld [smem:$0x3FA9]  }
0x29: {  	s4 =	sld [smem:$0x3FAB]  }
0x2a: {  	p0 =	seq.s32 s5, $0x0;
	s5 =	sld [smem:$0x3FAC]  }
0x2b: {  	s6 =	sld [smem:$0x3FAD]  }
0x2c: {  	s7 =	sld [smem:$0x3FAE]  }
0x2d: {  	s3 =	simm.s32 $0x108;
	s8 =	sld [smem:$0x3FAF]  }
0x2e: {  	s3 =	simm.s32 @!p0 $0x1082;
	s9 =	sld [smem:$0x3FB0]  }
0x2f: {  	lr =	sadd.s32 s0, s3;
	s0 =	sld [smem:$0x3FA7]  }
0x30: {  	s3 =	sld [smem:$0x3FAA]  }
0x31: {  	[smem:$0x3FB3] =	sst s10  }
0x32: {  	s10 =	sld [smem:$0x3FB1];
	_ =	sdelay $0x3  }
0x33: {  	p0 =	seq.s32 s10, $0x1;
	s10 =	sld [smem:$0x3FB3];
	_ =	sdelay $0x3  }
0x34: {  	[smem:$0x3FB3] =	sst s10  }
0x35: {  	s10 =	sld [smem:$0x3FB2];
	_ =	sdelay $0x3  }
0x36: {  	p1 =	seq.s32 s10, $0x1;
	s10 =	sld [smem:$0x3FB3];
	_ =	sdelay $0x3  }
0x37: {  	[smem:$0x3FB3] =	sst s10  }
0x38: {  	s10 =	sld [smem:$0x3FB4]  }
0x39: {  	_ = 	snop;
	(pc) =	sbr.ind lr, $3  }
0x3a: {  	_ = 	snop  }
0x3b: {  	_ = 	snop  }
0x3c: {  	p2 =	seq.s32 s10, $0x1;
	s10 =	sld [smem:$0x3FB3]  }
0x3d: {  	_ =	shalt  }
0x3e: {  	_ =	shalt  }
0x3f: {  	_ =	shalt  }
0x40: {  	_ =	shalt  }
0x41: {  	_ =	shalt  }
0x42: {  	_ =	shalt  }
0x43: {  	_ =	shalt  }
0x44: {  	_ =	shalt  }
0x45: {  	_ =	shalt  }
0x46: {  	_ =	shalt  }
0x47: {  	_ =	shalt  }
0x48: {  	_ =	shalt  }
0x49: {  	_ =	shalt  }
0x4a: {  	_ =	shalt  }
0x4b: {  	_ =	shalt  }
0x4c: {  	_ =	shalt  }
0x4d: {  	_ =	shalt  }
0x4e: {  	_ =	shalt  }
0x4f: {  	_ =	shalt  }
0x50: {  	_ =	shalt  }
0x51: {  	_ =	shalt  }
0x52: {  	_ =	shalt  }
0x53: {  	_ =	shalt  }
0x54: {  	_ =	shalt  }
0x55: {  	_ =	shalt  }
0x56: {  	_ =	shalt  }
0x57: {  	_ =	shalt  }
0x58: {  	_ =	shalt  }
0x59: {  	_ =	shalt  }
0x5a: {  	_ =	shalt  }
0x5b: {  	_ =	shalt  }
0x5c: {  	_ =	shalt  }
0x5d: {  	_ =	shalt  }
0x5e: {  	_ =	shalt  }
0x5f: {  	_ =	shalt  }
0x60: {  	_ =	shalt  }
0x61: {  	_ =	shalt  }
0x62: {  	_ =	shalt  }
0x63: {  	_ =	shalt  }
0x64: {  	_ =	shalt  }
0x65: {  	_ =	shalt  }
0x66: {  	_ =	shalt  }
0x67: {  	_ =	shalt  }
0x68: {  	_ =	shalt  }
0x69: {  	_ =	shalt  }
0x6a: {  	_ =	shalt  }
0x6b: {  	_ =	shalt  }
0x6c: {  	_ =	shalt  }
0x6d: {  	_ =	shalt  }
0x6e: {  	_ =	shalt  }
0x6f: {  	_ =	shalt  }
0x70: {  	_ =	shalt  }
0x71: {  	_ =	shalt  }
0x72: {  	_ =	shalt  }
0x73: {  	_ =	shalt  }
0x74: {  	_ =	shalt  }
0x75: {  	_ =	shalt  }
0x76: {  	_ =	shalt  }
0x77: {  	_ =	shalt  }
0x78: {  	_ =	shalt  }
0x79: {  	_ =	shalt  }
0x7a: {  	_ =	shalt  }
0x7b: {  	_ =	shalt  }
0x7c: {  	_ =	shalt  }
0x7d: {  	_ =	shalt  }
0x7e: {  	_ =	shalt  }
0x7f: {  	_ =	shalt  }
0x80: {  	_ =	shalt  }
0x81: {  	_ =	shalt  }
0x82: {  	_ =	shalt  }
0x83: {  	_ =	shalt  }
0x84: {  	_ =	shalt  }
0x85: {  	_ =	shalt  }
0x86: {  	_ =	shalt  }
0x87: {  	_ =	shalt  }
.Lfunc_end0:
.L_simem_size_0:
called_computation_lowered:
.L_overlay_start_0:
0x88: {  	s2 =	sld [smem:$0x3FD9]  }
0x89: {  	s3 =	sld [smem:$0x3FFE];
	_ =	sdelay $0x1  }
0x8a: {  	s1 =	srdreg.scid  }
0x8b: {  	s0 =	sand.u32 $0x1, s1  }
0x8c: {  	s17 =	sshll.u32 s0, $0xA;
	s2 =	sadd.s32 s3, s2  }
0x8d: {  	s2 =	sadd.s32 s2, s17  }
0x8e: {  	[smem:$0x3FBF] =	sst s2  }
0x8f: {  	_ = 	snop  }
0x90: {  	s2 =	sld [smem:$0x3FC9]  }
0x91: {  	s18 =	sld [smem:$0x3FD0];
	(tm) =	ssettm $0x1  }
0x92: {  	s4 =	sld [smem:$0x3FFB];
	_ =	sdelay $0x3  }
0x93: {  	_ =	strace s4  }
0x94: {  	s4 =	sld [smem:$0x3FFC];
	_ =	sdelay $0x3  }
0x95: {  	_ =	strace s4  }
0x96: {  	s4 =	sld [smem:$0x3FFD];
	_ =	sdelay $0x3  }
0x97: {  	_ =	strace s4  }
0x98: {  	_ =	strace $0x8FFFFFFF  }
0x99: {  	s19 =	sld [smem:$0x3FDB];
	_ =	sdelay $0x1  }
0x9a: {  	s5 =	simm.s32 $_scs_section_size  }
0x9b: {  	s6 =	simm.s32 $_size__tile_overlayer_lowered;
	s7 =	simm.s32 $_tile_overlayer_lowered  }
0x9c: {  	s22 =	simm.s32 $0x1BFF;
	s21 =	sshll.u32 s7, $0x1;
	s4 =	sadd.s32 s5, s19  }
0x9d: {  	s8 =	simm.s32 $0x0;
	s20 =	sshll.u32 s6, $0x1;
	s6 =	sadd.s32 s21, s4  }
0x9e: {  	[timem:s8], [sflag:s22] =	dma.local [hbm:s6], s20  }
0x9f: {  	_ =	swait.ge [sflag:s22], s20  }
0xa0: {  	s5 =	ssub.s32 $0x0, s20;
	[sflag:s22] =	ssyncset.done $0x0  }
0xa1: {  	[sflag:s22] =	ssyncadd.s32 s5;
	_ =	sdelay $0x1  }
0xa2: {  	s23 =	simm.s32 $0x1B8B  }
0xa3: {  	_ =	swait.ge [sflag:s23], $0x1  }
0xa4: {  	[sflag:s23] =	ssyncset.done $0x0  }
0xa5: {  	s25 =	simm.s32 $0x1B8E;
	s24 =	sld [smem:$0x3FFE];
	[sflag:s23] =	ssyncadd.s32 $0xFFFFFFFF  }
0xa6: {  	s26 =	simm.s32 $execute0_lowered;
	[smem:$0x3FD2] =	sst s25  }
0xa7: {  	s6 =	sshll.u32 s26, $0x1;
	_ =	strace $0x80000046;
	[dreg:$0x1] =	wrdreg $0xFFFFFFFF  }
0xa8: {  	s28 =	simm.s32 $_size_execute0_lowered;
	s4 =	sadd.s32 s4, s6;
	[dreg:$0x0] =	wrdreg $0x0  }
0xa9: {  	s6 =	sshll.u32 s28, $0x1;
	[dreg:$0x2] =	wrdreg s4  }
0xaa: {  	[dreg:$0x3] =	wrdreg s6  }
0xab: {  	[dreg:$0x4] =	wrdreg $0xC0  }
0xac: {  	_ =	task [dreg:s8], $0x5FFFF  }
0xad: {  	[dreg:$0x1] =	wrdreg $0xFFFFFFFF  }
0xae: {  	[dreg:$0x0] =	wrdreg $0x60  }
0xaf: {  	[dreg:$0x2] =	wrdreg s2  }
0xb0: {  	[dreg:$0x3] =	wrdreg s18  }
0xb1: {  	[dreg:$0x4] =	wrdreg s24  }
0xb2: {  	[dreg:$0x5] =	wrdreg $0x0  }
0xb3: {  	[dreg:$0x6] =	wrdreg $0x9  }
0xb4: {  	_ =	task.clear_ibuf [dreg:s8], $0x7FFFF;
	_ =	strace $0x90000046  }
0xb5: {  	s29 =	simm.s32 $0x9;
	_ =	strace $0x80000048  }
0xb6: {  	_ =	swait.ge [sflag:s29], $0x1  }
0xb7: {  	[sflag:s29] =	ssyncadd.s32 $0xFFFFFFFF  }
0xb8: {  	_ =	strace $0x90000048  }
0xb9: {  	_ =	sfence  }
0xba: {  	s30 =	sld [smem:$0x0];
	_ =	sdelay $0x2  }
0xbb: {  	s31 =	sshll.u32 s1, $0xD;
	s1 =	sshrl.u32 s1, $0x2  }
0xbc: {  	s3 =	sand.u32 $0x4000, s31;
	s1 =	sadd.s32 s1, s30  }
0xbd: {  	s0 =	sor.u32 s3, s0;
	s1 =	sshll.u32 s1, $0x11  }
0xbe: {  	s0 =	sor.u32 s1, s0  }
0xbf: {  	s0 =	sadd.s32 $0x8F2B, s0  }
0xc0: {  	[sflag:s0] =	ssyncadd.remote.s32 $0x1  }
0xc1: {  	_ =	sfence.sel $0xFFFF  }
0xc2: {  	[dreg:$0x0] =	wrdreg $0xFFFFFFFF;
	(pc) =	sbr.abs _section_cstart, $3  }
0xc3: {  	[dreg:$0x1] =	wrdreg $0xFFFFFFFF  }
0xc4: {  	_ =	task.clear_ibuf [dreg:s8], $0x2FFFF;
	_ =	strace $0x9FFFFFFF  }
0xc5: {  	(tm) =	ssettm $0x7FFFFFFF  }
tec
execute0_lowered:
.L_overlay_start_1:
0x0: {  	(tag) =	ssettag $0x1  }
0x1: {  	s0 =	rddreg [dreg:$0x0]  }
0x2: {  	s1 =	rddreg [dreg:$0x1]  }
0x3: {  	s2 =	srdreg.scid;
	s3 =	rddreg [dreg:$0x2]  }
0x4: {  	s4 =	rddreg [dreg:$0x3];
	s14 =	stileid.u32;
	s5 =	simm.s32 $0x0  }
0x5: {  	s31 =	simm.s32 $0x1;
	s28 =	simm.s32 $0x15080;
	s29 =	simm.s32 $0x17880  }
0x6: {  	s30 =	simm.s32 $0x5;
	s2 =	sand.u32 $0x1, s2;
	[smem:$0x7FF] =	sst s5  }
0x7: {  	s7 =	sadd.s32 $0x1600, s3;
	s8 =	sadd.s32 $0x4E3600, s3;
	s21 =	smul.u32 $0x50000, s14  }
0x8: {  	p0 =	seq.s32 s14, $0xF;
	s24 =	smul.u32 $0x14000, s14;
	s6 =	sshll.u32 s2, $0x4  }
0x9: {  	s9 =	ssub.s32 $0x2, s2;
	_ =	strace $0x80000047;
	s2 =	smul.u32 $0x138800, s2  }
0xa: {  	s10 =	sor.u32 s14, s6;
	s11 =	sshrl.u32 s9, $0x1;
	s26 =	sshrl.u32 s21, $0x2  }
0xb: {  	s6 =	smul.u32 $0x2710, s10;
	s16 =	ssub.s32 s9, s11;
	s9 =	simm.s32 $0xA  }
0xc: {  	s11 =	simm.s32 $0xA;
	s10 =	smul.u32 $0x27100, s10;
	s2 =	sadd.s32 s24, s2  }
0xd: {  	s24 =	simm.s32 $0x1A080;
	s9 =	simm.s32 @!p0 $0x10;
	s3 =	smax.u32 s16, $0x1  }
0xe: {  	[dreg:$0xe] =	wrdreg s2;
	s2 =	simm.s32 $0x28;
	s17 =	sshrl.u32 s6, $0x3  }
0xf: {  	[dreg:$0x5] =	wrdreg s9;
	s12 =	sadd.s32 $0x28, s6;
	s13 =	sadd.s32 $0x4E228, s6  }
0x10: {  	s25 =	sadd.s32 s7, s10;
	[dreg:$0xd] =	wrdreg s3;
	s3 =	simm.s32 $0x7  }
0x11: {  	s15 =	sadd.s32 s1, s17;
	s12 =	sshrl.u32 s12, $0x3;
	[dreg:$0xc] =	wrdreg s25  }
0x12: {  	s13 =	sshrl.u32 s13, $0x3;
	s18 =	sadd.s32 $0x9C40, s15;
	[dreg:$0x6] =	wrdreg s15  }
0x13: {  	s25 =	simm.s32 $0x13C80;
	s19 =	sadd.s32 s1, s12;
	[dreg:$0x7] =	wrdreg s18  }
0x14: {  	s20 =	sadd.s32 s1, s13;
	s22 =	sadd.s32 $0xA, s15;
	[dreg:$0x8] =	wrdreg s19  }
0x15: {  	s23 =	sadd.s32 $0x9C4A, s15;
	s12 =	simm.s32 $0x6;
	[dreg:$0x9] =	wrdreg s20  }
0x16: {  	s13 =	simm.s32 $0x8;
	s15 =	simm.s32 $0x0;
	[dreg:$0xa] =	wrdreg s22  }
0x17: {  	[dreg:$0xb] =	wrdreg s23;
	s18 =	sadd.s32 $0xA0, s6;
	s20 =	sadd.s32 s26, s4  }
0x18: {  	v0 =	vimm.f32 $0.0e+00;
	s22 =	simm.s32 $0x18C80;
	s23 =	simm.s32 $0xB;
	s26 =	simm.s32 $0x16480  }
.LBB2_1:
0x19: {  	s10 =	simm.s32 $0x0;
	s14 =	simm.s32 $0x200  }
.LBB2_2:
0x1a: {  	p0 =	sne.s32 s14, $0x4E00;
	[tilespmem:s10+$0x18CF0] =	vst v0  }
0x1b: {  	[tilespmem:s10+$0x18C80] =	vst v0  }
0x1c: {  	[tilespmem:s10+$0x18C90] =	vst v0  }
.Ltmp0:
0x1d: {  	[tilespmem:s10+$0x18CA0] =	vst v0;
	(pc) =	sbr.rel @p0 .LBB2_2-.Ltmp0, $4  }
0x1e: {  	[tilespmem:s10+$0x18CB0] =	vst v0  }
0x1f: {  	[tilespmem:s10+$0x18CC0] =	vst v0  }
0x20: {  	[tilespmem:s10+$0x18CD0] =	vst v0  }
0x21: {  	[tilespmem:s10+$0x18CE0] =	vst v0;
	s10 =	sshra.s32 s14, $0x2;
	s14 =	sadd.s32 $0x200, s14  }
0x22: {  	[tilespmem:s10+$0x18CF0] =	vst v0  }
0x23: {  	[tilespmem:s10+$0x18C80] =	vst v0  }
0x24: {  	[tilespmem:s10+$0x18C90] =	vst v0  }
0x25: {  	[tilespmem:s10+$0x18CA0] =	vst v0  }
0x26: {  	[tilespmem:s10+$0x18CB0] =	vst v0;
	s9 =	rddreg [dreg:$0x5]  }
0x27: {  	[tilespmem:s10+$0x18CC0] =	vst v0;
	p0 =	sne.s32 s9, $0x1  }
.Ltmp1:
0x28: {  	[tilespmem:s10+$0x18CD0] =	vst v0;
	(pc) =	sbr.rel @!p0 .LBB2_5-.Ltmp1, $4  }
0x29: {  	[tilespmem:s10+$0x18CE0] =	vst v0  }
0x2a: {  	[spmem:s20] =	stream.linear.scatter [tilespmem:s22], [sflag:$0xB], $0x1400, $0x38;
	[tilespmem:$0x1B480] =	vst v63  }
0x2b: {  	_ =	swait.ge [sflag:s23], $0x1400  }
0x2c: {  	s14 =	smov.u32 s20;
	s10 =	sadd.s32 $0xFFFFFFFF, s9;
	[sflag:s23] =	ssyncset.done $0x0  }
.LBB2_4:
0x2d: {  	p1 =	sne.s32 s10, $0x1;
	[sflag:s23] =	ssyncadd.s32 $0xFFFFEC00;
	s14 =	sadd.s32 $0x1400, s14  }
.Ltmp2:
0x2e: {  	s10 =	sadd.s32 $0xFFFFFFFF, s10;
	(pc) =	sbr.rel @p1 .LBB2_4-.Ltmp2, $4  }
0x2f: {  	_ = 	snop  }
0x30: {  	[spmem:s14] =	stream.linear.scatter [tilespmem:s22], [sflag:$0xB], $0x1400, $0x38;
	[tilespmem:$0x1B480] =	vst v63  }
0x31: {  	_ =	swait.ge [sflag:s23], $0x1400  }
0x32: {  	[sflag:s23] =	ssyncset.done $0x0  }
.LBB2_5:
0x33: {  	[sflag:s23] =	ssyncadd.s32 $0xFFFFEC00  }
0x34: {  	[bflag:$0x0] =	sbarrier.arrive $0xFFFF  }
0x35: {  	s16 =	simm.s32 $0x0;
	s10 =	simm.s32 $0x13880;
	s9 =	rddreg [dreg:$0x6]  }
0x36: {  	[tilespmem:s10], [sflag:$0x1] =	stream.linear.gather [hbm4b:s9+s16], $0x28, $0x38;
	[tilespmem:$0x1B480] =	vst v63  }
0x37: {  	s14 =	simm.s32 $0x13900;
	s17 =	rddreg [dreg:$0x7]  }
0x38: {  	[tilespmem:s14], [sflag:$0x1] =	stream.linear.gather [hbm4b:s17+s16], $0x28, $0x38;
	[tilespmem:$0x1B480] =	vst v63  }
0x39: {  	s21 =	simm.s32 $0x13980;
	s19 =	rddreg [dreg:$0x8]  }
0x3a: {  	[tilespmem:s21], [sflag:$0x2] =	stream.linear.gather [hbm4b:s19+s16], $0x28, $0x38;
	[tilespmem:$0x1B480] =	vst v63  }
0x3b: {  	s14 =	rddreg [dreg:$0x9];
	s17 =	simm.s32 $0x13A00  }
0x3c: {  	[tilespmem:s17], [sflag:$0x2] =	stream.linear.gather [hbm4b:s14+s16], $0x28, $0x38;
	[tilespmem:$0x1B480] =	vst v63  }
0x3d: {  	s19 =	rddreg [dreg:$0xa];
	s21 =	simm.s32 $0x13A80  }
0x3e: {  	[tilespmem:s21], [sflag:$0x3] =	stream.linear.gather [hbm4b:s19+s16], $0x28, $0x38;
	[tilespmem:$0x1B480] =	vst v63  }
0x3f: {  	s17 =	rddreg [dreg:$0xb];
	s19 =	simm.s32 $0x13B00  }
0x40: {  	[tilespmem:s19], [sflag:$0x3] =	stream.linear.gather [hbm4b:s17+s16], $0x28, $0x38;
	[tilespmem:$0x1B480] =	vst v63  }
0x41: {  	_ =	swait.ge [sflag:s31], $0x28  }
0x42: {  	[sflag:s31] =	ssyncset.done $0x0  }
0x43: {  	[sflag:s31] =	ssyncadd.s32 $0xFFFFFFD8  }
0x44: {  	_ =	swait.ge [sflag:s31], $0x28  }
0x45: {  	[sflag:s31] =	ssyncset.done $0x0  }
0x46: {  	[sflag:s31] =	ssyncadd.s32 $0xFFFFFFD8  }
0x47: {  	[tilespmem:s25], [sflag:$0x5] =	stream.indirect.gather [hbm4b:s0+s2], $0x80, s10, s2, $0xb8;
	[tilespmem:$0x1B480] =	vst v63  }
0x48: {  	s21 =	rddreg [dreg:$0xc]  }
0x49: {  	[tilespmem:s26], [sflag:$0x7] =	stream.linear.gather [hbm4b:s21+s16], $0x1400, $0x38;
	[tilespmem:$0x1B480] =	vst v63  }
.LBB2_6:
0x4a: {  	s19 =	sshll.u32 s16, $0x1;
	p2 =	seq.s32 s16, $0x7C  }
0x4b: {  	s10 =	sadd.s32 @!p2 $0x3, s19  }
0x4c: {  	s14 =	smul.u32 @!p2 $0x28, s10;
	_ =	sdelay $0x1  }
0x4d: {  	s10 =	sand.u32 @!p2 $0x3, s10;
	s14 =	sadd.s32 @!p2 s6, s14  }
0x4e: {  	s17 =	sadd.s32 @!p2 $0x1, s10;
	s10 =	sshll.u32 @!p2 s10, $0x8;
	s14 =	sshrl.u32 @!p2 s14, $0x3  }
0x4f: {  	s9 =	simm.s32 @!p2 $0x0;
	s21 =	sor.u32 @!p2 $0x13880, s10;
	s14 =	sadd.s32 @!p2 s1, s14  }
0x50: {  	[tilespmem:s21], [sflag:s17] =	stream.linear.gather @!p2 [hbm4b:s14+s9], $0x28, $0x38;
	[tilespmem:$0x1B480] =	vst v63  }
0x51: {  	s10 =	sadd.s32 @!p2 $0x13900, s10;
	s14 =	sadd.s32 @!p2 $0x9C40, s14  }
0x52: {  	[tilespmem:s10], [sflag:s17] =	stream.linear.gather @!p2 [hbm4b:s14+s9], $0x28, $0x38;
	[tilespmem:$0x1B480] =	vst v63  }
0x53: {  	s17 =	sor.u32 $0x1, s19  }
0x54: {  	s14 =	sand.u32 $0x3, s17  }
0x55: {  	s21 =	sadd.s32 $0x1, s14  }
0x56: {  	_ =	swait.ge [sflag:s21], $0x28  }
0x57: {  	[sflag:s21] =	ssyncset.done $0x0  }
0x58: {  	[sflag:s21] =	ssyncadd.s32 $0xFFFFFFD8  }
0x59: {  	s9 =	sshll.u32 s14, $0x8;
	s14 =	smul.u32 $0x28, s17;
	_ =	swait.ge [sflag:s21], $0x28  }
0x5a: {  	[sflag:s21] =	ssyncset.done $0x0  }
0x5b: {  	s9 =	sor.u32 $0x13880, s9;
	[sflag:s21] =	ssyncadd.s32 $0xFFFFFFD8;
	s21 =	sadd.s32 s6, s14  }
0x5c: {  	[tilespmem:s28], [sflag:$0x6] =	stream.indirect.gather [hbm4b:s0+s2], $0x80, s9, s2, $0xb8;
	[tilespmem:$0x1B480] =	vst v63  }
0x5d: {  	s9 =	sshll.u32 s21, $0x4  }
0x5e: {  	p1 =	seq.s32 s16, $0x0;
	s9 =	sadd.s32 s7, s9  }
0x5f: {  	[tilespmem:s29], [sflag:$0x8] =	stream.linear.gather [hbm4b:s9+s5], $0x1400, $0x38;
	[tilespmem:$0x1B480] =	vst v63  }
0x60: {  	s9 =	simm.s32 @!p1 $0x9  }
0x61: {  	_ =	swait.ge @!p1 [sflag:s9], $0x1400  }
0x62: {  	[sflag:s9] =	ssyncset.done @!p1 $0x0  }
0x63: {  	[sflag:s9] =	ssyncadd.s32 @!p1 $0xFFFFEC00  }
0x64: {  	_ =	swait.ge [sflag:s30], $0x1400  }
0x65: {  	[sflag:s30] =	ssyncset.done $0x0  }
0x66: {  	[sflag:s30] =	ssyncadd.s32 $0xFFFFEC00  }
0x67: {  	_ =	swait.ge [sflag:s3], $0x1400  }
0x68: {  	[sflag:s3] =	ssyncset.done $0x0  }
0x69: {  	s10 =	simm.s32 $0x0;
	[sflag:s3] =	ssyncadd.s32 $0xFFFFEC00  }
0x6a: {  	v1 =	vld [tilespmem:s10+$0x16530]  }
0x6b: {  	v2 =	vld [tilespmem:s10+$0x13D70];
	_ =	sdelay $0x2  }
0x6c: {  	v3 =	vld [tilespmem:s10+$0x16480]  }
0x6d: {  	v4 =	vld [tilespmem:s10+$0x16490];
	v6 =	vand.u32 $0xFFFF0000, v1  }
0x6e: {  	v5 =	vld [tilespmem:s10+$0x164A0];
	v2 =	vadd.f32 v6, v2  }
0x6f: {  	v9 =	vld [tilespmem:s10+$0x164B0]  }
0x70: {  	v6 =	vld [tilespmem:s10+$0x13C80];
	v2 =	vmax.f32 v2, $0.0e+00  }
0x71: {  	[tilespmem:s10+$0x18D70] =	vst v2;
	v2 =	vld [tilespmem:s10+$0x13CC0]  }
0x72: {  	v10 =	vld [tilespmem:s10+$0x16500]  }
0x73: {  	v7 =	vld [tilespmem:s10+$0x13C90]  }
0x74: {  	v8 =	vld [tilespmem:s10+$0x13CD0];
	v13 =	vshll.u32 v3, $0x10  }
0x75: {  	v11 =	vld [tilespmem:s10+$0x16510];
	v3 =	vand.u32 $0xFFFF0000, v3;
	v6 =	vadd.f32 v13, v6  }
0x76: {  	v14 =	vld [tilespmem:s10+$0x13CA0];
	v2 =	vadd.f32 v3, v2  }
0x77: {  	v13 =	vld [tilespmem:s10+$0x13CE0];
	v3 =	vmax.f32 v6, $0.0e+00;
	v6 =	vshll.u32 v4, $0x10  }
0x78: {  	v12 =	vld [tilespmem:s10+$0x16520];
	v4 =	vand.u32 $0xFFFF0000, v4;
	[tilespmem:s10+$0x18C80] =	vst v3;
	v3 =	vadd.f32 v6, v7;
	v2 =	vmax.f32 v2, $0.0e+00  }
0x79: {  	v15 =	vld [tilespmem:s10+$0x13CB0];
	[tilespmem:s10+$0x18CC0] =	vst v2;
	v2 =	vadd.f32 v4, v8  }
0x7a: {  	v16 =	vld [tilespmem:s10+$0x13CF0];
	v3 =	vmax.f32 v3, $0.0e+00;
	v4 =	vshll.u32 v5, $0x10  }
0x7b: {  	v17 =	vld [tilespmem:s10+$0x13D00];
	[tilespmem:s10+$0x18C90] =	vst v3;
	v3 =	vadd.f32 v4, v14;
	v4 =	vand.u32 $0xFFFF0000, v5;
	v2 =	vmax.f32 v2, $0.0e+00  }
0x7c: {  	v18 =	vld [tilespmem:s10+$0x13D40];
	v1 =	vshll.u32 v1, $0x10;
	v5 =	vshll.u32 v11, $0x10;
	[tilespmem:s10+$0x18CD0] =	vst v2;
	v2 =	vadd.f32 v4, v13  }
0x7d: {  	v6 =	vld [tilespmem:s10+$0x13D10];
	v3 =	vmax.f32 v3, $0.0e+00;
	v4 =	vshll.u32 v9, $0x10;
	v13 =	vshll.u32 v10, $0x10  }
0x7e: {  	v7 =	vld [tilespmem:s10+$0x13D50];
	v10 =	vand.u32 $0xFFFF0000, v10;
	[tilespmem:s10+$0x18CA0] =	vst v3;
	v3 =	vadd.f32 v4, v15;
	v4 =	vand.u32 $0xFFFF0000, v9  }
0x7f: {  	v8 =	vld [tilespmem:s10+$0x13D20];
	v2 =	vmax.f32 v2, $0.0e+00;
	v14 =	vadd.f32 v4, v16;
	v4 =	vand.u32 $0xFFFF0000, v11  }
0x80: {  	v9 =	vld [tilespmem:s10+$0x13D60];
	v11 =	vadd.f32 v13, v17;
	[tilespmem:s10+$0x18CE0] =	vst v2;
	v15 =	vmax.f32 v3, $0.0e+00;
	v3 =	vshll.u32 v12, $0x10  }
0x81: {  	s14 =	simm.s32 $0x100;
	s21 =	simm.s32 $0x800;
	v2 =	vand.u32 $0xFFFF0000, v12;
	v12 =	vadd.f32 v10, v18;
	v10 =	vld [tilespmem:s10+$0x13D30];
	[tilespmem:s10+$0x18CB0] =	vst v15;
	v13 =	vmax.f32 v14, $0.0e+00  }
.LBB2_7:
0x82: {  	p3 =	sne.s32 s21, $0x4C00;
	v14 =	vld [tilespmem:s14+$0x16530];
	[tilespmem:s10+$0x18CF0] =	vst v13;
	v11 =	vmax.f32 v11, $0.0e+00;
	v5 =	vadd.f32 v5, v6  }
0x83: {  	v6 =	vld [tilespmem:s14+$0x13D70];
	[tilespmem:s10+$0x18D00] =	vst v11;
	v11 =	vmax.f32 v12, $0.0e+00;
	v4 =	vadd.f32 v4, v7  }
0x84: {  	v7 =	vld [tilespmem:s14+$0x16480];
	[tilespmem:s10+$0x18D40] =	vst v11;
	v5 =	vmax.f32 v5, $0.0e+00;
	v3 =	vadd.f32 v3, v8  }
0x85: {  	v8 =	vld [tilespmem:s14+$0x16490];
	[tilespmem:s10+$0x18D10] =	vst v5;
	v4 =	vmax.f32 v4, $0.0e+00;
	v2 =	vadd.f32 v2, v9  }
0x86: {  	v5 =	vld [tilespmem:s14+$0x164A0];
	[tilespmem:s10+$0x18D50] =	vst v4;
	v3 =	vmax.f32 v3, $0.0e+00;
	v4 =	vadd.f32 v1, v10  }
0x87: {  	v9 =	vld [tilespmem:s14+$0x164B0];
	v1 =	vshll.u32 v14, $0x10;
	v10 =	vand.u32 $0xFFFF0000, v14;
	[tilespmem:s10+$0x18D20] =	vst v3;
	v2 =	vmax.f32 v2, $0.0e+00  }
0x88: {  	v3 =	vld [tilespmem:s14+$0x16500];
	v6 =	vadd.f32 v10, v6;
	[tilespmem:s10+$0x18D60] =	vst v2;
	v2 =	vmax.f32 v4, $0.0e+00  }
0x89: {  	v10 =	vshll.u32 v7, $0x10;
	v7 =	vand.u32 $0xFFFF0000, v7;
	v4 =	vld [tilespmem:s14+$0x16510];
	[tilespmem:s10+$0x18D30] =	vst v2;
	s10 =	smov.u32 s14  }
0x8a: {  	v11 =	vshll.u32 v8, $0x10;
	v8 =	vand.u32 $0xFFFF0000, v8;
	v2 =	vld [tilespmem:s10+$0x16520];
	v6 =	vmax.f32 v6, $0.0e+00  }
0x8b: {  	v12 =	vld [tilespmem:s10+$0x13C80];
	v13 =	vshll.u32 v5, $0x10;
	v14 =	vand.u32 $0xFFFF0000, v5;
	[tilespmem:s10+$0x18D70] =	vst v6  }
0x8c: {  	v6 =	vld [tilespmem:s10+$0x13CC0];
	v15 =	vshll.u32 v9, $0x10;
	v9 =	vand.u32 $0xFFFF0000, v9  }
0x8d: {  	v16 =	vld [tilespmem:s10+$0x13C90];
	v17 =	vshll.u32 v3, $0x10;
	v18 =	vand.u32 $0xFFFF0000, v3  }
0x8e: {  	v19 =	vld [tilespmem:s10+$0x13CD0];
	v5 =	vshll.u32 v4, $0x10;
	v4 =	vand.u32 $0xFFFF0000, v4  }
0x8f: {  	v20 =	vld [tilespmem:s10+$0x13CA0];
	v3 =	vshll.u32 v2, $0x10;
	v2 =	vand.u32 $0xFFFF0000, v2  }
0x90: {  	v10 =	vadd.f32 v10, v12;
	v12 =	vld [tilespmem:s10+$0x13CE0]  }
0x91: {  	v6 =	vadd.f32 v7, v6;
	v7 =	vld [tilespmem:s10+$0x13CB0]  }
0x92: {  	v10 =	vmax.f32 v10, $0.0e+00;
	v11 =	vadd.f32 v11, v16;
	v16 =	vld [tilespmem:s10+$0x13CF0]  }
0x93: {  	[tilespmem:s10+$0x18C80] =	vst v10;
	v6 =	vmax.f32 v6, $0.0e+00;
	v8 =	vadd.f32 v8, v19;
	v10 =	vld [tilespmem:s10+$0x13D00]  }
0x94: {  	[tilespmem:s10+$0x18CC0] =	vst v6;
	v6 =	vmax.f32 v11, $0.0e+00;
	v11 =	vadd.f32 v13, v20;
	v19 =	vld [tilespmem:s10+$0x13D40]  }
.Ltmp3:
0x95: {  	[tilespmem:s10+$0x18C90] =	vst v6;
	v8 =	vmax.f32 v8, $0.0e+00;
	v12 =	vadd.f32 v14, v12;
	v6 =	vld [tilespmem:s10+$0x13D10];
	(pc) =	sbr.rel @p3 .LBB2_7-.Ltmp3, $4  }
0x96: {  	[tilespmem:s10+$0x18CD0] =	vst v8;
	v8 =	vmax.f32 v11, $0.0e+00;
	v11 =	vadd.f32 v15, v7;
	v7 =	vld [tilespmem:s10+$0x13D50]  }
0x97: {  	[tilespmem:s10+$0x18CA0] =	vst v8;
	v12 =	vmax.f32 v12, $0.0e+00;
	v13 =	vadd.f32 v9, v16;
	v8 =	vld [tilespmem:s10+$0x13D20]  }
0x98: {  	[tilespmem:s10+$0x18CE0] =	vst v12;
	v12 =	vmax.f32 v11, $0.0e+00;
	v11 =	vadd.f32 v17, v10;
	v9 =	vld [tilespmem:s10+$0x13D60]  }
0x99: {  	s14 =	sshra.s32 s21, $0x2;
	s21 =	sadd.s32 $0x400, s21;
	[tilespmem:s10+$0x18CB0] =	vst v12;
	v13 =	vmax.f32 v13, $0.0e+00;
	v12 =	vadd.f32 v18, v19;
	v10 =	vld [tilespmem:s10+$0x13D30]  }
0x9a: {  	v14 =	vld [tilespmem:s14+$0x16530];
	[tilespmem:s10+$0x18CF0] =	vst v13;
	v11 =	vmax.f32 v11, $0.0e+00;
	v5 =	vadd.f32 v5, v6  }
0x9b: {  	v13 =	vld [tilespmem:s14+$0x13D70];
	[tilespmem:s10+$0x18D00] =	vst v11;
	v36 =	vmax.f32 v12, $0.0e+00;
	v4 =	vadd.f32 v4, v7  }
0x9c: {  	v11 =	vld [tilespmem:s14+$0x16480];
	[tilespmem:s10+$0x18D40] =	vst v36;
	v5 =	vmax.f32 v5, $0.0e+00;
	v3 =	vadd.f32 v3, v8  }
0x9d: {  	v6 =	vld [tilespmem:s14+$0x16490];
	[tilespmem:s10+$0x18D10] =	vst v5;
	v4 =	vmax.f32 v4, $0.0e+00;
	v2 =	vadd.f32 v2, v9  }
0x9e: {  	v5 =	vld [tilespmem:s14+$0x164A0];
	[tilespmem:s10+$0x18D50] =	vst v4;
	v3 =	vmax.f32 v3, $0.0e+00  }
0x9f: {  	v4 =	vld [tilespmem:s14+$0x164B0];
	[tilespmem:s10+$0x18D20] =	vst v3;
	v2 =	vmax.f32 v2, $0.0e+00  }
0xa0: {  	v1 =	vadd.f32 v1, v10;
	v3 =	vld [tilespmem:s14+$0x16500];
	[tilespmem:s10+$0x18D60] =	vst v2;
	v2 =	vand.u32 $0xFFFF0000, v14  }
0xa1: {  	v2 =	vadd.f32 v2, v13  }
0xa2: {  	v1 =	vmax.f32 v1, $0.0e+00  }
0xa3: {  	v37 =	vld [tilespmem:s14+$0x16510];
	[tilespmem:s10+$0x18D30] =	vst v1;
	v2 =	vmax.f32 v2, $0.0e+00  }
0xa4: {  	[tilespmem:s14+$0x18D70] =	vst v2;
	v2 =	vld [tilespmem:s14+$0x13CC0]  }
0xa5: {  	v38 =	vld [tilespmem:s14+$0x13C80]  }
0xa6: {  	v39 =	vld [tilespmem:s14+$0x13C90]  }
0xa7: {  	v40 =	vld [tilespmem:s14+$0x13CD0]  }
0xa8: {  	v41 =	vshll.u32 v11, $0x10;
	v11 =	vand.u32 $0xFFFF0000, v11;
	v42 =	vld [tilespmem:s14+$0x13CA0]  }
0xa9: {  	v43 =	vld [tilespmem:s14+$0x13CE0];
	v2 =	vadd.f32 v11, v2  }
0xaa: {  	v44 =	vld [tilespmem:s14+$0x13CF0];
	v16 =	vshll.u32 v6, $0x10  }
0xab: {  	v1 =	vld [tilespmem:s14+$0x16520];
	v6 =	vand.u32 $0xFFFF0000, v6;
	v8 =	vadd.f32 v41, v38;
	v2 =	vmax.f32 v2, $0.0e+00  }
0xac: {  	v57 =	vld [tilespmem:s14+$0x13D60];
	v49 =	vshll.u32 v5, $0x10;
	v5 =	vand.u32 $0xFFFF0000, v5;
	[tilespmem:s14+$0x18CC0] =	vst v2;
	v2 =	vadd.f32 v6, v40  }
0xad: {  	v15 =	vld [tilespmem:s14+$0x13CB0];
	v54 =	vshll.u32 v4, $0x10;
	v45 =	vadd.f32 v16, v39;
	v8 =	vmax.f32 v8, $0.0e+00  }
0xae: {  	v46 =	vld [tilespmem:s14+$0x13D00];
	v4 =	vand.u32 $0xFFFF0000, v4;
	v50 =	vadd.f32 v49, v42;
	[tilespmem:s14+$0x18C80] =	vst v8;
	v2 =	vmax.f32 v2, $0.0e+00  }
0xaf: {  	v48 =	vld [tilespmem:s14+$0x13D40];
	v4 =	vadd.f32 v4, v44;
	v47 =	vmax.f32 v45, $0.0e+00;
	[tilespmem:s14+$0x18CD0] =	vst v2;
	v2 =	vadd.f32 v5, v43  }
0xb0: {  	v51 =	vld [tilespmem:s14+$0x13D10];
	v61 =	vshll.u32 v1, $0x10;
	v1 =	vand.u32 $0xFFFF0000, v1;
	v52 =	vmax.f32 v50, $0.0e+00;
	[tilespmem:s14+$0x18C90] =	vst v47  }
0xb1: {  	v53 =	vld [tilespmem:s14+$0x13D50];
	v1 =	vadd.f32 v1, v57;
	[tilespmem:s14+$0x18CA0] =	vst v52;
	v2 =	vmax.f32 v2, $0.0e+00  }
0xb2: {  	v56 =	vld [tilespmem:s14+$0x13D20];
	v55 =	vadd.f32 v54, v15;
	v4 =	vmax.f32 v4, $0.0e+00;
	[tilespmem:s14+$0x18CE0] =	vst v2;
	v2 =	vshll.u32 v3, $0x10  }
0xb3: {  	v59 =	vld [tilespmem:s14+$0x13D30];
	[tilespmem:s14+$0x18CF0] =	vst v4;
	v1 =	vmax.f32 v1, $0.0e+00;
	v3 =	vand.u32 $0xFFFF0000, v3;
	v2 =	vadd.f32 v2, v46  }
0xb4: {  	v58 =	vshll.u32 v37, $0x10;
	[tilespmem:s14+$0x18D60] =	vst v1;
	v5 =	vmax.f32 v55, $0.0e+00;
	v3 =	vadd.f32 v3, v48  }
0xb5: {  	v7 =	vand.u32 $0xFFFF0000, v37;
	v60 =	vadd.f32 v58, v51;
	[tilespmem:s14+$0x18CB0] =	vst v5;
	v2 =	vmax.f32 v2, $0.0e+00  }
0xb6: {  	[tilespmem:s14+$0x18D00] =	vst v2;
	v2 =	vmax.f32 v3, $0.0e+00;
	v3 =	vadd.f32 v7, v53  }
0xb7: {  	p3 =	sgt.u32 s16, $0x7A;
	v63 =	vshll.u32 v14, $0x10;
	v62 =	vadd.f32 v61, v56;
	[tilespmem:s14+$0x18D40] =	vst v2;
	v2 =	vmax.f32 v60, $0.0e+00  }
.Ltmp4:
0xb8: {  	[tilespmem:s14+$0x18D10] =	vst v2;
	v2 =	vmax.f32 v3, $0.0e+00;
	v3 =	vadd.f32 v63, v59;
	(pc) =	sbr.rel @p3 .LBB2_10-.Ltmp4, $4  }
0xb9: {  	s9 =	sshll.u32 s16, $0x9;
	[tilespmem:s14+$0x18D50] =	vst v2;
	v2 =	vmax.f32 v62, $0.0e+00  }
0xba: {  	s9 =	sand.u32 $0x200, s9;
	[tilespmem:s14+$0x18D20] =	vst v2;
	v1 =	vmax.f32 v3, $0.0e+00  }
0xbb: {  	s9 =	sor.u32 $0x13900, s9;
	[tilespmem:s14+$0x18D30] =	vst v1  }
0xbc: {  	[spmem:s4] =	stream.indirect.scatter.add.f32 [tilespmem:s22], [sflag:$0x9], $0x80, s9, s2, $0xb8;
	[tilespmem:$0x1B480] =	vst v63  }
0xbd: {  	s9 =	smul.u32 $0x50, s16;
	_ =	sdelay $0x1  }
0xbe: {  	s10 =	sand.u32 $0x2, s19;
	s9 =	sadd.s32 s9, s18  }
.Ltmp5:
0xbf: {  	s14 =	sshll.u32 s10, $0x8;
	s9 =	sshrl.u32 s9, $0x3;
	(pc) =	sbr.rel .LBB2_11-.Ltmp5, $4  }
0xc0: {  	s10 =	sor.u32 $0x1, s10;
	s21 =	sor.u32 $0x13880, s14;
	s9 =	sadd.s32 s1, s9  }
0xc1: {  	[tilespmem:s21], [sflag:s10] =	stream.linear.gather [hbm4b:s9+s5], $0x28, $0x38;
	[tilespmem:$0x1B480] =	vst v63  }
0xc2: {  	s14 =	sor.u32 $0x13900, s14;
	s9 =	sadd.s32 $0x9C40, s9  }
0xc3: {  	[tilespmem:s14], [sflag:s10] =	stream.linear.gather [hbm4b:s9+s5], $0x28, $0x38;
	[tilespmem:$0x1B480] =	vst v63  }
.LBB2_10:
.Ltmp6:
0xc4: {  	(pc) =	sbr.rel @p2 .LBB2_12-.Ltmp6, $1  }
0xc5: {  	_ =	sdelay $0x3  }
.LBB2_11:
0xc6: {  	s9 =	sadd.s32 $0x2, s19  }
0xc7: {  	s10 =	sand.u32 $0x2, s9  }
0xc8: {  	s14 =	sor.u32 $0x1, s10  }
0xc9: {  	_ =	swait.ge [sflag:s14], $0x28  }
0xca: {  	[sflag:s14] =	ssyncset.done $0x0  }
0xcb: {  	s9 =	smul.u32 $0x28, s9;
	[sflag:s14] =	ssyncadd.s32 $0xFFFFFFD8  }
0xcc: {  	s10 =	sshll.u32 s10, $0x8;
	_ =	swait.ge [sflag:s14], $0x28  }
.Ltmp7:
0xcd: {  	s9 =	sadd.s32 s6, s9;
	[sflag:s14] =	ssyncset.done $0x0;
	(pc) =	sbr.rel @p1 .LBB2_13-.Ltmp7, $4  }
0xce: {  	s10 =	sor.u32 $0x13880, s10;
	s9 =	sshll.u32 s9, $0x4;
	[sflag:s14] =	ssyncadd.s32 $0xFFFFFFD8  }
0xcf: {  	[tilespmem:s25], [sflag:$0x5] =	stream.indirect.gather [hbm4b:s0+s2], $0x80, s10, s2, $0xb8;
	[tilespmem:$0x1B480] =	vst v63  }
0xd0: {  	s9 =	sadd.s32 s7, s9  }
0xd1: {  	[tilespmem:s26], [sflag:$0x7] =	stream.linear.gather [hbm4b:s9+s5], $0x1400, $0x38;
	[tilespmem:$0x1B480] =	vst v63  }
.LBB2_12:
0xd2: {  	_ =	swait.ge [sflag:s11], $0x1400  }
0xd3: {  	[sflag:s11] =	ssyncset.done $0x0  }
0xd4: {  	[sflag:s11] =	ssyncadd.s32 $0xFFFFEC00  }
.LBB2_13:
0xd5: {  	_ =	swait.ge [sflag:s12], $0x1400  }
0xd6: {  	[sflag:s12] =	ssyncset.done $0x0  }
0xd7: {  	[sflag:s12] =	ssyncadd.s32 $0xFFFFEC00  }
0xd8: {  	_ =	swait.ge [sflag:s13], $0x1400  }
0xd9: {  	[sflag:s13] =	ssyncset.done $0x0  }
0xda: {  	s10 =	simm.s32 $0x0;
	[sflag:s13] =	ssyncadd.s32 $0xFFFFEC00  }
0xdb: {  	v1 =	vld [tilespmem:s10+$0x17930]  }
0xdc: {  	v2 =	vld [tilespmem:s10+$0x15170];
	_ =	sdelay $0x2  }
0xdd: {  	v3 =	vld [tilespmem:s10+$0x17880]  }
0xde: {  	v4 =	vld [tilespmem:s10+$0x17890];
	v6 =	vand.u32 $0xFFFF0000, v1  }
0xdf: {  	v5 =	vld [tilespmem:s10+$0x178A0];
	v2 =	vadd.f32 v6, v2  }
0xe0: {  	v9 =	vld [tilespmem:s10+$0x178B0]  }
0xe1: {  	v6 =	vld [tilespmem:s10+$0x15080];
	v2 =	vmax.f32 v2, $0.0e+00  }
0xe2: {  	[tilespmem:s10+$0x1A170] =	vst v2;
	v2 =	vld [tilespmem:s10+$0x150C0]  }
0xe3: {  	v10 =	vld [tilespmem:s10+$0x17900]  }
0xe4: {  	v7 =	vld [tilespmem:s10+$0x15090]  }
0xe5: {  	v8 =	vld [tilespmem:s10+$0x150D0];
	v13 =	vshll.u32 v3, $0x10  }
0xe6: {  	v11 =	vld [tilespmem:s10+$0x17910];
	v3 =	vand.u32 $0xFFFF0000, v3;
	v6 =	vadd.f32 v13, v6  }
0xe7: {  	v14 =	vld [tilespmem:s10+$0x150A0];
	v2 =	vadd.f32 v3, v2  }
0xe8: {  	v13 =	vld [tilespmem:s10+$0x150E0];
	v3 =	vmax.f32 v6, $0.0e+00;
	v6 =	vshll.u32 v4, $0x10  }
0xe9: {  	v12 =	vld [tilespmem:s10+$0x17920];
	v4 =	vand.u32 $0xFFFF0000, v4;
	[tilespmem:s10+$0x1A080] =	vst v3;
	v3 =	vadd.f32 v6, v7;
	v2 =	vmax.f32 v2, $0.0e+00  }
0xea: {  	v15 =	vld [tilespmem:s10+$0x150B0];
	[tilespmem:s10+$0x1A0C0] =	vst v2;
	v2 =	vadd.f32 v4, v8  }
0xeb: {  	v16 =	vld [tilespmem:s10+$0x150F0];
	v3 =	vmax.f32 v3, $0.0e+00;
	v4 =	vshll.u32 v5, $0x10  }
0xec: {  	v17 =	vld [tilespmem:s10+$0x15100];
	[tilespmem:s10+$0x1A090] =	vst v3;
	v3 =	vadd.f32 v4, v14;
	v4 =	vand.u32 $0xFFFF0000, v5;
	v2 =	vmax.f32 v2, $0.0e+00  }
0xed: {  	v18 =	vld [tilespmem:s10+$0x15140];
	v1 =	vshll.u32 v1, $0x10;
	v5 =	vshll.u32 v11, $0x10;
	[tilespmem:s10+$0x1A0D0] =	vst v2;
	v2 =	vadd.f32 v4, v13  }
0xee: {  	v6 =	vld [tilespmem:s10+$0x15110];
	v3 =	vmax.f32 v3, $0.0e+00;
	v4 =	vshll.u32 v9, $0x10;
	v13 =	vshll.u32 v10, $0x10  }
0xef: {  	v7 =	vld [tilespmem:s10+$0x15150];
	v10 =	vand.u32 $0xFFFF0000, v10;
	[tilespmem:s10+$0x1A0A0] =	vst v3;
	v3 =	vadd.f32 v4, v15;
	v4 =	vand.u32 $0xFFFF0000, v9  }
0xf0: {  	v8 =	vld [tilespmem:s10+$0x15120];
	v2 =	vmax.f32 v2, $0.0e+00;
	v14 =	vadd.f32 v4, v16;
	v4 =	vand.u32 $0xFFFF0000, v11  }
0xf1: {  	v9 =	vld [tilespmem:s10+$0x15160];
	v11 =	vadd.f32 v13, v17;
	[tilespmem:s10+$0x1A0E0] =	vst v2;
	v15 =	vmax.f32 v3, $0.0e+00;
	v3 =	vshll.u32 v12, $0x10  }
0xf2: {  	s14 =	simm.s32 $0x100;
	s19 =	simm.s32 $0x800;
	v2 =	vand.u32 $0xFFFF0000, v12;
	v12 =	vadd.f32 v10, v18;
	v10 =	vld [tilespmem:s10+$0x15130];
	[tilespmem:s10+$0x1A0B0] =	vst v15;
	v13 =	vmax.f32 v14, $0.0e+00  }
.LBB2_14:
0xf3: {  	p1 =	sne.s32 s19, $0x4C00;
	v14 =	vld [tilespmem:s14+$0x17930];
	[tilespmem:s10+$0x1A0F0] =	vst v13;
	v11 =	vmax.f32 v11, $0.0e+00;
	v5 =	vadd.f32 v5, v6  }
0xf4: {  	v6 =	vld [tilespmem:s14+$0x15170];
	[tilespmem:s10+$0x1A100] =	vst v11;
	v11 =	vmax.f32 v12, $0.0e+00;
	v4 =	vadd.f32 v4, v7  }
0xf5: {  	v7 =	vld [tilespmem:s14+$0x17880];
	[tilespmem:s10+$0x1A140] =	vst v11;
	v5 =	vmax.f32 v5, $0.0e+00;
	v3 =	vadd.f32 v3, v8  }
0xf6: {  	v8 =	vld [tilespmem:s14+$0x17890];
	[tilespmem:s10+$0x1A110] =	vst v5;
	v4 =	vmax.f32 v4, $0.0e+00;
	v2 =	vadd.f32 v2, v9  }
0xf7: {  	v5 =	vld [tilespmem:s14+$0x178A0];
	[tilespmem:s10+$0x1A150] =	vst v4;
	v3 =	vmax.f32 v3, $0.0e+00;
	v4 =	vadd.f32 v1, v10  }
0xf8: {  	v9 =	vld [tilespmem:s14+$0x178B0];
	v1 =	vshll.u32 v14, $0x10;
	v10 =	vand.u32 $0xFFFF0000, v14;
	[tilespmem:s10+$0x1A120] =	vst v3;
	v2 =	vmax.f32 v2, $0.0e+00  }
0xf9: {  	v3 =	vld [tilespmem:s14+$0x17900];
	v6 =	vadd.f32 v10, v6;
	[tilespmem:s10+$0x1A160] =	vst v2;
	v2 =	vmax.f32 v4, $0.0e+00  }
0xfa: {  	v10 =	vshll.u32 v7, $0x10;
	v7 =	vand.u32 $0xFFFF0000, v7;
	v4 =	vld [tilespmem:s14+$0x17910];
	[tilespmem:s10+$0x1A130] =	vst v2;
	s10 =	smov.u32 s14  }
0xfb: {  	v11 =	vshll.u32 v8, $0x10;
	v8 =	vand.u32 $0xFFFF0000, v8;
	v2 =	vld [tilespmem:s10+$0x17920];
	v6 =	vmax.f32 v6, $0.0e+00  }
0xfc: {  	v12 =	vld [tilespmem:s10+$0x15080];
	v13 =	vshll.u32 v5, $0x10;
	v14 =	vand.u32 $0xFFFF0000, v5;
	[tilespmem:s10+$0x1A170] =	vst v6  }
0xfd: {  	v6 =	vld [tilespmem:s10+$0x150C0];
	v15 =	vshll.u32 v9, $0x10;
	v9 =	vand.u32 $0xFFFF0000, v9  }
0xfe: {  	v16 =	vld [tilespmem:s10+$0x15090];
	v17 =	vshll.u32 v3, $0x10;
	v18 =	vand.u32 $0xFFFF0000, v3  }
0xff: {  	v19 =	vld [tilespmem:s10+$0x150D0];
	v5 =	vshll.u32 v4, $0x10;
	v4 =	vand.u32 $0xFFFF0000, v4  }
0x100: {  	v20 =	vld [tilespmem:s10+$0x150A0];
	v3 =	vshll.u32 v2, $0x10;
	v2 =	vand.u32 $0xFFFF0000, v2  }
0x101: {  	v10 =	vadd.f32 v10, v12;
	v12 =	vld [tilespmem:s10+$0x150E0]  }
0x102: {  	v6 =	vadd.f32 v7, v6;
	v7 =	vld [tilespmem:s10+$0x150B0]  }
0x103: {  	v10 =	vmax.f32 v10, $0.0e+00;
	v11 =	vadd.f32 v11, v16;
	v16 =	vld [tilespmem:s10+$0x150F0]  }
0x104: {  	[tilespmem:s10+$0x1A080] =	vst v10;
	v6 =	vmax.f32 v6, $0.0e+00;
	v8 =	vadd.f32 v8, v19;
	v10 =	vld [tilespmem:s10+$0x15100]  }
0x105: {  	[tilespmem:s10+$0x1A0C0] =	vst v6;
	v6 =	vmax.f32 v11, $0.0e+00;
	v11 =	vadd.f32 v13, v20;
	v19 =	vld [tilespmem:s10+$0x15140]  }
.Ltmp8:
0x106: {  	[tilespmem:s10+$0x1A090] =	vst v6;
	v8 =	vmax.f32 v8, $0.0e+00;
	v12 =	vadd.f32 v14, v12;
	v6 =	vld [tilespmem:s10+$0x15110];
	(pc) =	sbr.rel @p1 .LBB2_14-.Ltmp8, $4  }
0x107: {  	[tilespmem:s10+$0x1A0D0] =	vst v8;
	v8 =	vmax.f32 v11, $0.0e+00;
	v11 =	vadd.f32 v15, v7;
	v7 =	vld [tilespmem:s10+$0x15150]  }
0x108: {  	[tilespmem:s10+$0x1A0A0] =	vst v8;
	v12 =	vmax.f32 v12, $0.0e+00;
	v13 =	vadd.f32 v9, v16;
	v8 =	vld [tilespmem:s10+$0x15120]  }
0x109: {  	[tilespmem:s10+$0x1A0E0] =	vst v12;
	v12 =	vmax.f32 v11, $0.0e+00;
	v11 =	vadd.f32 v17, v10;
	v9 =	vld [tilespmem:s10+$0x15160]  }
0x10a: {  	s14 =	sshra.s32 s19, $0x2;
	s19 =	sadd.s32 $0x400, s19;
	[tilespmem:s10+$0x1A0B0] =	vst v12;
	v13 =	vmax.f32 v13, $0.0e+00;
	v12 =	vadd.f32 v18, v19;
	v10 =	vld [tilespmem:s10+$0x15130]  }
0x10b: {  	v14 =	vld [tilespmem:s14+$0x17930];
	[tilespmem:s10+$0x1A0F0] =	vst v13;
	v11 =	vmax.f32 v11, $0.0e+00;
	v5 =	vadd.f32 v5, v6  }
0x10c: {  	v13 =	vld [tilespmem:s14+$0x15170];
	[tilespmem:s10+$0x1A100] =	vst v11;
	v36 =	vmax.f32 v12, $0.0e+00;
	v4 =	vadd.f32 v4, v7  }
0x10d: {  	v11 =	vld [tilespmem:s14+$0x17880];
	[tilespmem:s10+$0x1A140] =	vst v36;
	v5 =	vmax.f32 v5, $0.0e+00;
	v3 =	vadd.f32 v3, v8  }
0x10e: {  	v6 =	vld [tilespmem:s14+$0x17890];
	[tilespmem:s10+$0x1A110] =	vst v5;
	v4 =	vmax.f32 v4, $0.0e+00;
	v2 =	vadd.f32 v2, v9  }
0x10f: {  	v5 =	vld [tilespmem:s14+$0x178A0];
	[tilespmem:s10+$0x1A150] =	vst v4;
	v3 =	vmax.f32 v3, $0.0e+00  }
0x110: {  	v4 =	vld [tilespmem:s14+$0x178B0];
	[tilespmem:s10+$0x1A120] =	vst v3;
	v2 =	vmax.f32 v2, $0.0e+00  }
0x111: {  	v1 =	vadd.f32 v1, v10;
	v3 =	vld [tilespmem:s14+$0x17900];
	[tilespmem:s10+$0x1A160] =	vst v2;
	v2 =	vand.u32 $0xFFFF0000, v14  }
0x112: {  	v2 =	vadd.f32 v2, v13  }
0x113: {  	v1 =	vmax.f32 v1, $0.0e+00  }
0x114: {  	v37 =	vld [tilespmem:s14+$0x17910];
	[tilespmem:s10+$0x1A130] =	vst v1;
	v2 =	vmax.f32 v2, $0.0e+00  }
0x115: {  	[tilespmem:s14+$0x1A170] =	vst v2;
	v2 =	vld [tilespmem:s14+$0x150C0]  }
0x116: {  	v38 =	vld [tilespmem:s14+$0x15080]  }
0x117: {  	v39 =	vld [tilespmem:s14+$0x15090]  }
0x118: {  	v40 =	vld [tilespmem:s14+$0x150D0]  }
0x119: {  	v41 =	vshll.u32 v11, $0x10;
	v11 =	vand.u32 $0xFFFF0000, v11;
	v42 =	vld [tilespmem:s14+$0x150A0]  }
0x11a: {  	v43 =	vld [tilespmem:s14+$0x150E0];
	v2 =	vadd.f32 v11, v2  }
0x11b: {  	v44 =	vld [tilespmem:s14+$0x150F0];
	v16 =	vshll.u32 v6, $0x10  }
0x11c: {  	v1 =	vld [tilespmem:s14+$0x17920];
	v6 =	vand.u32 $0xFFFF0000, v6;
	v8 =	vadd.f32 v41, v38;
	v2 =	vmax.f32 v2, $0.0e+00  }
0x11d: {  	v57 =	vld [tilespmem:s14+$0x15160];
	v49 =	vshll.u32 v5, $0x10;
	v5 =	vand.u32 $0xFFFF0000, v5;
	[tilespmem:s14+$0x1A0C0] =	vst v2;
	v2 =	vadd.f32 v6, v40  }
0x11e: {  	v15 =	vld [tilespmem:s14+$0x150B0];
	v54 =	vshll.u32 v4, $0x10;
	v45 =	vadd.f32 v16, v39;
	v8 =	vmax.f32 v8, $0.0e+00  }
0x11f: {  	v46 =	vld [tilespmem:s14+$0x15100];
	v4 =	vand.u32 $0xFFFF0000, v4;
	v50 =	vadd.f32 v49, v42;
	[tilespmem:s14+$0x1A080] =	vst v8;
	v2 =	vmax.f32 v2, $0.0e+00  }
0x120: {  	v48 =	vld [tilespmem:s14+$0x15140];
	v4 =	vadd.f32 v4, v44;
	v47 =	vmax.f32 v45, $0.0e+00;
	[tilespmem:s14+$0x1A0D0] =	vst v2;
	v2 =	vadd.f32 v5, v43  }
0x121: {  	v51 =	vld [tilespmem:s14+$0x15110];
	v61 =	vshll.u32 v1, $0x10;
	v1 =	vand.u32 $0xFFFF0000, v1;
	v52 =	vmax.f32 v50, $0.0e+00;
	[tilespmem:s14+$0x1A090] =	vst v47  }
0x122: {  	v53 =	vld [tilespmem:s14+$0x15150];
	v1 =	vadd.f32 v1, v57;
	[tilespmem:s14+$0x1A0A0] =	vst v52;
	v2 =	vmax.f32 v2, $0.0e+00  }
0x123: {  	v56 =	vld [tilespmem:s14+$0x15120];
	v55 =	vadd.f32 v54, v15;
	v4 =	vmax.f32 v4, $0.0e+00;
	[tilespmem:s14+$0x1A0E0] =	vst v2;
	v2 =	vshll.u32 v3, $0x10  }
0x124: {  	v59 =	vld [tilespmem:s14+$0x15130];
	[tilespmem:s14+$0x1A0F0] =	vst v4;
	v1 =	vmax.f32 v1, $0.0e+00;
	v3 =	vand.u32 $0xFFFF0000, v3;
	v2 =	vadd.f32 v2, v46  }
0x125: {  	v58 =	vshll.u32 v37, $0x10;
	[tilespmem:s14+$0x1A160] =	vst v1;
	v5 =	vmax.f32 v55, $0.0e+00;
	v3 =	vadd.f32 v3, v48  }
0x126: {  	v7 =	vand.u32 $0xFFFF0000, v37;
	v60 =	vadd.f32 v58, v51;
	[tilespmem:s14+$0x1A0B0] =	vst v5;
	v2 =	vmax.f32 v2, $0.0e+00  }
0x127: {  	s16 =	sadd.s32 $0x1, s16;
	[tilespmem:s14+$0x1A100] =	vst v2;
	v2 =	vmax.f32 v3, $0.0e+00;
	v3 =	vadd.f32 v7, v53  }
0x128: {  	p1 =	sne.s32 s16, $0x7D;
	v63 =	vshll.u32 v14, $0x10;
	v62 =	vadd.f32 v61, v56;
	[tilespmem:s14+$0x1A140] =	vst v2;
	v2 =	vmax.f32 v60, $0.0e+00  }
.Ltmp9:
0x129: {  	[tilespmem:s14+$0x1A110] =	vst v2;
	v2 =	vmax.f32 v3, $0.0e+00;
	v3 =	vadd.f32 v63, v59;
	(pc) =	sbr.rel @p1 .LBB2_6-.Ltmp9, $4  }
0x12a: {  	s9 =	sshll.u32 s17, $0x8;
	[tilespmem:s14+$0x1A150] =	vst v2;
	v2 =	vmax.f32 v62, $0.0e+00  }
0x12b: {  	s9 =	sand.u32 $0x300, s9;
	[tilespmem:s14+$0x1A120] =	vst v2;
	v1 =	vmax.f32 v3, $0.0e+00  }
0x12c: {  	s9 =	sadd.s32 $0x13900, s9;
	[tilespmem:s14+$0x1A130] =	vst v1  }
0x12d: {  	[spmem:s4] =	stream.indirect.scatter.add.f32 [tilespmem:s24], [sflag:$0xA], $0x80, s9, s2, $0xb8;
	[tilespmem:$0x1B480] =	vst v63  }
0x12e: {  	s9 =	simm.s32 $0x9  }
0x12f: {  	_ =	swait.ge [sflag:s9], $0x1400  }
0x130: {  	[sflag:s9] =	ssyncset.done $0x0  }
0x131: {  	[sflag:s9] =	ssyncadd.s32 $0xFFFFEC00  }
0x132: {  	_ =	swait.ge [sflag:s11], $0x1400  }
0x133: {  	[sflag:s11] =	ssyncset.done $0x0  }
0x134: {  	[sflag:s11] =	ssyncadd.s32 $0xFFFFEC00  }
0x135: {  	[bflag:$0x0] =	sbarrier.arrive $0xFFFF  }
0x136: {  	s19 =	stileid.u32;
	s17 =	rddreg [dreg:$0xe]  }
.Ltmp10:
0x137: {  	s9 =	sshll.u32 s19, $0x6;
	s10 =	sshrl.u32 s17, $0x3;
	(pc) =	sbr.rel @!p0 .LBB2_18-.Ltmp10, $4  }
0x138: {  	s14 =	sshrl.u32 s20, $0x3;
	s16 =	sadd.s32 s8, s10;
	s10 =	sor.u32 $0x1C0B, s9  }
0x139: {  	[hbm:s16], [sflag:s10] =	dma.local [spmem:s14], $0x280  }
0x13a: {  	s21 =	rddreg [dreg:$0x5]  }
0x13b: {  	s16 =	sadd.s32 $0x1400, s17;
	s17 =	smov.u32 s20;
	s14 =	sadd.s32 $0xFFFFFFFF, s21  }
.LBB2_17:
0x13c: {  	_ =	swait.ge [sflag:s23], $0x280  }
0x13d: {  	s17 =	sadd.s32 $0x1400, s17;
	s9 =	sshrl.u32 s16, $0x3;
	p0 =	sne.s32 s14, $0x1  }
.Ltmp11:
0x13e: {  	s19 =	sshrl.u32 s17, $0x3;
	[sflag:s23] =	ssyncset.done $0x0;
	(pc) =	sbr.rel @p0 .LBB2_17-.Ltmp11, $4  }
0x13f: {  	s9 =	sadd.s32 s8, s9;
	[sflag:s23] =	ssyncadd.s32 $0xFFFFFD80  }
0x140: {  	[hbm:s9], [sflag:s10] =	dma.local [spmem:s19], $0x280  }
0x141: {  	s14 =	sadd.s32 $0xFFFFFFFF, s14  }
0x142: {  	s16 =	sadd.s32 $0x1400, s16  }
.LBB2_18:
0x143: {  	_ =	swait.ge [sflag:s23], $0x280  }
0x144: {  	s15 =	sadd.s32 $0x1, s15;
	s9 =	rddreg [dreg:$0xd]  }
0x145: {  	p0 =	sne.s32 s15, s9  }
.Ltmp12:
0x146: {  	_ = 	snop;
	(pc) =	sbr.rel @p0 .LBB2_1-.Ltmp12, $3  }
0x147: {  	_ =	sdelay $0x1  }
0x148: {  	[sflag:s23] =	ssyncset.done $0x0  }
0x149: {  	[sflag:s23] =	ssyncadd.s32 $0xFFFFFD80  }
0x14a: {  	_ =	sfence.sel $0x180000  }
0x14b: {  	[bflag:$0x0] =	sbarrier.arrive $0xFFFF  }
0x14c: {  	_ =	strace $0x90000047  }
0x14d: {  	s0 =	stileid.u32;
	[bflag:$0x2] =	sbarrier.arrive $0xFFFF  }
0x14e: {  	p0 =	sne.s32 s0, $0x0;
	s0 =	rddreg [dreg:$0x4]  }
0x14f: {  	s0 =	sadd.s32 @!p0 $0x100000, s0  }
0x150: {  	[sflag:s0] =	ssyncadd.tile.s32 @!p0 $0x1;
	_ =	shalt  }
.Lfunc_end2:
_tile_overlayer_lowered:
.L_overlay_start_2:
0x151: {  	(tag) =	ssettag $0x2  }
0x152: {  	s0 =	rddreg [dreg:$0x0];
	s2 =	stileid.u32  }
0x153: {  	s1 =	rddreg [dreg:$0x1];
	p0 =	sne.s32 s2, $0x0  }
0x154: {  	s3 =	rddreg [dreg:$0x2];
	[bflag:$0x3] =	sbarrier.arrive $0xFFFF;
	s2 =	simm.s32 @!p0 $0x1C0B  }
0x155: {  	[timem:s3], [sflag:s2] =	dma.local @!p0 [hbm:s0], s1  }
0x156: {  	s0 =	simm.s32 @!p0 $0xB  }
0x157: {  	_ =	swait.ge @!p0 [sflag:s0], s1  }
0x158: {  	s1 =	ssub.s32 @!p0 $0x0, s1;
	[sflag:s0] =	ssyncset.done @!p0 $0x0  }
0x159: {  	[sflag:s0] =	ssyncadd.s32 @!p0 s1  }
0x15a: {  	[bflag:$0x3] =	sbarrier.arrive $0xFFFF  }
0x15b: {  	_ =	shalt  }

</sc_bundles>
